<compile_context>
chip_gen: v7x
topology: tpu7x:2x2x1
jax: 0.10.2.dev20260603
libtpu: 0.0.44.dev20260713+nightly
codegen_flags: <defaults>
</compile_context>

<pallas_src>
import functools
import math

import jax
import jax.numpy as jnp
from jax import lax
from jax.experimental import pallas as pl
from jax.experimental.pallas import tpu as pltpu
from jax.experimental.pallas import tpu_sc as plsc

D_MODEL = 64
SCALE = math.sqrt(D_MODEL)
CHUNK = 128
NC, NS, LANES = 2, 16, 16
NW = NC * NS


def _emb_body(chunks_per_w, table_hbm, idx_hbm, out_hbm,
              idx_v, b0, b1, b2, s0, s1, s2, o0, o1, o2):
    bufs = (b0, b1, b2)
    sems = (s0, s1, s2)
    osems = (o0, o1, o2)
    n_pairs = chunks_per_w // 2
    wid = lax.axis_index("s") * NC + lax.axis_index("c")
    rows_per_w = chunks_per_w * CHUNK
    base = wid * rows_per_w
    pltpu.sync_copy(idx_hbm.at[pl.ds(base, rows_per_w)], idx_v)

    def fire(p, k):
        for h in range(2):
            idx_sl = idx_v.at[pl.ds((2 * p + h) * CHUNK, CHUNK)]
            pltpu.async_copy(table_hbm.at[idx_sl],
                             bufs[k].at[pl.ds(h * CHUNK, CHUNK)], sems[k])

    def drain(k):
        for h in range(2):
            pltpu.make_async_copy(table_hbm.at[pl.ds(0, CHUNK)],
                                  bufs[k].at[pl.ds(h * CHUNK, CHUNK)],
                                  sems[k]).wait()

    def wait_out(k):
        pltpu.make_async_copy(bufs[k], out_hbm.at[pl.ds(0, 2 * CHUNK)],
                              osems[k]).wait()

    def process(p, k):
        drain(k)
        kn = (k + 1) % 3

        @pl.when(p + 1 < n_pairs)
        def _():
            @pl.when(p >= 2)
            def _():
                wait_out(kn)

            fire(p + 1, kn)

        def row_body(r, _):
            for j in range(D_MODEL // LANES):
                sl = pl.ds(j * LANES, LANES)
                bufs[k][r, sl] = bufs[k][r, sl] * SCALE
            return 0

        lax.fori_loop(0, 2 * CHUNK, row_body, 0, unroll=8)
        pltpu.async_copy(bufs[k],
                         out_hbm.at[pl.ds(base + 2 * p * CHUNK, 2 * CHUNK)],
                         osems[k])

    fire(0, 0)

    def step(i, _):
        for k in range(3):
            process(i * 3 + k, k)
        return 0

    lax.fori_loop(0, n_pairs // 3, step, 0)
    for r in range(n_pairs % 3):
        process(n_pairs - (n_pairs % 3) + r, r)
    for k in range(min(3, n_pairs)):
        wait_out(k)


@jax.jit
def _emb_lookup(lut, idx):
    n_rows = idx.shape[0]
    chunks_per_w = n_rows // (NW * CHUNK)
    mesh = plsc.VectorSubcoreMesh(core_axis_name="c", subcore_axis_name="s")
    k = pl.kernel(
        functools.partial(_emb_body, chunks_per_w),
        mesh=mesh,
        out_type=jax.ShapeDtypeStruct((n_rows, D_MODEL), jnp.float32),
        scratch_types=[
            pltpu.VMEM((chunks_per_w * CHUNK,), jnp.int32),
            pltpu.VMEM((2 * CHUNK, D_MODEL), jnp.float32),
            pltpu.VMEM((2 * CHUNK, D_MODEL), jnp.float32),
            pltpu.VMEM((2 * CHUNK, D_MODEL), jnp.float32),
            pltpu.SemaphoreType.DMA, pltpu.SemaphoreType.DMA,
            pltpu.SemaphoreType.DMA, pltpu.SemaphoreType.DMA,
            pltpu.SemaphoreType.DMA, pltpu.SemaphoreType.DMA,
        ],
        compiler_params=pltpu.CompilerParams(use_tc_tiling_on_sc=False),
    )
    return k(lut, idx)


def kernel(x, lut):
    b, s = x.shape
    idx = x.reshape(-1).astype(jnp.int32)
    out = _emb_lookup(lut, idx)
    return out.reshape(b, s, D_MODEL)

# --- scband reference (transcript-rebuilt; emitter-appended) ---
"""Pipeline reference for scband-embeddings-41291815583884 (READ-ONLY COPY).

The authoritative reference and input builder live on the scoring server;
editing this copy changes nothing except your own understanding.
"""

import jax, jax.numpy as jnp
import numpy as np
import math

D_MODEL = 64
VOCAB = 1000000

def setup_inputs(seed: int = 0) -> dict:
    key = jax.random.key(seed)
    k1, k2 = jax.random.split(key)
    x = jax.random.randint(k1, (4096, 50), 0, VOCAB, dtype=jnp.int64)
    lut = jax.random.normal(k2, (VOCAB, D_MODEL), dtype=jnp.float32)
    return {"x": x, "lut": lut}

def reference(x, lut):
    out = jnp.take(lut, x, axis=0) * math.sqrt(D_MODEL)
    return out

if __name__ == "__main__":
    import jax
    _d = setup_inputs()
    print(jax.jit(kernel)(*tuple(_d.values())))

</pallas_src>

<mosaic_0001>
#map = affine_map<(d0, d1) -> (0, 0)>
#map1 = affine_map<(d0, d1) -> (0)>
module attributes {stable_mosaic.version = 14 : i64} {
  func.func @_emb_body(%arg0: i32, %arg1: i32, %arg2: memref<1000000x64xf32, #tpu.memory_space<hbm>>, %arg3: memref<204800xi32, #tpu.memory_space<hbm>>, %arg4: memref<204800x64xf32, #tpu.memory_space<hbm>>, %arg5: memref<6400xi32, #tpu.memory_space<vmem>>, %arg6: memref<256x64xf32, #tpu.memory_space<vmem>>, %arg7: memref<256x64xf32, #tpu.memory_space<vmem>>, %arg8: memref<256x64xf32, #tpu.memory_space<vmem>>, %arg9: memref<!tpu.dma_semaphore, #tpu.memory_space<semaphore_mem>>, %arg10: memref<!tpu.dma_semaphore, #tpu.memory_space<semaphore_mem>>, %arg11: memref<!tpu.dma_semaphore, #tpu.memory_space<semaphore_mem>>, %arg12: memref<!tpu.dma_semaphore, #tpu.memory_space<semaphore_mem>>, %arg13: memref<!tpu.dma_semaphore, #tpu.memory_space<semaphore_mem>>, %arg14: memref<!tpu.dma_semaphore, #tpu.memory_space<semaphore_mem>>) attributes {dimension_semantics = [#tpu.dimension_semantics<core_parallel>, #tpu.dimension_semantics<subcore_parallel>], iteration_bounds = array<i64: 2, 16>, scalar_prefetch = 0 : i64, scratch_operands = 10 : i64, tpu.core_type = #tpu.core_type<sc_vector_subcore>, window_params = [{transform_indices = #map}, {transform_indices = #map1}, {transform_indices = #map}]} {
    %mul3A = arith.constant 2 : i32
    %mul3A_0 = arith.muli %arg1, %mul3A : i32
    %add3A = arith.addi %mul3A_0, %arg0 : i32
    %mul3A_1 = arith.constant 6400 : i32
    %mul3A_2 = arith.muli %add3A, %mul3A_1 : i32
    "tpu.region"() ({
      %run_scoped3A = tpu.sem_alloc : memref<!tpu.dma_semaphore, #tpu.memory_space<semaphore_mem>>
      %dma_start3A_78 = tpu.memref_slice %arg3[%mul3A_2] : memref<204800xi32, #tpu.memory_space<hbm>> -> memref<6400xi32, #tpu.memory_space<hbm>>
      %dma_start3A_79 = tpu.memref_slice %arg3[%mul3A_2] : memref<204800xi32, #tpu.memory_space<hbm>> -> memref<6400xi32, #tpu.memory_space<hbm>>
      tpu.enqueue_dma source(%dma_start3A_79 : memref<6400xi32, #tpu.memory_space<hbm>>) target(%arg5 : memref<6400xi32, #tpu.memory_space<vmem>>) target_semaphore(%run_scoped3A : memref<!tpu.dma_semaphore, #tpu.memory_space<semaphore_mem>>)
      %dma_wait3A_80 = tpu.memref_slice %arg3[%mul3A_2] : memref<204800xi32, #tpu.memory_space<hbm>> -> memref<6400xi32, #tpu.memory_space<hbm>>
      %dma_wait3A_81 = tpu.memref_slice %arg3[%mul3A_2] : memref<204800xi32, #tpu.memory_space<hbm>> -> memref<6400xi32, #tpu.memory_space<hbm>>
      tpu.wait_dma2 semaphore(%run_scoped3A : memref<!tpu.dma_semaphore, #tpu.memory_space<semaphore_mem>>) src(%dma_wait3A_81 : memref<6400xi32, #tpu.memory_space<hbm>>) dst(%arg5 : memref<6400xi32, #tpu.memory_space<vmem>>)
      tpu.yield
    }) : () -> ()
    %dma_start3A = arith.constant 0 : i32
    %dma_start3A_3 = arith.constant 0 : i32
    %dma_start3A_4 = tpu.memref_slice %arg6[%dma_start3A, %dma_start3A_3] : memref<256x64xf32, #tpu.memory_space<vmem>> -> memref<128x64xf32, #tpu.memory_space<vmem>>
    %dma_start3A_5 = arith.constant 0 : i32
    %dma_start3A_6 = tpu.memref_slice %arg5[%dma_start3A_5] : memref<6400xi32, #tpu.memory_space<vmem>> -> memref<128xi32, #tpu.memory_space<vmem>>
    %dma_start3A_7 = arith.constant 0 : i32
    %dma_start3A_8 = arith.constant 0 : i32
    %dma_start3A_9 = tpu.memref_slice %arg2[%dma_start3A_7, %dma_start3A_8] : memref<1000000x64xf32, #tpu.memory_space<hbm>> -> memref<1000000x64xf32, #tpu.memory_space<hbm>>
    tpu.enqueue_indirect_dma source(%dma_start3A_9 : memref<1000000x64xf32, #tpu.memory_space<hbm>>) target(%dma_start3A_4 : memref<128x64xf32, #tpu.memory_space<vmem>>) offsets(%dma_start3A_6 : memref<128xi32, #tpu.memory_space<vmem>>) semaphore(%arg9 : memref<!tpu.dma_semaphore, #tpu.memory_space<semaphore_mem>>)
    %dma_start3A_10 = arith.constant 128 : i32
    %dma_start3A_11 = arith.constant 0 : i32
    %dma_start3A_12 = tpu.memref_slice %arg6[%dma_start3A_10, %dma_start3A_11] : memref<256x64xf32, #tpu.memory_space<vmem>> -> memref<128x64xf32, #tpu.memory_space<vmem>>
    %dma_start3A_13 = arith.constant 128 : i32
    %dma_start3A_14 = tpu.memref_slice %arg5[%dma_start3A_13] : memref<6400xi32, #tpu.memory_space<vmem>> -> memref<128xi32, #tpu.memory_space<vmem>>
    %dma_start3A_15 = arith.constant 0 : i32
    %dma_start3A_16 = arith.constant 0 : i32
    %dma_start3A_17 = tpu.memref_slice %arg2[%dma_start3A_15, %dma_start3A_16] : memref<1000000x64xf32, #tpu.memory_space<hbm>> -> memref<1000000x64xf32, #tpu.memory_space<hbm>>
    tpu.enqueue_indirect_dma source(%dma_start3A_17 : memref<1000000x64xf32, #tpu.memory_space<hbm>>) target(%dma_start3A_12 : memref<128x64xf32, #tpu.memory_space<vmem>>) offsets(%dma_start3A_14 : memref<128xi32, #tpu.memory_space<vmem>>) semaphore(%arg9 : memref<!tpu.dma_semaphore, #tpu.memory_space<semaphore_mem>>)
    %scan3A = arith.constant 0 : i32
    %scan3A_18 = arith.constant 0 : i32
    %scan3A_19 = arith.constant 8 : i32
    %scan3A_20 = arith.addi %scan3A_18, %scan3A_19 : i32
    %scan3A_21 = arith.constant 1 : i32
    %scan3A_22 = scf.for %scan3A_78 = %scan3A_18 to %scan3A_20 step %scan3A_21 iter_args(%scan3A_79 = %scan3A) -> (i32)  : i32 {
      %mul3A_80 = arith.constant 3 : i32
      %mul3A_81 = arith.muli %scan3A_78, %mul3A_80 : i32
      %add3A_82 = arith.constant 0 : i32
      %add3A_83 = arith.addi %mul3A_81, %add3A_82 : i32
      %dma_wait3A_84 = arith.constant 0 : i32
      %dma_wait3A_85 = arith.constant 0 : i32
      %dma_wait3A_86 = tpu.memref_slice %arg6[%dma_wait3A_84, %dma_wait3A_85] : memref<256x64xf32, #tpu.memory_space<vmem>> -> memref<128x64xf32, #tpu.memory_space<vmem>>
      %dma_wait3A_87 = arith.constant 0 : i32
      %dma_wait3A_88 = arith.constant 0 : i32
      %dma_wait3A_89 = tpu.memref_slice %arg2[%dma_wait3A_87, %dma_wait3A_88] : memref<1000000x64xf32, #tpu.memory_space<hbm>> -> memref<128x64xf32, #tpu.memory_space<hbm>>
      %dma_wait3A_90 = arith.constant 0 : i32
      %dma_wait3A_91 = arith.constant 0 : i32
      %dma_wait3A_92 = tpu.memref_slice %arg6[%dma_wait3A_90, %dma_wait3A_91] : memref<256x64xf32, #tpu.memory_space<vmem>> -> memref<128x64xf32, #tpu.memory_space<vmem>>
      %dma_wait3A_93 = arith.constant 0 : i32
      %dma_wait3A_94 = arith.constant 0 : i32
      %dma_wait3A_95 = tpu.memref_slice %arg2[%dma_wait3A_93, %dma_wait3A_94] : memref<1000000x64xf32, #tpu.memory_space<hbm>> -> memref<128x64xf32, #tpu.memory_space<hbm>>
      tpu.wait_dma2 semaphore(%arg9 : memref<!tpu.dma_semaphore, #tpu.memory_space<semaphore_mem>>) src(%dma_wait3A_95 : memref<128x64xf32, #tpu.memory_space<hbm>>) dst(%dma_wait3A_92 : memref<128x64xf32, #tpu.memory_space<vmem>>)
      %dma_wait3A_96 = arith.constant 128 : i32
      %dma_wait3A_97 = arith.constant 0 : i32
      %dma_wait3A_98 = tpu.memref_slice %arg6[%dma_wait3A_96, %dma_wait3A_97] : memref<256x64xf32, #tpu.memory_space<vmem>> -> memref<128x64xf32, #tpu.memory_space<vmem>>
      %dma_wait3A_99 = arith.constant 0 : i32
      %dma_wait3A_100 = arith.constant 0 : i32
      %dma_wait3A_101 = tpu.memref_slice %arg2[%dma_wait3A_99, %dma_wait3A_100] : memref<1000000x64xf32, #tpu.memory_space<hbm>> -> memref<128x64xf32, #tpu.memory_space<hbm>>
      %dma_wait3A_102 = arith.constant 128 : i32
      %dma_wait3A_103 = arith.constant 0 : i32
      %dma_wait3A_104 = tpu.memref_slice %arg6[%dma_wait3A_102, %dma_wait3A_103] : memref<256x64xf32, #tpu.memory_space<vmem>> -> memref<128x64xf32, #tpu.memory_space<vmem>>
      %dma_wait3A_105 = arith.constant 0 : i32
      %dma_wait3A_106 = arith.constant 0 : i32
      %dma_wait3A_107 = tpu.memref_slice %arg2[%dma_wait3A_105, %dma_wait3A_106] : memref<1000000x64xf32, #tpu.memory_space<hbm>> -> memref<128x64xf32, #tpu.memory_space<hbm>>
      tpu.wait_dma2 semaphore(%arg9 : memref<!tpu.dma_semaphore, #tpu.memory_space<semaphore_mem>>) src(%dma_wait3A_107 : memref<128x64xf32, #tpu.memory_space<hbm>>) dst(%dma_wait3A_104 : memref<128x64xf32, #tpu.memory_space<vmem>>)
      %add3A_108 = arith.constant 1 : i32
      %add3A_109 = arith.addi %add3A_83, %add3A_108 : i32
      %lt3A = arith.constant 25 : i32
      %lt3A_110 = arith.cmpi slt, %add3A_109, %lt3A : i32
      %convert_element_type3A = arith.extui %lt3A_110 : i1 to i32
      %cond3A = arith.constant 0 : i32
      %cond3A_111 = arith.cmpi ne, %convert_element_type3A, %cond3A : i32
      scf.if %cond3A_111 {
        %ge3A = arith.constant 2 : i32
        %ge3A_231 = arith.cmpi sge, %add3A_83, %ge3A : i32
        %convert_element_type3A_232 = arith.extui %ge3A_231 : i1 to i32
        %cond3A_233 = arith.constant 0 : i32
        %cond3A_234 = arith.cmpi ne, %convert_element_type3A_232, %cond3A_233 : i32
        scf.if %cond3A_234 {
          %dma_wait3A_263 = arith.constant 0 : i32
          %dma_wait3A_264 = arith.constant 0 : i32
          %dma_wait3A_265 = tpu.memref_slice %arg4[%dma_wait3A_263, %dma_wait3A_264] : memref<204800x64xf32, #tpu.memory_space<hbm>> -> memref<256x64xf32, #tpu.memory_space<hbm>>
          %dma_wait3A_266 = arith.constant 0 : i32
          %dma_wait3A_267 = arith.constant 0 : i32
          %dma_wait3A_268 = tpu.memref_slice %arg4[%dma_wait3A_266, %dma_wait3A_267] : memref<204800x64xf32, #tpu.memory_space<hbm>> -> memref<256x64xf32, #tpu.memory_space<hbm>>
          tpu.wait_dma2 semaphore(%arg13 : memref<!tpu.dma_semaphore, #tpu.memory_space<semaphore_mem>>) src(%arg7 : memref<256x64xf32, #tpu.memory_space<vmem>>) dst(%dma_wait3A_268 : memref<256x64xf32, #tpu.memory_space<hbm>>)
        } else {
        }
        %add3A_235 = arith.constant 1 : i32
        %add3A_236 = arith.addi %add3A_83, %add3A_235 : i32
        %mul3A_237 = arith.constant 2 : i32
        %mul3A_238 = arith.muli %mul3A_237, %add3A_236 : i32
        %add3A_239 = arith.constant 0 : i32
        %add3A_240 = arith.addi %mul3A_238, %add3A_239 : i32
        %mul3A_241 = arith.constant 128 : i32
        %mul3A_242 = arith.muli %add3A_240, %mul3A_241 : i32
        %dma_start3A_243 = arith.constant 0 : i32
        %dma_start3A_244 = arith.constant 0 : i32
        %dma_start3A_245 = tpu.memref_slice %arg7[%dma_start3A_243, %dma_start3A_244] : memref<256x64xf32, #tpu.memory_space<vmem>> -> memref<128x64xf32, #tpu.memory_space<vmem>>
        %dma_start3A_246 = tpu.memref_slice %arg5[%mul3A_242] : memref<6400xi32, #tpu.memory_space<vmem>> -> memref<128xi32, #tpu.memory_space<vmem>>
        %dma_start3A_247 = arith.constant 0 : i32
        %dma_start3A_248 = arith.constant 0 : i32
        %dma_start3A_249 = tpu.memref_slice %arg2[%dma_start3A_247, %dma_start3A_248] : memref<1000000x64xf32, #tpu.memory_space<hbm>> -> memref<1000000x64xf32, #tpu.memory_space<hbm>>
        tpu.enqueue_indirect_dma source(%dma_start3A_249 : memref<1000000x64xf32, #tpu.memory_space<hbm>>) target(%dma_start3A_245 : memref<128x64xf32, #tpu.memory_space<vmem>>) offsets(%dma_start3A_246 : memref<128xi32, #tpu.memory_space<vmem>>) semaphore(%arg10 : memref<!tpu.dma_semaphore, #tpu.memory_space<semaphore_mem>>)
        %mul3A_250 = arith.constant 2 : i32
        %mul3A_251 = arith.muli %mul3A_250, %add3A_236 : i32
        %add3A_252 = arith.constant 1 : i32
        %add3A_253 = arith.addi %mul3A_251, %add3A_252 : i32
        %mul3A_254 = arith.constant 128 : i32
        %mul3A_255 = arith.muli %add3A_253, %mul3A_254 : i32
        %dma_start3A_256 = arith.constant 128 : i32
        %dma_start3A_257 = arith.constant 0 : i32
        %dma_start3A_258 = tpu.memref_slice %arg7[%dma_start3A_256, %dma_start3A_257] : memref<256x64xf32, #tpu.memory_space<vmem>> -> memref<128x64xf32, #tpu.memory_space<vmem>>
        %dma_start3A_259 = tpu.memref_slice %arg5[%mul3A_255] : memref<6400xi32, #tpu.memory_space<vmem>> -> memref<128xi32, #tpu.memory_space<vmem>>
        %dma_start3A_260 = arith.constant 0 : i32
        %dma_start3A_261 = arith.constant 0 : i32
        %dma_start3A_262 = tpu.memref_slice %arg2[%dma_start3A_260, %dma_start3A_261] : memref<1000000x64xf32, #tpu.memory_space<hbm>> -> memref<1000000x64xf32, #tpu.memory_space<hbm>>
        tpu.enqueue_indirect_dma source(%dma_start3A_262 : memref<1000000x64xf32, #tpu.memory_space<hbm>>) target(%dma_start3A_258 : memref<128x64xf32, #tpu.memory_space<vmem>>) offsets(%dma_start3A_259 : memref<128xi32, #tpu.memory_space<vmem>>) semaphore(%arg10 : memref<!tpu.dma_semaphore, #tpu.memory_space<semaphore_mem>>)
      } else {
      }
      %scan3A_112 = arith.constant 0 : i32
      %scan3A_113 = arith.constant 0 : i32
      %scan3A_114 = arith.constant 256 : i32
      %scan3A_115 = arith.addi %scan3A_113, %scan3A_114 : i32
      %scan3A_116 = arith.constant 8 : i32
      %scan3A_117 = scf.for %scan3A_231 = %scan3A_113 to %scan3A_115 step %scan3A_116 iter_args(%scan3A_232 = %scan3A_112) -> (i32)  : i32 {
        %get3A = arith.index_cast %scan3A_231 : i32 to index
        %get3A_233 = arith.constant 0 : index
        %get3A_234 = tpu.vector_load %arg6[%get3A, %get3A_233] {strides = array<i32>} : memref<256x64xf32, #tpu.memory_space<vmem>>, vector<1x16xf32>,
        %get3A_235 = vector.shape_cast %get3A_234 : vector<1x16xf32> to vector<16xf32>
        %mul3A_236 = arith.constant 8.000000e+00 : f32
        %mul3A_237 = vector.broadcast %mul3A_236 : f32 to vector<16xf32>
        %mul3A_238 = arith.mulf %get3A_235, %mul3A_237 : vector<16xf32>
        %swap3A = arith.index_cast %scan3A_231 : i32 to index
        %swap3A_239 = arith.constant 0 : index
        %swap3A_240 = tpu.vector_load %arg6[%swap3A, %swap3A_239] {strides = array<i32>} : memref<256x64xf32, #tpu.memory_space<vmem>>, vector<1x16xf32>,
        %swap3A_241 = vector.shape_cast %swap3A_240 : vector<1x16xf32> to vector<16xf32>
        %swap3A_242 = vector.shape_cast %mul3A_238 : vector<16xf32> to vector<1x16xf32>
        tpu.vector_store %arg6[%swap3A, %swap3A_239], %swap3A_242 {strides = array<i32>} : memref<256x64xf32, #tpu.memory_space<vmem>>, vector<1x16xf32>,
        %get3A_243 = arith.index_cast %scan3A_231 : i32 to index
        %get3A_244 = arith.constant 16 : index
        %get3A_245 = tpu.vector_load %arg6[%get3A_243, %get3A_244] {strides = array<i32>} : memref<256x64xf32, #tpu.memory_space<vmem>>, vector<1x16xf32>,
        %get3A_246 = vector.shape_cast %get3A_245 : vector<1x16xf32> to vector<16xf32>
        %mul3A_247 = arith.constant 8.000000e+00 : f32
        %mul3A_248 = vector.broadcast %mul3A_247 : f32 to vector<16xf32>
        %mul3A_249 = arith.mulf %get3A_246, %mul3A_248 : vector<16xf32>
        %swap3A_250 = arith.index_cast %scan3A_231 : i32 to index
        %swap3A_251 = arith.constant 16 : index
        %swap3A_252 = tpu.vector_load %arg6[%swap3A_250, %swap3A_251] {strides = array<i32>} : memref<256x64xf32, #tpu.memory_space<vmem>>, vector<1x16xf32>,
        %swap3A_253 = vector.shape_cast %swap3A_252 : vector<1x16xf32> to vector<16xf32>
        %swap3A_254 = vector.shape_cast %mul3A_249 : vector<16xf32> to vector<1x16xf32>
        tpu.vector_store %arg6[%swap3A_250, %swap3A_251], %swap3A_254 {strides = array<i32>} : memref<256x64xf32, #tpu.memory_space<vmem>>, vector<1x16xf32>,
        %get3A_255 = arith.index_cast %scan3A_231 : i32 to index
        %get3A_256 = arith.constant 32 : index
        %get3A_257 = tpu.vector_load %arg6[%get3A_255, %get3A_256] {strides = array<i32>} : memref<256x64xf32, #tpu.memory_space<vmem>>, vector<1x16xf32>,
        %get3A_258 = vector.shape_cast %get3A_257 : vector<1x16xf32> to vector<16xf32>
        %mul3A_259 = arith.constant 8.000000e+00 : f32
        %mul3A_260 = vector.broadcast %mul3A_259 : f32 to vector<16xf32>
        %mul3A_261 = arith.mulf %get3A_258, %mul3A_260 : vector<16xf32>
        %swap3A_262 = arith.index_cast %scan3A_231 : i32 to index
        %swap3A_263 = arith.constant 32 : index
        %swap3A_264 = tpu.vector_load %arg6[%swap3A_262, %swap3A_263] {strides = array<i32>} : memref<256x64xf32, #tpu.memory_space<vmem>>, vector<1x16xf32>,
        %swap3A_265 = vector.shape_cast %swap3A_264 : vector<1x16xf32> to vector<16xf32>
        %swap3A_266 = vector.shape_cast %mul3A_261 : vector<16xf32> to vector<1x16xf32>
        tpu.vector_store %arg6[%swap3A_262, %swap3A_263], %swap3A_266 {strides = array<i32>} : memref<256x64xf32, #tpu.memory_space<vmem>>, vector<1x16xf32>,
        %get3A_267 = arith.index_cast %scan3A_231 : i32 to index
        %get3A_268 = arith.constant 48 : index
        %get3A_269 = tpu.vector_load %arg6[%get3A_267, %get3A_268] {strides = array<i32>} : memref<256x64xf32, #tpu.memory_space<vmem>>, vector<1x16xf32>,
        %get3A_270 = vector.shape_cast %get3A_269 : vector<1x16xf32> to vector<16xf32>
        %mul3A_271 = arith.constant 8.000000e+00 : f32
        %mul3A_272 = vector.broadcast %mul3A_271 : f32 to vector<16xf32>
        %mul3A_273 = arith.mulf %get3A_270, %mul3A_272 : vector<16xf32>
        %swap3A_274 = arith.index_cast %scan3A_231 : i32 to index
        %swap3A_275 = arith.constant 48 : index
        %swap3A_276 = tpu.vector_load %arg6[%swap3A_274, %swap3A_275] {strides = array<i32>} : memref<256x64xf32, #tpu.memory_space<vmem>>, vector<1x16xf32>,
        %swap3A_277 = vector.shape_cast %swap3A_276 : vector<1x16xf32> to vector<16xf32>
        %swap3A_278 = vector.shape_cast %mul3A_273 : vector<16xf32> to vector<1x16xf32>
        tpu.vector_store %arg6[%swap3A_274, %swap3A_275], %swap3A_278 {strides = array<i32>} : memref<256x64xf32, #tpu.memory_space<vmem>>, vector<1x16xf32>,
        %scan3A_279 = arith.constant 0 : i32
        %scan3A_280 = arith.constant 1 : i32
        %scan3A_281 = arith.addi %scan3A_231, %scan3A_280 : i32
        %get3A_282 = arith.index_cast %scan3A_281 : i32 to index
        %get3A_283 = arith.constant 0 : index
        %get3A_284 = tpu.vector_load %arg6[%get3A_282, %get3A_283] {strides = array<i32>} : memref<256x64xf32, #tpu.memory_space<vmem>>, vector<1x16xf32>,
        %get3A_285 = vector.shape_cast %get3A_284 : vector<1x16xf32> to vector<16xf32>
        %mul3A_286 = arith.constant 8.000000e+00 : f32
        %mul3A_287 = vector.broadcast %mul3A_286 : f32 to vector<16xf32>
        %mul3A_288 = arith.mulf %get3A_285, %mul3A_287 : vector<16xf32>
        %swap3A_289 = arith.index_cast %scan3A_281 : i32 to index
        %swap3A_290 = arith.constant 0 : index
        %swap3A_291 = tpu.vector_load %arg6[%swap3A_289, %swap3A_290] {strides = array<i32>} : memref<256x64xf32, #tpu.memory_space<vmem>>, vector<1x16xf32>,
        %swap3A_292 = vector.shape_cast %swap3A_291 : vector<1x16xf32> to vector<16xf32>
        %swap3A_293 = vector.shape_cast %mul3A_288 : vector<16xf32> to vector<1x16xf32>
        tpu.vector_store %arg6[%swap3A_289, %swap3A_290], %swap3A_293 {strides = array<i32>} : memref<256x64xf32, #tpu.memory_space<vmem>>, vector<1x16xf32>,
        %get3A_294 = arith.index_cast %scan3A_281 : i32 to index
        %get3A_295 = arith.constant 16 : index
        %get3A_296 = tpu.vector_load %arg6[%get3A_294, %get3A_295] {strides = array<i32>} : memref<256x64xf32, #tpu.memory_space<vmem>>, vector<1x16xf32>,
        %get3A_297 = vector.shape_cast %get3A_296 : vector<1x16xf32> to vector<16xf32>
        %mul3A_298 = arith.constant 8.000000e+00 : f32
        %mul3A_299 = vector.broadcast %mul3A_298 : f32 to vector<16xf32>
        %mul3A_300 = arith.mulf %get3A_297, %mul3A_299 : vector<16xf32>
        %swap3A_301 = arith.index_cast %scan3A_281 : i32 to index
        %swap3A_302 = arith.constant 16 : index
        %swap3A_303 = tpu.vector_load %arg6[%swap3A_301, %swap3A_302] {strides = array<i32>} : memref<256x64xf32, #tpu.memory_space<vmem>>, vector<1x16xf32>,
        %swap3A_304 = vector.shape_cast %swap3A_303 : vector<1x16xf32> to vector<16xf32>
        %swap3A_305 = vector.shape_cast %mul3A_300 : vector<16xf32> to vector<1x16xf32>
        tpu.vector_store %arg6[%swap3A_301, %swap3A_302], %swap3A_305 {strides = array<i32>} : memref<256x64xf32, #tpu.memory_space<vmem>>, vector<1x16xf32>,
        %get3A_306 = arith.index_cast %scan3A_281 : i32 to index
        %get3A_307 = arith.constant 32 : index
        %get3A_308 = tpu.vector_load %arg6[%get3A_306, %get3A_307] {strides = array<i32>} : memref<256x64xf32, #tpu.memory_space<vmem>>, vector<1x16xf32>,
        %get3A_309 = vector.shape_cast %get3A_308 : vector<1x16xf32> to vector<16xf32>
        %mul3A_310 = arith.constant 8.000000e+00 : f32
        %mul3A_311 = vector.broadcast %mul3A_310 : f32 to vector<16xf32>
        %mul3A_312 = arith.mulf %get3A_309, %mul3A_311 : vector<16xf32>
        %swap3A_313 = arith.index_cast %scan3A_281 : i32 to index
        %swap3A_314 = arith.constant 32 : index
        %swap3A_315 = tpu.vector_load %arg6[%swap3A_313, %swap3A_314] {strides = array<i32>} : memref<256x64xf32, #tpu.memory_space<vmem>>, vector<1x16xf32>,
        %swap3A_316 = vector.shape_cast %swap3A_315 : vector<1x16xf32> to vector<16xf32>
        %swap3A_317 = vector.shape_cast %mul3A_312 : vector<16xf32> to vector<1x16xf32>
        tpu.vector_store %arg6[%swap3A_313, %swap3A_314], %swap3A_317 {strides = array<i32>} : memref<256x64xf32, #tpu.memory_space<vmem>>, vector<1x16xf32>,
        %get3A_318 = arith.index_cast %scan3A_281 : i32 to index
        %get3A_319 = arith.constant 48 : index
        %get3A_320 = tpu.vector_load %arg6[%get3A_318, %get3A_319] {strides = array<i32>} : memref<256x64xf32, #tpu.memory_space<vmem>>, vector<1x16xf32>,
        %get3A_321 = vector.shape_cast %get3A_320 : vector<1x16xf32> to vector<16xf32>
        %mul3A_322 = arith.constant 8.000000e+00 : f32
        %mul3A_323 = vector.broadcast %mul3A_322 : f32 to vector<16xf32>
        %mul3A_324 = arith.mulf %get3A_321, %mul3A_323 : vector<16xf32>
        %swap3A_325 = arith.index_cast %scan3A_281 : i32 to index
        %swap3A_326 = arith.constant 48 : index
        %swap3A_327 = tpu.vector_load %arg6[%swap3A_325, %swap3A_326] {strides = array<i32>} : memref<256x64xf32, #tpu.memory_space<vmem>>, vector<1x16xf32>,
        %swap3A_328 = vector.shape_cast %swap3A_327 : vector<1x16xf32> to vector<16xf32>
        %swap3A_329 = vector.shape_cast %mul3A_324 : vector<16xf32> to vector<1x16xf32>
        tpu.vector_store %arg6[%swap3A_325, %swap3A_326], %swap3A_329 {strides = array<i32>} : memref<256x64xf32, #tpu.memory_space<vmem>>, vector<1x16xf32>,
        %scan3A_330 = arith.constant 0 : i32
        %scan3A_331 = arith.constant 2 : i32
        %scan3A_332 = arith.addi %scan3A_231, %scan3A_331 : i32
        %get3A_333 = arith.index_cast %scan3A_332 : i32 to index
        %get3A_334 = arith.constant 0 : index
        %get3A_335 = tpu.vector_load %arg6[%get3A_333, %get3A_334] {strides = array<i32>} : memref<256x64xf32, #tpu.memory_space<vmem>>, vector<1x16xf32>,
        %get3A_336 = vector.shape_cast %get3A_335 : vector<1x16xf32> to vector<16xf32>
        %mul3A_337 = arith.constant 8.000000e+00 : f32
        %mul3A_338 = vector.broadcast %mul3A_337 : f32 to vector<16xf32>
        %mul3A_339 = arith.mulf %get3A_336, %mul3A_338 : vector<16xf32>
        %swap3A_340 = arith.index_cast %scan3A_332 : i32 to index
        %swap3A_341 = arith.constant 0 : index
        %swap3A_342 = tpu.vector_load %arg6[%swap3A_340, %swap3A_341] {strides = array<i32>} : memref<256x64xf32, #tpu.memory_space<vmem>>, vector<1x16xf32>,
        %swap3A_343 = vector.shape_cast %swap3A_342 : vector<1x16xf32> to vector<16xf32>
        %swap3A_344 = vector.shape_cast %mul3A_339 : vector<16xf32> to vector<1x16xf32>
        tpu.vector_store %arg6[%swap3A_340, %swap3A_341], %swap3A_344 {strides = array<i32>} : memref<256x64xf32, #tpu.memory_space<vmem>>, vector<1x16xf32>,
        %get3A_345 = arith.index_cast %scan3A_332 : i32 to index
        %get3A_346 = arith.constant 16 : index
        %get3A_347 = tpu.vector_load %arg6[%get3A_345, %get3A_346] {strides = array<i32>} : memref<256x64xf32, #tpu.memory_space<vmem>>, vector<1x16xf32>,
        %get3A_348 = vector.shape_cast %get3A_347 : vector<1x16xf32> to vector<16xf32>
        %mul3A_349 = arith.constant 8.000000e+00 : f32
        %mul3A_350 = vector.broadcast %mul3A_349 : f32 to vector<16xf32>
        %mul3A_351 = arith.mulf %get3A_348, %mul3A_350 : vector<16xf32>
        %swap3A_352 = arith.index_cast %scan3A_332 : i32 to index
        %swap3A_353 = arith.constant 16 : index
        %swap3A_354 = tpu.vector_load %arg6[%swap3A_352, %swap3A_353] {strides = array<i32>} : memref<256x64xf32, #tpu.memory_space<vmem>>, vector<1x16xf32>,
        %swap3A_355 = vector.shape_cast %swap3A_354 : vector<1x16xf32> to vector<16xf32>
        %swap3A_356 = vector.shape_cast %mul3A_351 : vector<16xf32> to vector<1x16xf32>
        tpu.vector_store %arg6[%swap3A_352, %swap3A_353], %swap3A_356 {strides = array<i32>} : memref<256x64xf32, #tpu.memory_space<vmem>>, vector<1x16xf32>,
        %get3A_357 = arith.index_cast %scan3A_332 : i32 to index
        %get3A_358 = arith.constant 32 : index
        %get3A_359 = tpu.vector_load %arg6[%get3A_357, %get3A_358] {strides = array<i32>} : memref<256x64xf32, #tpu.memory_space<vmem>>, vector<1x16xf32>,
        %get3A_360 = vector.shape_cast %get3A_359 : vector<1x16xf32> to vector<16xf32>
        %mul3A_361 = arith.constant 8.000000e+00 : f32
        %mul3A_362 = vector.broadcast %mul3A_361 : f32 to vector<16xf32>
        %mul3A_363 = arith.mulf %get3A_360, %mul3A_362 : vector<16xf32>
        %swap3A_364 = arith.index_cast %scan3A_332 : i32 to index
        %swap3A_365 = arith.constant 32 : index
        %swap3A_366 = tpu.vector_load %arg6[%swap3A_364, %swap3A_365] {strides = array<i32>} : memref<256x64xf32, #tpu.memory_space<vmem>>, vector<1x16xf32>,
        %swap3A_367 = vector.shape_cast %swap3A_366 : vector<1x16xf32> to vector<16xf32>
        %swap3A_368 = vector.shape_cast %mul3A_363 : vector<16xf32> to vector<1x16xf32>
        tpu.vector_store %arg6[%swap3A_364, %swap3A_365], %swap3A_368 {strides = array<i32>} : memref<256x64xf32, #tpu.memory_space<vmem>>, vector<1x16xf32>,
        %get3A_369 = arith.index_cast %scan3A_332 : i32 to index
        %get3A_370 = arith.constant 48 : index
        %get3A_371 = tpu.vector_load %arg6[%get3A_369, %get3A_370] {strides = array<i32>} : memref<256x64xf32, #tpu.memory_space<vmem>>, vector<1x16xf32>,
        %get3A_372 = vector.shape_cast %get3A_371 : vector<1x16xf32> to vector<16xf32>
        %mul3A_373 = arith.constant 8.000000e+00 : f32
        %mul3A_374 = vector.broadcast %mul3A_373 : f32 to vector<16xf32>
        %mul3A_375 = arith.mulf %get3A_372, %mul3A_374 : vector<16xf32>
        %swap3A_376 = arith.index_cast %scan3A_332 : i32 to index
        %swap3A_377 = arith.constant 48 : index
        %swap3A_378 = tpu.vector_load %arg6[%swap3A_376, %swap3A_377] {strides = array<i32>} : memref<256x64xf32, #tpu.memory_space<vmem>>, vector<1x16xf32>,
        %swap3A_379 = vector.shape_cast %swap3A_378 : vector<1x16xf32> to vector<16xf32>
        %swap3A_380 = vector.shape_cast %mul3A_375 : vector<16xf32> to vector<1x16xf32>
        tpu.vector_store %arg6[%swap3A_376, %swap3A_377], %swap3A_380 {strides = array<i32>} : memref<256x64xf32, #tpu.memory_space<vmem>>, vector<1x16xf32>,
        %scan3A_381 = arith.constant 0 : i32
        %scan3A_382 = arith.constant 3 : i32
        %scan3A_383 = arith.addi %scan3A_231, %scan3A_382 : i32
        %get3A_384 = arith.index_cast %scan3A_383 : i32 to index
        %get3A_385 = arith.constant 0 : index
        %get3A_386 = tpu.vector_load %arg6[%get3A_384, %get3A_385] {strides = array<i32>} : memref<256x64xf32, #tpu.memory_space<vmem>>, vector<1x16xf32>,
        %get3A_387 = vector.shape_cast %get3A_386 : vector<1x16xf32> to vector<16xf32>
        %mul3A_388 = arith.constant 8.000000e+00 : f32
        %mul3A_389 = vector.broadcast %mul3A_388 : f32 to vector<16xf32>
        %mul3A_390 = arith.mulf %get3A_387, %mul3A_389 : vector<16xf32>
        %swap3A_391 = arith.index_cast %scan3A_383 : i32 to index
        %swap3A_392 = arith.constant 0 : index
        %swap3A_393 = tpu.vector_load %arg6[%swap3A_391, %swap3A_392] {strides = array<i32>} : memref<256x64xf32, #tpu.memory_space<vmem>>, vector<1x16xf32>,
        %swap3A_394 = vector.shape_cast %swap3A_393 : vector<1x16xf32> to vector<16xf32>
        %swap3A_395 = vector.shape_cast %mul3A_390 : vector<16xf32> to vector<1x16xf32>
        tpu.vector_store %arg6[%swap3A_391, %swap3A_392], %swap3A_395 {strides = array<i32>} : memref<256x64xf32, #tpu.memory_space<vmem>>, vector<1x16xf32>,
        %get3A_396 = arith.index_cast %scan3A_383 : i32 to index
        %get3A_397 = arith.constant 16 : index
        %get3A_398 = tpu.vector_load %arg6[%get3A_396, %get3A_397] {strides = array<i32>} : memref<256x64xf32, #tpu.memory_space<vmem>>, vector<1x16xf32>,
        %get3A_399 = vector.shape_cast %get3A_398 : vector<1x16xf32> to vector<16xf32>
        %mul3A_400 = arith.constant 8.000000e+00 : f32
        %mul3A_401 = vector.broadcast %mul3A_400 : f32 to vector<16xf32>
        %mul3A_402 = arith.mulf %get3A_399, %mul3A_401 : vector<16xf32>
        %swap3A_403 = arith.index_cast %scan3A_383 : i32 to index
        %swap3A_404 = arith.constant 16 : index
        %swap3A_405 = tpu.vector_load %arg6[%swap3A_403, %swap3A_404] {strides = array<i32>} : memref<256x64xf32, #tpu.memory_space<vmem>>, vector<1x16xf32>,
        %swap3A_406 = vector.shape_cast %swap3A_405 : vector<1x16xf32> to vector<16xf32>
        %swap3A_407 = vector.shape_cast %mul3A_402 : vector<16xf32> to vector<1x16xf32>
        tpu.vector_store %arg6[%swap3A_403, %swap3A_404], %swap3A_407 {strides = array<i32>} : memref<256x64xf32, #tpu.memory_space<vmem>>, vector<1x16xf32>,
        %get3A_408 = arith.index_cast %scan3A_383 : i32 to index
        %get3A_409 = arith.constant 32 : index
        %get3A_410 = tpu.vector_load %arg6[%get3A_408, %get3A_409] {strides = array<i32>} : memref<256x64xf32, #tpu.memory_space<vmem>>, vector<1x16xf32>,
        %get3A_411 = vector.shape_cast %get3A_410 : vector<1x16xf32> to vector<16xf32>
        %mul3A_412 = arith.constant 8.000000e+00 : f32
        %mul3A_413 = vector.broadcast %mul3A_412 : f32 to vector<16xf32>
        %mul3A_414 = arith.mulf %get3A_411, %mul3A_413 : vector<16xf32>
        %swap3A_415 = arith.index_cast %scan3A_383 : i32 to index
        %swap3A_416 = arith.constant 32 : index
        %swap3A_417 = tpu.vector_load %arg6[%swap3A_415, %swap3A_416] {strides = array<i32>} : memref<256x64xf32, #tpu.memory_space<vmem>>, vector<1x16xf32>,
        %swap3A_418 = vector.shape_cast %swap3A_417 : vector<1x16xf32> to vector<16xf32>
        %swap3A_419 = vector.shape_cast %mul3A_414 : vector<16xf32> to vector<1x16xf32>
        tpu.vector_store %arg6[%swap3A_415, %swap3A_416], %swap3A_419 {strides = array<i32>} : memref<256x64xf32, #tpu.memory_space<vmem>>, vector<1x16xf32>,
        %get3A_420 = arith.index_cast %scan3A_383 : i32 to index
        %get3A_421 = arith.constant 48 : index
        %get3A_422 = tpu.vector_load %arg6[%get3A_420, %get3A_421] {strides = array<i32>} : memref<256x64xf32, #tpu.memory_space<vmem>>, vector<1x16xf32>,
        %get3A_423 = vector.shape_cast %get3A_422 : vector<1x16xf32> to vector<16xf32>
        %mul3A_424 = arith.constant 8.000000e+00 : f32
        %mul3A_425 = vector.broadcast %mul3A_424 : f32 to vector<16xf32>
        %mul3A_426 = arith.mulf %get3A_423, %mul3A_425 : vector<16xf32>
        %swap3A_427 = arith.index_cast %scan3A_383 : i32 to index
        %swap3A_428 = arith.constant 48 : index
        %swap3A_429 = tpu.vector_load %arg6[%swap3A_427, %swap3A_428] {strides = array<i32>} : memref<256x64xf32, #tpu.memory_space<vmem>>, vector<1x16xf32>,
        %swap3A_430 = vector.shape_cast %swap3A_429 : vector<1x16xf32> to vector<16xf32>
        %swap3A_431 = vector.shape_cast %mul3A_426 : vector<16xf32> to vector<1x16xf32>
        tpu.vector_store %arg6[%swap3A_427, %swap3A_428], %swap3A_431 {strides = array<i32>} : memref<256x64xf32, #tpu.memory_space<vmem>>, vector<1x16xf32>,
        %scan3A_432 = arith.constant 0 : i32
        %scan3A_433 = arith.constant 4 : i32
        %scan3A_434 = arith.addi %scan3A_231, %scan3A_433 : i32
        %get3A_435 = arith.index_cast %scan3A_434 : i32 to index
        %get3A_436 = arith.constant 0 : index
        %get3A_437 = tpu.vector_load %arg6[%get3A_435, %get3A_436] {strides = array<i32>} : memref<256x64xf32, #tpu.memory_space<vmem>>, vector<1x16xf32>,
        %get3A_438 = vector.shape_cast %get3A_437 : vector<1x16xf32> to vector<16xf32>
        %mul3A_439 = arith.constant 8.000000e+00 : f32
        %mul3A_440 = vector.broadcast %mul3A_439 : f32 to vector<16xf32>
        %mul3A_441 = arith.mulf %get3A_438, %mul3A_440 : vector<16xf32>
        %swap3A_442 = arith.index_cast %scan3A_434 : i32 to index
        %swap3A_443 = arith.constant 0 : index
        %swap3A_444 = tpu.vector_load %arg6[%swap3A_442, %swap3A_443] {strides = array<i32>} : memref<256x64xf32, #tpu.memory_space<vmem>>, vector<1x16xf32>,
        %swap3A_445 = vector.shape_cast %swap3A_444 : vector<1x16xf32> to vector<16xf32>
        %swap3A_446 = vector.shape_cast %mul3A_441 : vector<16xf32> to vector<1x16xf32>
        tpu.vector_store %arg6[%swap3A_442, %swap3A_443], %swap3A_446 {strides = array<i32>} : memref<256x64xf32, #tpu.memory_space<vmem>>, vector<1x16xf32>,
        %get3A_447 = arith.index_cast %scan3A_434 : i32 to index
        %get3A_448 = arith.constant 16 : index
        %get3A_449 = tpu.vector_load %arg6[%get3A_447, %get3A_448] {strides = array<i32>} : memref<256x64xf32, #tpu.memory_space<vmem>>, vector<1x16xf32>,
        %get3A_450 = vector.shape_cast %get3A_449 : vector<1x16xf32> to vector<16xf32>
        %mul3A_451 = arith.constant 8.000000e+00 : f32
        %mul3A_452 = vector.broadcast %mul3A_451 : f32 to vector<16xf32>
        %mul3A_453 = arith.mulf %get3A_450, %mul3A_452 : vector<16xf32>
        %swap3A_454 = arith.index_cast %scan3A_434 : i32 to index
        %swap3A_455 = arith.constant 16 : index
        %swap3A_456 = tpu.vector_load %arg6[%swap3A_454, %swap3A_455] {strides = array<i32>} : memref<256x64xf32, #tpu.memory_space<vmem>>, vector<1x16xf32>,
        %swap3A_457 = vector.shape_cast %swap3A_456 : vector<1x16xf32> to vector<16xf32>
        %swap3A_458 = vector.shape_cast %mul3A_453 : vector<16xf32> to vector<1x16xf32>
        tpu.vector_store %arg6[%swap3A_454, %swap3A_455], %swap3A_458 {strides = array<i32>} : memref<256x64xf32, #tpu.memory_space<vmem>>, vector<1x16xf32>,
        %get3A_459 = arith.index_cast %scan3A_434 : i32 to index
        %get3A_460 = arith.constant 32 : index
        %get3A_461 = tpu.vector_load %arg6[%get3A_459, %get3A_460] {strides = array<i32>} : memref<256x64xf32, #tpu.memory_space<vmem>>, vector<1x16xf32>,
        %get3A_462 = vector.shape_cast %get3A_461 : vector<1x16xf32> to vector<16xf32>
        %mul3A_463 = arith.constant 8.000000e+00 : f32
        %mul3A_464 = vector.broadcast %mul3A_463 : f32 to vector<16xf32>
        %mul3A_465 = arith.mulf %get3A_462, %mul3A_464 : vector<16xf32>
        %swap3A_466 = arith.index_cast %scan3A_434 : i32 to index
        %swap3A_467 = arith.constant 32 : index
        %swap3A_468 = tpu.vector_load %arg6[%swap3A_466, %swap3A_467] {strides = array<i32>} : memref<256x64xf32, #tpu.memory_space<vmem>>, vector<1x16xf32>,
        %swap3A_469 = vector.shape_cast %swap3A_468 : vector<1x16xf32> to vector<16xf32>
        %swap3A_470 = vector.shape_cast %mul3A_465 : vector<16xf32> to vector<1x16xf32>
        tpu.vector_store %arg6[%swap3A_466, %swap3A_467], %swap3A_470 {strides = array<i32>} : memref<256x64xf32, #tpu.memory_space<vmem>>, vector<1x16xf32>,
        %get3A_471 = arith.index_cast %scan3A_434 : i32 to index
        %get3A_472 = arith.constant 48 : index
        %get3A_473 = tpu.vector_load %arg6[%get3A_471, %get3A_472] {strides = array<i32>} : memref<256x64xf32, #tpu.memory_space<vmem>>, vector<1x16xf32>,
        %get3A_474 = vector.shape_cast %get3A_473 : vector<1x16xf32> to vector<16xf32>
        %mul3A_475 = arith.constant 8.000000e+00 : f32
        %mul3A_476 = vector.broadcast %mul3A_475 : f32 to vector<16xf32>
        %mul3A_477 = arith.mulf %get3A_474, %mul3A_476 : vector<16xf32>
        %swap3A_478 = arith.index_cast %scan3A_434 : i32 to index
        %swap3A_479 = arith.constant 48 : index
        %swap3A_480 = tpu.vector_load %arg6[%swap3A_478, %swap3A_479] {strides = array<i32>} : memref<256x64xf32, #tpu.memory_space<vmem>>, vector<1x16xf32>,
        %swap3A_481 = vector.shape_cast %swap3A_480 : vector<1x16xf32> to vector<16xf32>
        %swap3A_482 = vector.shape_cast %mul3A_477 : vector<16xf32> to vector<1x16xf32>
        tpu.vector_store %arg6[%swap3A_478, %swap3A_479], %swap3A_482 {strides = array<i32>} : memref<256x64xf32, #tpu.memory_space<vmem>>, vector<1x16xf32>,
        %scan3A_483 = arith.constant 0 : i32
        %scan3A_484 = arith.constant 5 : i32
        %scan3A_485 = arith.addi %scan3A_231, %scan3A_484 : i32
        %get3A_486 = arith.index_cast %scan3A_485 : i32 to index
        %get3A_487 = arith.constant 0 : index
        %get3A_488 = tpu.vector_load %arg6[%get3A_486, %get3A_487] {strides = array<i32>} : memref<256x64xf32, #tpu.memory_space<vmem>>, vector<1x16xf32>,
        %get3A_489 = vector.shape_cast %get3A_488 : vector<1x16xf32> to vector<16xf32>
        %mul3A_490 = arith.constant 8.000000e+00 : f32
        %mul3A_491 = vector.broadcast %mul3A_490 : f32 to vector<16xf32>
        %mul3A_492 = arith.mulf %get3A_489, %mul3A_491 : vector<16xf32>
        %swap3A_493 = arith.index_cast %scan3A_485 : i32 to index
        %swap3A_494 = arith.constant 0 : index
        %swap3A_495 = tpu.vector_load %arg6[%swap3A_493, %swap3A_494] {strides = array<i32>} : memref<256x64xf32, #tpu.memory_space<vmem>>, vector<1x16xf32>,
        %swap3A_496 = vector.shape_cast %swap3A_495 : vector<1x16xf32> to vector<16xf32>
        %swap3A_497 = vector.shape_cast %mul3A_492 : vector<16xf32> to vector<1x16xf32>
        tpu.vector_store %arg6[%swap3A_493, %swap3A_494], %swap3A_497 {strides = array<i32>} : memref<256x64xf32, #tpu.memory_space<vmem>>, vector<1x16xf32>,
        %get3A_498 = arith.index_cast %scan3A_485 : i32 to index
        %get3A_499 = arith.constant 16 : index
        %get3A_500 = tpu.vector_load %arg6[%get3A_498, %get3A_499] {strides = array<i32>} : memref<256x64xf32, #tpu.memory_space<vmem>>, vector<1x16xf32>,
        %get3A_501 = vector.shape_cast %get3A_500 : vector<1x16xf32> to vector<16xf32>
        %mul3A_502 = arith.constant 8.000000e+00 : f32
        %mul3A_503 = vector.broadcast %mul3A_502 : f32 to vector<16xf32>
        %mul3A_504 = arith.mulf %get3A_501, %mul3A_503 : vector<16xf32>
        %swap3A_505 = arith.index_cast %scan3A_485 : i32 to index
        %swap3A_506 = arith.constant 16 : index
        %swap3A_507 = tpu.vector_load %arg6[%swap3A_505, %swap3A_506] {strides = array<i32>} : memref<256x64xf32, #tpu.memory_space<vmem>>, vector<1x16xf32>,
        %swap3A_508 = vector.shape_cast %swap3A_507 : vector<1x16xf32> to vector<16xf32>
        %swap3A_509 = vector.shape_cast %mul3A_504 : vector<16xf32> to vector<1x16xf32>
        tpu.vector_store %arg6[%swap3A_505, %swap3A_506], %swap3A_509 {strides = array<i32>} : memref<256x64xf32, #tpu.memory_space<vmem>>, vector<1x16xf32>,
        %get3A_510 = arith.index_cast %scan3A_485 : i32 to index
        %get3A_511 = arith.constant 32 : index
        %get3A_512 = tpu.vector_load %arg6[%get3A_510, %get3A_511] {strides = array<i32>} : memref<256x64xf32, #tpu.memory_space<vmem>>, vector<1x16xf32>,
        %get3A_513 = vector.shape_cast %get3A_512 : vector<1x16xf32> to vector<16xf32>
        %mul3A_514 = arith.constant 8.000000e+00 : f32
        %mul3A_515 = vector.broadcast %mul3A_514 : f32 to vector<16xf32>
        %mul3A_516 = arith.mulf %get3A_513, %mul3A_515 : vector<16xf32>
        %swap3A_517 = arith.index_cast %scan3A_485 : i32 to index
        %swap3A_518 = arith.constant 32 : index
        %swap3A_519 = tpu.vector_load %arg6[%swap3A_517, %swap3A_518] {strides = array<i32>} : memref<256x64xf32, #tpu.memory_space<vmem>>, vector<1x16xf32>,
        %swap3A_520 = vector.shape_cast %swap3A_519 : vector<1x16xf32> to vector<16xf32>
        %swap3A_521 = vector.shape_cast %mul3A_516 : vector<16xf32> to vector<1x16xf32>
        tpu.vector_store %arg6[%swap3A_517, %swap3A_518], %swap3A_521 {strides = array<i32>} : memref<256x64xf32, #tpu.memory_space<vmem>>, vector<1x16xf32>,
        %get3A_522 = arith.index_cast %scan3A_485 : i32 to index
        %get3A_523 = arith.constant 48 : index
        %get3A_524 = tpu.vector_load %arg6[%get3A_522, %get3A_523] {strides = array<i32>} : memref<256x64xf32, #tpu.memory_space<vmem>>, vector<1x16xf32>,
        %get3A_525 = vector.shape_cast %get3A_524 : vector<1x16xf32> to vector<16xf32>
        %mul3A_526 = arith.constant 8.000000e+00 : f32
        %mul3A_527 = vector.broadcast %mul3A_526 : f32 to vector<16xf32>
        %mul3A_528 = arith.mulf %get3A_525, %mul3A_527 : vector<16xf32>
        %swap3A_529 = arith.index_cast %scan3A_485 : i32 to index
        %swap3A_530 = arith.constant 48 : index
        %swap3A_531 = tpu.vector_load %arg6[%swap3A_529, %swap3A_530] {strides = array<i32>} : memref<256x64xf32, #tpu.memory_space<vmem>>, vector<1x16xf32>,
        %swap3A_532 = vector.shape_cast %swap3A_531 : vector<1x16xf32> to vector<16xf32>
        %swap3A_533 = vector.shape_cast %mul3A_528 : vector<16xf32> to vector<1x16xf32>
        tpu.vector_store %arg6[%swap3A_529, %swap3A_530], %swap3A_533 {strides = array<i32>} : memref<256x64xf32, #tpu.memory_space<vmem>>, vector<1x16xf32>,
        %scan3A_534 = arith.constant 0 : i32
        %scan3A_535 = arith.constant 6 : i32
        %scan3A_536 = arith.addi %scan3A_231, %scan3A_535 : i32
        %get3A_537 = arith.index_cast %scan3A_536 : i32 to index
        %get3A_538 = arith.constant 0 : index
        %get3A_539 = tpu.vector_load %arg6[%get3A_537, %get3A_538] {strides = array<i32>} : memref<256x64xf32, #tpu.memory_space<vmem>>, vector<1x16xf32>,
        %get3A_540 = vector.shape_cast %get3A_539 : vector<1x16xf32> to vector<16xf32>
        %mul3A_541 = arith.constant 8.000000e+00 : f32
        %mul3A_542 = vector.broadcast %mul3A_541 : f32 to vector<16xf32>
        %mul3A_543 = arith.mulf %get3A_540, %mul3A_542 : vector<16xf32>
        %swap3A_544 = arith.index_cast %scan3A_536 : i32 to index
        %swap3A_545 = arith.constant 0 : index
        %swap3A_546 = tpu.vector_load %arg6[%swap3A_544, %swap3A_545] {strides = array<i32>} : memref<256x64xf32, #tpu.memory_space<vmem>>, vector<1x16xf32>,
        %swap3A_547 = vector.shape_cast %swap3A_546 : vector<1x16xf32> to vector<16xf32>
        %swap3A_548 = vector.shape_cast %mul3A_543 : vector<16xf32> to vector<1x16xf32>
        tpu.vector_store %arg6[%swap3A_544, %swap3A_545], %swap3A_548 {strides = array<i32>} : memref<256x64xf32, #tpu.memory_space<vmem>>, vector<1x16xf32>,
        %get3A_549 = arith.index_cast %scan3A_536 : i32 to index
        %get3A_550 = arith.constant 16 : index
        %get3A_551 = tpu.vector_load %arg6[%get3A_549, %get3A_550] {strides = array<i32>} : memref<256x64xf32, #tpu.memory_space<vmem>>, vector<1x16xf32>,
        %get3A_552 = vector.shape_cast %get3A_551 : vector<1x16xf32> to vector<16xf32>
        %mul3A_553 = arith.constant 8.000000e+00 : f32
        %mul3A_554 = vector.broadcast %mul3A_553 : f32 to vector<16xf32>
        %mul3A_555 = arith.mulf %get3A_552, %mul3A_554 : vector<16xf32>
        %swap3A_556 = arith.index_cast %scan3A_536 : i32 to index
        %swap3A_557 = arith.constant 16 : index
        %swap3A_558 = tpu.vector_load %arg6[%swap3A_556, %swap3A_557] {strides = array<i32>} : memref<256x64xf32, #tpu.memory_space<vmem>>, vector<1x16xf32>,
        %swap3A_559 = vector.shape_cast %swap3A_558 : vector<1x16xf32> to vector<16xf32>
        %swap3A_560 = vector.shape_cast %mul3A_555 : vector<16xf32> to vector<1x16xf32>
        tpu.vector_store %arg6[%swap3A_556, %swap3A_557], %swap3A_560 {strides = array<i32>} : memref<256x64xf32, #tpu.memory_space<vmem>>, vector<1x16xf32>,
        %get3A_561 = arith.index_cast %scan3A_536 : i32 to index
        %get3A_562 = arith.constant 32 : index
        %get3A_563 = tpu.vector_load %arg6[%get3A_561, %get3A_562] {strides = array<i32>} : memref<256x64xf32, #tpu.memory_space<vmem>>, vector<1x16xf32>,
        %get3A_564 = vector.shape_cast %get3A_563 : vector<1x16xf32> to vector<16xf32>
        %mul3A_565 = arith.constant 8.000000e+00 : f32
        %mul3A_566 = vector.broadcast %mul3A_565 : f32 to vector<16xf32>
        %mul3A_567 = arith.mulf %get3A_564, %mul3A_566 : vector<16xf32>
        %swap3A_568 = arith.index_cast %scan3A_536 : i32 to index
        %swap3A_569 = arith.constant 32 : index
        %swap3A_570 = tpu.vector_load %arg6[%swap3A_568, %swap3A_569] {strides = array<i32>} : memref<256x64xf32, #tpu.memory_space<vmem>>, vector<1x16xf32>,
        %swap3A_571 = vector.shape_cast %swap3A_570 : vector<1x16xf32> to vector<16xf32>
        %swap3A_572 = vector.shape_cast %mul3A_567 : vector<16xf32> to vector<1x16xf32>
        tpu.vector_store %arg6[%swap3A_568, %swap3A_569], %swap3A_572 {strides = array<i32>} : memref<256x64xf32, #tpu.memory_space<vmem>>, vector<1x16xf32>,
        %get3A_573 = arith.index_cast %scan3A_536 : i32 to index
        %get3A_574 = arith.constant 48 : index
        %get3A_575 = tpu.vector_load %arg6[%get3A_573, %get3A_574] {strides = array<i32>} : memref<256x64xf32, #tpu.memory_space<vmem>>, vector<1x16xf32>,
        %get3A_576 = vector.shape_cast %get3A_575 : vector<1x16xf32> to vector<16xf32>
        %mul3A_577 = arith.constant 8.000000e+00 : f32
        %mul3A_578 = vector.broadcast %mul3A_577 : f32 to vector<16xf32>
        %mul3A_579 = arith.mulf %get3A_576, %mul3A_578 : vector<16xf32>
        %swap3A_580 = arith.index_cast %scan3A_536 : i32 to index
        %swap3A_581 = arith.constant 48 : index
        %swap3A_582 = tpu.vector_load %arg6[%swap3A_580, %swap3A_581] {strides = array<i32>} : memref<256x64xf32, #tpu.memory_space<vmem>>, vector<1x16xf32>,
        %swap3A_583 = vector.shape_cast %swap3A_582 : vector<1x16xf32> to vector<16xf32>
        %swap3A_584 = vector.shape_cast %mul3A_579 : vector<16xf32> to vector<1x16xf32>
        tpu.vector_store %arg6[%swap3A_580, %swap3A_581], %swap3A_584 {strides = array<i32>} : memref<256x64xf32, #tpu.memory_space<vmem>>, vector<1x16xf32>,
        %scan3A_585 = arith.constant 0 : i32
        %scan3A_586 = arith.constant 7 : i32
        %scan3A_587 = arith.addi %scan3A_231, %scan3A_586 : i32
        %get3A_588 = arith.index_cast %scan3A_587 : i32 to index
        %get3A_589 = arith.constant 0 : index
        %get3A_590 = tpu.vector_load %arg6[%get3A_588, %get3A_589] {strides = array<i32>} : memref<256x64xf32, #tpu.memory_space<vmem>>, vector<1x16xf32>,
        %get3A_591 = vector.shape_cast %get3A_590 : vector<1x16xf32> to vector<16xf32>
        %mul3A_592 = arith.constant 8.000000e+00 : f32
        %mul3A_593 = vector.broadcast %mul3A_592 : f32 to vector<16xf32>
        %mul3A_594 = arith.mulf %get3A_591, %mul3A_593 : vector<16xf32>
        %swap3A_595 = arith.index_cast %scan3A_587 : i32 to index
        %swap3A_596 = arith.constant 0 : index
        %swap3A_597 = tpu.vector_load %arg6[%swap3A_595, %swap3A_596] {strides = array<i32>} : memref<256x64xf32, #tpu.memory_space<vmem>>, vector<1x16xf32>,
        %swap3A_598 = vector.shape_cast %swap3A_597 : vector<1x16xf32> to vector<16xf32>
        %swap3A_599 = vector.shape_cast %mul3A_594 : vector<16xf32> to vector<1x16xf32>
        tpu.vector_store %arg6[%swap3A_595, %swap3A_596], %swap3A_599 {strides = array<i32>} : memref<256x64xf32, #tpu.memory_space<vmem>>, vector<1x16xf32>,
        %get3A_600 = arith.index_cast %scan3A_587 : i32 to index
        %get3A_601 = arith.constant 16 : index
        %get3A_602 = tpu.vector_load %arg6[%get3A_600, %get3A_601] {strides = array<i32>} : memref<256x64xf32, #tpu.memory_space<vmem>>, vector<1x16xf32>,
        %get3A_603 = vector.shape_cast %get3A_602 : vector<1x16xf32> to vector<16xf32>
        %mul3A_604 = arith.constant 8.000000e+00 : f32
        %mul3A_605 = vector.broadcast %mul3A_604 : f32 to vector<16xf32>
        %mul3A_606 = arith.mulf %get3A_603, %mul3A_605 : vector<16xf32>
        %swap3A_607 = arith.index_cast %scan3A_587 : i32 to index
        %swap3A_608 = arith.constant 16 : index
        %swap3A_609 = tpu.vector_load %arg6[%swap3A_607, %swap3A_608] {strides = array<i32>} : memref<256x64xf32, #tpu.memory_space<vmem>>, vector<1x16xf32>,
        %swap3A_610 = vector.shape_cast %swap3A_609 : vector<1x16xf32> to vector<16xf32>
        %swap3A_611 = vector.shape_cast %mul3A_606 : vector<16xf32> to vector<1x16xf32>
        tpu.vector_store %arg6[%swap3A_607, %swap3A_608], %swap3A_611 {strides = array<i32>} : memref<256x64xf32, #tpu.memory_space<vmem>>, vector<1x16xf32>,
        %get3A_612 = arith.index_cast %scan3A_587 : i32 to index
        %get3A_613 = arith.constant 32 : index
        %get3A_614 = tpu.vector_load %arg6[%get3A_612, %get3A_613] {strides = array<i32>} : memref<256x64xf32, #tpu.memory_space<vmem>>, vector<1x16xf32>,
        %get3A_615 = vector.shape_cast %get3A_614 : vector<1x16xf32> to vector<16xf32>
        %mul3A_616 = arith.constant 8.000000e+00 : f32
        %mul3A_617 = vector.broadcast %mul3A_616 : f32 to vector<16xf32>
        %mul3A_618 = arith.mulf %get3A_615, %mul3A_617 : vector<16xf32>
        %swap3A_619 = arith.index_cast %scan3A_587 : i32 to index
        %swap3A_620 = arith.constant 32 : index
        %swap3A_621 = tpu.vector_load %arg6[%swap3A_619, %swap3A_620] {strides = array<i32>} : memref<256x64xf32, #tpu.memory_space<vmem>>, vector<1x16xf32>,
        %swap3A_622 = vector.shape_cast %swap3A_621 : vector<1x16xf32> to vector<16xf32>
        %swap3A_623 = vector.shape_cast %mul3A_618 : vector<16xf32> to vector<1x16xf32>
        tpu.vector_store %arg6[%swap3A_619, %swap3A_620], %swap3A_623 {strides = array<i32>} : memref<256x64xf32, #tpu.memory_space<vmem>>, vector<1x16xf32>,
        %get3A_624 = arith.index_cast %scan3A_587 : i32 to index
        %get3A_625 = arith.constant 48 : index
        %get3A_626 = tpu.vector_load %arg6[%get3A_624, %get3A_625] {strides = array<i32>} : memref<256x64xf32, #tpu.memory_space<vmem>>, vector<1x16xf32>,
        %get3A_627 = vector.shape_cast %get3A_626 : vector<1x16xf32> to vector<16xf32>
        %mul3A_628 = arith.constant 8.000000e+00 : f32
        %mul3A_629 = vector.broadcast %mul3A_628 : f32 to vector<16xf32>
        %mul3A_630 = arith.mulf %get3A_627, %mul3A_629 : vector<16xf32>
        %swap3A_631 = arith.index_cast %scan3A_587 : i32 to index
        %swap3A_632 = arith.constant 48 : index
        %swap3A_633 = tpu.vector_load %arg6[%swap3A_631, %swap3A_632] {strides = array<i32>} : memref<256x64xf32, #tpu.memory_space<vmem>>, vector<1x16xf32>,
        %swap3A_634 = vector.shape_cast %swap3A_633 : vector<1x16xf32> to vector<16xf32>
        %swap3A_635 = vector.shape_cast %mul3A_630 : vector<16xf32> to vector<1x16xf32>
        tpu.vector_store %arg6[%swap3A_631, %swap3A_632], %swap3A_635 {strides = array<i32>} : memref<256x64xf32, #tpu.memory_space<vmem>>, vector<1x16xf32>,
        %scan3A_636 = arith.constant 0 : i32
        scf.yield %scan3A_636 : i32
      }
      %scan3A_118 = arith.constant 256 : i32
      %mul3A_119 = arith.constant 2 : i32
      %mul3A_120 = arith.muli %mul3A_119, %add3A_83 : i32
      %mul3A_121 = arith.constant 128 : i32
      %mul3A_122 = arith.muli %mul3A_120, %mul3A_121 : i32
      %add3A_123 = arith.addi %mul3A_2, %mul3A_122 : i32
      %dma_start3A_124 = arith.constant 0 : i32
      %dma_start3A_125 = tpu.memref_slice %arg4[%add3A_123, %dma_start3A_124] : memref<204800x64xf32, #tpu.memory_space<hbm>> -> memref<256x64xf32, #tpu.memory_space<hbm>>
      %dma_start3A_126 = arith.constant 0 : i32
      %dma_start3A_127 = tpu.memref_slice %arg4[%add3A_123, %dma_start3A_126] : memref<204800x64xf32, #tpu.memory_space<hbm>> -> memref<256x64xf32, #tpu.memory_space<hbm>>
      tpu.enqueue_dma source(%arg6 : memref<256x64xf32, #tpu.memory_space<vmem>>) target(%dma_start3A_127 : memref<256x64xf32, #tpu.memory_space<hbm>>) target_semaphore(%arg12 : memref<!tpu.dma_semaphore, #tpu.memory_space<semaphore_mem>>)
      %mul3A_128 = arith.constant 3 : i32
      %mul3A_129 = arith.muli %scan3A_78, %mul3A_128 : i32
      %add3A_130 = arith.constant 1 : i32
      %add3A_131 = arith.addi %mul3A_129, %add3A_130 : i32
      %dma_wait3A_132 = arith.constant 0 : i32
      %dma_wait3A_133 = arith.constant 0 : i32
      %dma_wait3A_134 = tpu.memref_slice %arg7[%dma_wait3A_132, %dma_wait3A_133] : memref<256x64xf32, #tpu.memory_space<vmem>> -> memref<128x64xf32, #tpu.memory_space<vmem>>
      %dma_wait3A_135 = arith.constant 0 : i32
      %dma_wait3A_136 = arith.constant 0 : i32
      %dma_wait3A_137 = tpu.memref_slice %arg2[%dma_wait3A_135, %dma_wait3A_136] : memref<1000000x64xf32, #tpu.memory_space<hbm>> -> memref<128x64xf32, #tpu.memory_space<hbm>>
      %dma_wait3A_138 = arith.constant 0 : i32
      %dma_wait3A_139 = arith.constant 0 : i32
      %dma_wait3A_140 = tpu.memref_slice %arg7[%dma_wait3A_138, %dma_wait3A_139] : memref<256x64xf32, #tpu.memory_space<vmem>> -> memref<128x64xf32, #tpu.memory_space<vmem>>
      %dma_wait3A_141 = arith.constant 0 : i32
      %dma_wait3A_142 = arith.constant 0 : i32
      %dma_wait3A_143 = tpu.memref_slice %arg2[%dma_wait3A_141, %dma_wait3A_142] : memref<1000000x64xf32, #tpu.memory_space<hbm>> -> memref<128x64xf32, #tpu.memory_space<hbm>>
      tpu.wait_dma2 semaphore(%arg10 : memref<!tpu.dma_semaphore, #tpu.memory_space<semaphore_mem>>) src(%dma_wait3A_143 : memref<128x64xf32, #tpu.memory_space<hbm>>) dst(%dma_wait3A_140 : memref<128x64xf32, #tpu.memory_space<vmem>>)
      %dma_wait3A_144 = arith.constant 128 : i32
      %dma_wait3A_145 = arith.constant 0 : i32
      %dma_wait3A_146 = tpu.memref_slice %arg7[%dma_wait3A_144, %dma_wait3A_145] : memref<256x64xf32, #tpu.memory_space<vmem>> -> memref<128x64xf32, #tpu.memory_space<vmem>>
      %dma_wait3A_147 = arith.constant 0 : i32
      %dma_wait3A_148 = arith.constant 0 : i32
      %dma_wait3A_149 = tpu.memref_slice %arg2[%dma_wait3A_147, %dma_wait3A_148] : memref<1000000x64xf32, #tpu.memory_space<hbm>> -> memref<128x64xf32, #tpu.memory_space<hbm>>
      %dma_wait3A_150 = arith.constant 128 : i32
      %dma_wait3A_151 = arith.constant 0 : i32
      %dma_wait3A_152 = tpu.memref_slice %arg7[%dma_wait3A_150, %dma_wait3A_151] : memref<256x64xf32, #tpu.memory_space<vmem>> -> memref<128x64xf32, #tpu.memory_space<vmem>>
      %dma_wait3A_153 = arith.constant 0 : i32
      %dma_wait3A_154 = arith.constant 0 : i32
      %dma_wait3A_155 = tpu.memref_slice %arg2[%dma_wait3A_153, %dma_wait3A_154] : memref<1000000x64xf32, #tpu.memory_space<hbm>> -> memref<128x64xf32, #tpu.memory_space<hbm>>
      tpu.wait_dma2 semaphore(%arg10 : memref<!tpu.dma_semaphore, #tpu.memory_space<semaphore_mem>>) src(%dma_wait3A_155 : memref<128x64xf32, #tpu.memory_space<hbm>>) dst(%dma_wait3A_152 : memref<128x64xf32, #tpu.memory_space<vmem>>)
      %add3A_156 = arith.constant 1 : i32
      %add3A_157 = arith.addi %add3A_131, %add3A_156 : i32
      %lt3A_158 = arith.constant 25 : i32
      %lt3A_159 = arith.cmpi slt, %add3A_157, %lt3A_158 : i32
      %convert_element_type3A_160 = arith.extui %lt3A_159 : i1 to i32
      %cond3A_161 = arith.constant 0 : i32
      %cond3A_162 = arith.cmpi ne, %convert_element_type3A_160, %cond3A_161 : i32
      scf.if %cond3A_162 {
        %ge3A = arith.constant 2 : i32
        %ge3A_231 = arith.cmpi sge, %add3A_131, %ge3A : i32
        %convert_element_type3A_232 = arith.extui %ge3A_231 : i1 to i32
        %cond3A_233 = arith.constant 0 : i32
        %cond3A_234 = arith.cmpi ne, %convert_element_type3A_232, %cond3A_233 : i32
        scf.if %cond3A_234 {
          %dma_wait3A_263 = arith.constant 0 : i32
          %dma_wait3A_264 = arith.constant 0 : i32
          %dma_wait3A_265 = tpu.memref_slice %arg4[%dma_wait3A_263, %dma_wait3A_264] : memref<204800x64xf32, #tpu.memory_space<hbm>> -> memref<256x64xf32, #tpu.memory_space<hbm>>
          %dma_wait3A_266 = arith.constant 0 : i32
          %dma_wait3A_267 = arith.constant 0 : i32
          %dma_wait3A_268 = tpu.memref_slice %arg4[%dma_wait3A_266, %dma_wait3A_267] : memref<204800x64xf32, #tpu.memory_space<hbm>> -> memref<256x64xf32, #tpu.memory_space<hbm>>
          tpu.wait_dma2 semaphore(%arg14 : memref<!tpu.dma_semaphore, #tpu.memory_space<semaphore_mem>>) src(%arg8 : memref<256x64xf32, #tpu.memory_space<vmem>>) dst(%dma_wait3A_268 : memref<256x64xf32, #tpu.memory_space<hbm>>)
        } else {
        }
        %add3A_235 = arith.constant 1 : i32
        %add3A_236 = arith.addi %add3A_131, %add3A_235 : i32
        %mul3A_237 = arith.constant 2 : i32
        %mul3A_238 = arith.muli %mul3A_237, %add3A_236 : i32
        %add3A_239 = arith.constant 0 : i32
        %add3A_240 = arith.addi %mul3A_238, %add3A_239 : i32
        %mul3A_241 = arith.constant 128 : i32
        %mul3A_242 = arith.muli %add3A_240, %mul3A_241 : i32
        %dma_start3A_243 = arith.constant 0 : i32
        %dma_start3A_244 = arith.constant 0 : i32
        %dma_start3A_245 = tpu.memref_slice %arg8[%dma_start3A_243, %dma_start3A_244] : memref<256x64xf32, #tpu.memory_space<vmem>> -> memref<128x64xf32, #tpu.memory_space<vmem>>
        %dma_start3A_246 = tpu.memref_slice %arg5[%mul3A_242] : memref<6400xi32, #tpu.memory_space<vmem>> -> memref<128xi32, #tpu.memory_space<vmem>>
        %dma_start3A_247 = arith.constant 0 : i32
        %dma_start3A_248 = arith.constant 0 : i32
        %dma_start3A_249 = tpu.memref_slice %arg2[%dma_start3A_247, %dma_start3A_248] : memref<1000000x64xf32, #tpu.memory_space<hbm>> -> memref<1000000x64xf32, #tpu.memory_space<hbm>>
        tpu.enqueue_indirect_dma source(%dma_start3A_249 : memref<1000000x64xf32, #tpu.memory_space<hbm>>) target(%dma_start3A_245 : memref<128x64xf32, #tpu.memory_space<vmem>>) offsets(%dma_start3A_246 : memref<128xi32, #tpu.memory_space<vmem>>) semaphore(%arg11 : memref<!tpu.dma_semaphore, #tpu.memory_space<semaphore_mem>>)
        %mul3A_250 = arith.constant 2 : i32
        %mul3A_251 = arith.muli %mul3A_250, %add3A_236 : i32
        %add3A_252 = arith.constant 1 : i32
        %add3A_253 = arith.addi %mul3A_251, %add3A_252 : i32
        %mul3A_254 = arith.constant 128 : i32
        %mul3A_255 = arith.muli %add3A_253, %mul3A_254 : i32
        %dma_start3A_256 = arith.constant 128 : i32
        %dma_start3A_257 = arith.constant 0 : i32
        %dma_start3A_258 = tpu.memref_slice %arg8[%dma_start3A_256, %dma_start3A_257] : memref<256x64xf32, #tpu.memory_space<vmem>> -> memref<128x64xf32, #tpu.memory_space<vmem>>
        %dma_start3A_259 = tpu.memref_slice %arg5[%mul3A_255] : memref<6400xi32, #tpu.memory_space<vmem>> -> memref<128xi32, #tpu.memory_space<vmem>>
        %dma_start3A_260 = arith.constant 0 : i32
        %dma_start3A_261 = arith.constant 0 : i32
        %dma_start3A_262 = tpu.memref_slice %arg2[%dma_start3A_260, %dma_start3A_261] : memref<1000000x64xf32, #tpu.memory_space<hbm>> -> memref<1000000x64xf32, #tpu.memory_space<hbm>>
        tpu.enqueue_indirect_dma source(%dma_start3A_262 : memref<1000000x64xf32, #tpu.memory_space<hbm>>) target(%dma_start3A_258 : memref<128x64xf32, #tpu.memory_space<vmem>>) offsets(%dma_start3A_259 : memref<128xi32, #tpu.memory_space<vmem>>) semaphore(%arg11 : memref<!tpu.dma_semaphore, #tpu.memory_space<semaphore_mem>>)
      } else {
      }
      %scan3A_163 = arith.constant 0 : i32
      %scan3A_164 = arith.constant 0 : i32
      %scan3A_165 = arith.constant 256 : i32
      %scan3A_166 = arith.addi %scan3A_164, %scan3A_165 : i32
      %scan3A_167 = arith.constant 8 : i32
      %scan3A_168 = scf.for %scan3A_231 = %scan3A_164 to %scan3A_166 step %scan3A_167 iter_args(%scan3A_232 = %scan3A_163) -> (i32)  : i32 {
        %get3A = arith.index_cast %scan3A_231 : i32 to index
        %get3A_233 = arith.constant 0 : index
        %get3A_234 = tpu.vector_load %arg7[%get3A, %get3A_233] {strides = array<i32>} : memref<256x64xf32, #tpu.memory_space<vmem>>, vector<1x16xf32>,
        %get3A_235 = vector.shape_cast %get3A_234 : vector<1x16xf32> to vector<16xf32>
        %mul3A_236 = arith.constant 8.000000e+00 : f32
        %mul3A_237 = vector.broadcast %mul3A_236 : f32 to vector<16xf32>
        %mul3A_238 = arith.mulf %get3A_235, %mul3A_237 : vector<16xf32>
        %swap3A = arith.index_cast %scan3A_231 : i32 to index
        %swap3A_239 = arith.constant 0 : index
        %swap3A_240 = tpu.vector_load %arg7[%swap3A, %swap3A_239] {strides = array<i32>} : memref<256x64xf32, #tpu.memory_space<vmem>>, vector<1x16xf32>,
        %swap3A_241 = vector.shape_cast %swap3A_240 : vector<1x16xf32> to vector<16xf32>
        %swap3A_242 = vector.shape_cast %mul3A_238 : vector<16xf32> to vector<1x16xf32>
        tpu.vector_store %arg7[%swap3A, %swap3A_239], %swap3A_242 {strides = array<i32>} : memref<256x64xf32, #tpu.memory_space<vmem>>, vector<1x16xf32>,
        %get3A_243 = arith.index_cast %scan3A_231 : i32 to index
        %get3A_244 = arith.constant 16 : index
        %get3A_245 = tpu.vector_load %arg7[%get3A_243, %get3A_244] {strides = array<i32>} : memref<256x64xf32, #tpu.memory_space<vmem>>, vector<1x16xf32>,
        %get3A_246 = vector.shape_cast %get3A_245 : vector<1x16xf32> to vector<16xf32>
        %mul3A_247 = arith.constant 8.000000e+00 : f32
        %mul3A_248 = vector.broadcast %mul3A_247 : f32 to vector<16xf32>
        %mul3A_249 = arith.mulf %get3A_246, %mul3A_248 : vector<16xf32>
        %swap3A_250 = arith.index_cast %scan3A_231 : i32 to index
        %swap3A_251 = arith.constant 16 : index
        %swap3A_252 = tpu.vector_load %arg7[%swap3A_250, %swap3A_251] {strides = array<i32>} : memref<256x64xf32, #tpu.memory_space<vmem>>, vector<1x16xf32>,
        %swap3A_253 = vector.shape_cast %swap3A_252 : vector<1x16xf32> to vector<16xf32>
        %swap3A_254 = vector.shape_cast %mul3A_249 : vector<16xf32> to vector<1x16xf32>
        tpu.vector_store %arg7[%swap3A_250, %swap3A_251], %swap3A_254 {strides = array<i32>} : memref<256x64xf32, #tpu.memory_space<vmem>>, vector<1x16xf32>,
        %get3A_255 = arith.index_cast %scan3A_231 : i32 to index
        %get3A_256 = arith.constant 32 : index
        %get3A_257 = tpu.vector_load %arg7[%get3A_255, %get3A_256] {strides = array<i32>} : memref<256x64xf32, #tpu.memory_space<vmem>>, vector<1x16xf32>,
        %get3A_258 = vector.shape_cast %get3A_257 : vector<1x16xf32> to vector<16xf32>
        %mul3A_259 = arith.constant 8.000000e+00 : f32
        %mul3A_260 = vector.broadcast %mul3A_259 : f32 to vector<16xf32>
        %mul3A_261 = arith.mulf %get3A_258, %mul3A_260 : vector<16xf32>
        %swap3A_262 = arith.index_cast %scan3A_231 : i32 to index
        %swap3A_263 = arith.constant 32 : index
        %swap3A_264 = tpu.vector_load %arg7[%swap3A_262, %swap3A_263] {strides = array<i32>} : memref<256x64xf32, #tpu.memory_space<vmem>>, vector<1x16xf32>,
        %swap3A_265 = vector.shape_cast %swap3A_264 : vector<1x16xf32> to vector<16xf32>
        %swap3A_266 = vector.shape_cast %mul3A_261 : vector<16xf32> to vector<1x16xf32>
        tpu.vector_store %arg7[%swap3A_262, %swap3A_263], %swap3A_266 {strides = array<i32>} : memref<256x64xf32, #tpu.memory_space<vmem>>, vector<1x16xf32>,
        %get3A_267 = arith.index_cast %scan3A_231 : i32 to index
        %get3A_268 = arith.constant 48 : index
        %get3A_269 = tpu.vector_load %arg7[%get3A_267, %get3A_268] {strides = array<i32>} : memref<256x64xf32, #tpu.memory_space<vmem>>, vector<1x16xf32>,
        %get3A_270 = vector.shape_cast %get3A_269 : vector<1x16xf32> to vector<16xf32>
        %mul3A_271 = arith.constant 8.000000e+00 : f32
        %mul3A_272 = vector.broadcast %mul3A_271 : f32 to vector<16xf32>
        %mul3A_273 = arith.mulf %get3A_270, %mul3A_272 : vector<16xf32>
        %swap3A_274 = arith.index_cast %scan3A_231 : i32 to index
        %swap3A_275 = arith.constant 48 : index
        %swap3A_276 = tpu.vector_load %arg7[%swap3A_274, %swap3A_275] {strides = array<i32>} : memref<256x64xf32, #tpu.memory_space<vmem>>, vector<1x16xf32>,
        %swap3A_277 = vector.shape_cast %swap3A_276 : vector<1x16xf32> to vector<16xf32>
        %swap3A_278 = vector.shape_cast %mul3A_273 : vector<16xf32> to vector<1x16xf32>
        tpu.vector_store %arg7[%swap3A_274, %swap3A_275], %swap3A_278 {strides = array<i32>} : memref<256x64xf32, #tpu.memory_space<vmem>>, vector<1x16xf32>,
        %scan3A_279 = arith.constant 0 : i32
        %scan3A_280 = arith.constant 1 : i32
        %scan3A_281 = arith.addi %scan3A_231, %scan3A_280 : i32
        %get3A_282 = arith.index_cast %scan3A_281 : i32 to index
        %get3A_283 = arith.constant 0 : index
        %get3A_284 = tpu.vector_load %arg7[%get3A_282, %get3A_283] {strides = array<i32>} : memref<256x64xf32, #tpu.memory_space<vmem>>, vector<1x16xf32>,
        %get3A_285 = vector.shape_cast %get3A_284 : vector<1x16xf32> to vector<16xf32>
        %mul3A_286 = arith.constant 8.000000e+00 : f32
        %mul3A_287 = vector.broadcast %mul3A_286 : f32 to vector<16xf32>
        %mul3A_288 = arith.mulf %get3A_285, %mul3A_287 : vector<16xf32>
        %swap3A_289 = arith.index_cast %scan3A_281 : i32 to index
        %swap3A_290 = arith.constant 0 : index
        %swap3A_291 = tpu.vector_load %arg7[%swap3A_289, %swap3A_290] {strides = array<i32>} : memref<256x64xf32, #tpu.memory_space<vmem>>, vector<1x16xf32>,
        %swap3A_292 = vector.shape_cast %swap3A_291 : vector<1x16xf32> to vector<16xf32>
        %swap3A_293 = vector.shape_cast %mul3A_288 : vector<16xf32> to vector<1x16xf32>
        tpu.vector_store %arg7[%swap3A_289, %swap3A_290], %swap3A_293 {strides = array<i32>} : memref<256x64xf32, #tpu.memory_space<vmem>>, vector<1x16xf32>,
        %get3A_294 = arith.index_cast %scan3A_281 : i32 to index
        %get3A_295 = arith.constant 16 : index
        %get3A_296 = tpu.vector_load %arg7[%get3A_294, %get3A_295] {strides = array<i32>} : memref<256x64xf32, #tpu.memory_space<vmem>>, vector<1x16xf32>,
        %get3A_297 = vector.shape_cast %get3A_296 : vector<1x16xf32> to vector<16xf32>
        %mul3A_298 = arith.constant 8.000000e+00 : f32
        %mul3A_299 = vector.broadcast %mul3A_298 : f32 to vector<16xf32>
        %mul3A_300 = arith.mulf %get3A_297, %mul3A_299 : vector<16xf32>
        %swap3A_301 = arith.index_cast %scan3A_281 : i32 to index
        %swap3A_302 = arith.constant 16 : index
        %swap3A_303 = tpu.vector_load %arg7[%swap3A_301, %swap3A_302] {strides = array<i32>} : memref<256x64xf32, #tpu.memory_space<vmem>>, vector<1x16xf32>,
        %swap3A_304 = vector.shape_cast %swap3A_303 : vector<1x16xf32> to vector<16xf32>
        %swap3A_305 = vector.shape_cast %mul3A_300 : vector<16xf32> to vector<1x16xf32>
        tpu.vector_store %arg7[%swap3A_301, %swap3A_302], %swap3A_305 {strides = array<i32>} : memref<256x64xf32, #tpu.memory_space<vmem>>, vector<1x16xf32>,
        %get3A_306 = arith.index_cast %scan3A_281 : i32 to index
        %get3A_307 = arith.constant 32 : index
        %get3A_308 = tpu.vector_load %arg7[%get3A_306, %get3A_307] {strides = array<i32>} : memref<256x64xf32, #tpu.memory_space<vmem>>, vector<1x16xf32>,
        %get3A_309 = vector.shape_cast %get3A_308 : vector<1x16xf32> to vector<16xf32>
        %mul3A_310 = arith.constant 8.000000e+00 : f32
        %mul3A_311 = vector.broadcast %mul3A_310 : f32 to vector<16xf32>
        %mul3A_312 = arith.mulf %get3A_309, %mul3A_311 : vector<16xf32>
        %swap3A_313 = arith.index_cast %scan3A_281 : i32 to index
        %swap3A_314 = arith.constant 32 : index
        %swap3A_315 = tpu.vector_load %arg7[%swap3A_313, %swap3A_314] {strides = array<i32>} : memref<256x64xf32, #tpu.memory_space<vmem>>, vector<1x16xf32>,
        %swap3A_316 = vector.shape_cast %swap3A_315 : vector<1x16xf32> to vector<16xf32>
        %swap3A_317 = vector.shape_cast %mul3A_312 : vector<16xf32> to vector<1x16xf32>
        tpu.vector_store %arg7[%swap3A_313, %swap3A_314], %swap3A_317 {strides = array<i32>} : memref<256x64xf32, #tpu.memory_space<vmem>>, vector<1x16xf32>,
        %get3A_318 = arith.index_cast %scan3A_281 : i32 to index
        %get3A_319 = arith.constant 48 : index
        %get3A_320 = tpu.vector_load %arg7[%get3A_318, %get3A_319] {strides = array<i32>} : memref<256x64xf32, #tpu.memory_space<vmem>>, vector<1x16xf32>,
        %get3A_321 = vector.shape_cast %get3A_320 : vector<1x16xf32> to vector<16xf32>
        %mul3A_322 = arith.constant 8.000000e+00 : f32
        %mul3A_323 = vector.broadcast %mul3A_322 : f32 to vector<16xf32>
        %mul3A_324 = arith.mulf %get3A_321, %mul3A_323 : vector<16xf32>
        %swap3A_325 = arith.index_cast %scan3A_281 : i32 to index
        %swap3A_326 = arith.constant 48 : index
        %swap3A_327 = tpu.vector_load %arg7[%swap3A_325, %swap3A_326] {strides = array<i32>} : memref<256x64xf32, #tpu.memory_space<vmem>>, vector<1x16xf32>,
        %swap3A_328 = vector.shape_cast %swap3A_327 : vector<1x16xf32> to vector<16xf32>
        %swap3A_329 = vector.shape_cast %mul3A_324 : vector<16xf32> to vector<1x16xf32>
        tpu.vector_store %arg7[%swap3A_325, %swap3A_326], %swap3A_329 {strides = array<i32>} : memref<256x64xf32, #tpu.memory_space<vmem>>, vector<1x16xf32>,
        %scan3A_330 = arith.constant 0 : i32
        %scan3A_331 = arith.constant 2 : i32
        %scan3A_332 = arith.addi %scan3A_231, %scan3A_331 : i32
        %get3A_333 = arith.index_cast %scan3A_332 : i32 to index
        %get3A_334 = arith.constant 0 : index
        %get3A_335 = tpu.vector_load %arg7[%get3A_333, %get3A_334] {strides = array<i32>} : memref<256x64xf32, #tpu.memory_space<vmem>>, vector<1x16xf32>,
        %get3A_336 = vector.shape_cast %get3A_335 : vector<1x16xf32> to vector<16xf32>
        %mul3A_337 = arith.constant 8.000000e+00 : f32
        %mul3A_338 = vector.broadcast %mul3A_337 : f32 to vector<16xf32>
        %mul3A_339 = arith.mulf %get3A_336, %mul3A_338 : vector<16xf32>
        %swap3A_340 = arith.index_cast %scan3A_332 : i32 to index
        %swap3A_341 = arith.constant 0 : index
        %swap3A_342 = tpu.vector_load %arg7[%swap3A_340, %swap3A_341] {strides = array<i32>} : memref<256x64xf32, #tpu.memory_space<vmem>>, vector<1x16xf32>,
        %swap3A_343 = vector.shape_cast %swap3A_342 : vector<1x16xf32> to vector<16xf32>
        %swap3A_344 = vector.shape_cast %mul3A_339 : vector<16xf32> to vector<1x16xf32>
        tpu.vector_store %arg7[%swap3A_340, %swap3A_341], %swap3A_344 {strides = array<i32>} : memref<256x64xf32, #tpu.memory_space<vmem>>, vector<1x16xf32>,
        %get3A_345 = arith.index_cast %scan3A_332 : i32 to index
        %get3A_346 = arith.constant 16 : index
        %get3A_347 = tpu.vector_load %arg7[%get3A_345, %get3A_346] {strides = array<i32>} : memref<256x64xf32, #tpu.memory_space<vmem>>, vector<1x16xf32>,
        %get3A_348 = vector.shape_cast %get3A_347 : vector<1x16xf32> to vector<16xf32>
        %mul3A_349 = arith.constant 8.000000e+00 : f32
        %mul3A_350 = vector.broadcast %mul3A_349 : f32 to vector<16xf32>
        %mul3A_351 = arith.mulf %get3A_348, %mul3A_350 : vector<16xf32>
        %swap3A_352 = arith.index_cast %scan3A_332 : i32 to index
        %swap3A_353 = arith.constant 16 : index
        %swap3A_354 = tpu.vector_load %arg7[%swap3A_352, %swap3A_353] {strides = array<i32>} : memref<256x64xf32, #tpu.memory_space<vmem>>, vector<1x16xf32>,
        %swap3A_355 = vector.shape_cast %swap3A_354 : vector<1x16xf32> to vector<16xf32>
        %swap3A_356 = vector.shape_cast %mul3A_351 : vector<16xf32> to vector<1x16xf32>
        tpu.vector_store %arg7[%swap3A_352, %swap3A_353], %swap3A_356 {strides = array<i32>} : memref<256x64xf32, #tpu.memory_space<vmem>>, vector<1x16xf32>,
        %get3A_357 = arith.index_cast %scan3A_332 : i32 to index
        %get3A_358 = arith.constant 32 : index
        %get3A_359 = tpu.vector_load %arg7[%get3A_357, %get3A_358] {strides = array<i32>} : memref<256x64xf32, #tpu.memory_space<vmem>>, vector<1x16xf32>,
        %get3A_360 = vector.shape_cast %get3A_359 : vector<1x16xf32> to vector<16xf32>
        %mul3A_361 = arith.constant 8.000000e+00 : f32
        %mul3A_362 = vector.broadcast %mul3A_361 : f32 to vector<16xf32>
        %mul3A_363 = arith.mulf %get3A_360, %mul3A_362 : vector<16xf32>
        %swap3A_364 = arith.index_cast %scan3A_332 : i32 to index
        %swap3A_365 = arith.constant 32 : index
        %swap3A_366 = tpu.vector_load %arg7[%swap3A_364, %swap3A_365] {strides = array<i32>} : memref<256x64xf32, #tpu.memory_space<vmem>>, vector<1x16xf32>,
        %swap3A_367 = vector.shape_cast %swap3A_366 : vector<1x16xf32> to vector<16xf32>
        %swap3A_368 = vector.shape_cast %mul3A_363 : vector<16xf32> to vector<1x16xf32>
        tpu.vector_store %arg7[%swap3A_364, %swap3A_365], %swap3A_368 {strides = array<i32>} : memref<256x64xf32, #tpu.memory_space<vmem>>, vector<1x16xf32>,
        %get3A_369 = arith.index_cast %scan3A_332 : i32 to index
        %get3A_370 = arith.constant 48 : index
        %get3A_371 = tpu.vector_load %arg7[%get3A_369, %get3A_370] {strides = array<i32>} : memref<256x64xf32, #tpu.memory_space<vmem>>, vector<1x16xf32>,
        %get3A_372 = vector.shape_cast %get3A_371 : vector<1x16xf32> to vector<16xf32>
        %mul3A_373 = arith.constant 8.000000e+00 : f32
        %mul3A_374 = vector.broadcast %mul3A_373 : f32 to vector<16xf32>
        %mul3A_375 = arith.mulf %get3A_372, %mul3A_374 : vector<16xf32>
        %swap3A_376 = arith.index_cast %scan3A_332 : i32 to index
        %swap3A_377 = arith.constant 48 : index
        %swap3A_378 = tpu.vector_load %arg7[%swap3A_376, %swap3A_377] {strides = array<i32>} : memref<256x64xf32, #tpu.memory_space<vmem>>, vector<1x16xf32>,
        %swap3A_379 = vector.shape_cast %swap3A_378 : vector<1x16xf32> to vector<16xf32>
        %swap3A_380 = vector.shape_cast %mul3A_375 : vector<16xf32> to vector<1x16xf32>
        tpu.vector_store %arg7[%swap3A_376, %swap3A_377], %swap3A_380 {strides = array<i32>} : memref<256x64xf32, #tpu.memory_space<vmem>>, vector<1x16xf32>,
        %scan3A_381 = arith.constant 0 : i32
        %scan3A_382 = arith.constant 3 : i32
        %scan3A_383 = arith.addi %scan3A_231, %scan3A_382 : i32
        %get3A_384 = arith.index_cast %scan3A_383 : i32 to index
        %get3A_385 = arith.constant 0 : index
        %get3A_386 = tpu.vector_load %arg7[%get3A_384, %get3A_385] {strides = array<i32>} : memref<256x64xf32, #tpu.memory_space<vmem>>, vector<1x16xf32>,
        %get3A_387 = vector.shape_cast %get3A_386 : vector<1x16xf32> to vector<16xf32>
        %mul3A_388 = arith.constant 8.000000e+00 : f32
        %mul3A_389 = vector.broadcast %mul3A_388 : f32 to vector<16xf32>
        %mul3A_390 = arith.mulf %get3A_387, %mul3A_389 : vector<16xf32>
        %swap3A_391 = arith.index_cast %scan3A_383 : i32 to index
        %swap3A_392 = arith.constant 0 : index
        %swap3A_393 = tpu.vector_load %arg7[%swap3A_391, %swap3A_392] {strides = array<i32>} : memref<256x64xf32, #tpu.memory_space<vmem>>, vector<1x16xf32>,
        %swap3A_394 = vector.shape_cast %swap3A_393 : vector<1x16xf32> to vector<16xf32>
        %swap3A_395 = vector.shape_cast %mul3A_390 : vector<16xf32> to vector<1x16xf32>
        tpu.vector_store %arg7[%swap3A_391, %swap3A_392], %swap3A_395 {strides = array<i32>} : memref<256x64xf32, #tpu.memory_space<vmem>>, vector<1x16xf32>,
        %get3A_396 = arith.index_cast %scan3A_383 : i32 to index
        %get3A_397 = arith.constant 16 : index
        %get3A_398 = tpu.vector_load %arg7[%get3A_396, %get3A_397] {strides = array<i32>} : memref<256x64xf32, #tpu.memory_space<vmem>>, vector<1x16xf32>,
        %get3A_399 = vector.shape_cast %get3A_398 : vector<1x16xf32> to vector<16xf32>
        %mul3A_400 = arith.constant 8.000000e+00 : f32
        %mul3A_401 = vector.broadcast %mul3A_400 : f32 to vector<16xf32>
        %mul3A_402 = arith.mulf %get3A_399, %mul3A_401 : vector<16xf32>
        %swap3A_403 = arith.index_cast %scan3A_383 : i32 to index
        %swap3A_404 = arith.constant 16 : index
        %swap3A_405 = tpu.vector_load %arg7[%swap3A_403, %swap3A_404] {strides = array<i32>} : memref<256x64xf32, #tpu.memory_space<vmem>>, vector<1x16xf32>,
        %swap3A_406 = vector.shape_cast %swap3A_405 : vector<1x16xf32> to vector<16xf32>
        %swap3A_407 = vector.shape_cast %mul3A_402 : vector<16xf32> to vector<1x16xf32>
        tpu.vector_store %arg7[%swap3A_403, %swap3A_404], %swap3A_407 {strides = array<i32>} : memref<256x64xf32, #tpu.memory_space<vmem>>, vector<1x16xf32>,
        %get3A_408 = arith.index_cast %scan3A_383 : i32 to index
        %get3A_409 = arith.constant 32 : index
        %get3A_410 = tpu.vector_load %arg7[%get3A_408, %get3A_409] {strides = array<i32>} : memref<256x64xf32, #tpu.memory_space<vmem>>, vector<1x16xf32>,
        %get3A_411 = vector.shape_cast %get3A_410 : vector<1x16xf32> to vector<16xf32>
        %mul3A_412 = arith.constant 8.000000e+00 : f32
        %mul3A_413 = vector.broadcast %mul3A_412 : f32 to vector<16xf32>
        %mul3A_414 = arith.mulf %get3A_411, %mul3A_413 : vector<16xf32>
        %swap3A_415 = arith.index_cast %scan3A_383 : i32 to index
        %swap3A_416 = arith.constant 32 : index
        %swap3A_417 = tpu.vector_load %arg7[%swap3A_415, %swap3A_416] {strides = array<i32>} : memref<256x64xf32, #tpu.memory_space<vmem>>, vector<1x16xf32>,
        %swap3A_418 = vector.shape_cast %swap3A_417 : vector<1x16xf32> to vector<16xf32>
        %swap3A_419 = vector.shape_cast %mul3A_414 : vector<16xf32> to vector<1x16xf32>
        tpu.vector_store %arg7[%swap3A_415, %swap3A_416], %swap3A_419 {strides = array<i32>} : memref<256x64xf32, #tpu.memory_space<vmem>>, vector<1x16xf32>,
        %get3A_420 = arith.index_cast %scan3A_383 : i32 to index
        %get3A_421 = arith.constant 48 : index
        %get3A_422 = tpu.vector_load %arg7[%get3A_420, %get3A_421] {strides = array<i32>} : memref<256x64xf32, #tpu.memory_space<vmem>>, vector<1x16xf32>,
        %get3A_423 = vector.shape_cast %get3A_422 : vector<1x16xf32> to vector<16xf32>
        %mul3A_424 = arith.constant 8.000000e+00 : f32
        %mul3A_425 = vector.broadcast %mul3A_424 : f32 to vector<16xf32>
        %mul3A_426 = arith.mulf %get3A_423, %mul3A_425 : vector<16xf32>
        %swap3A_427 = arith.index_cast %scan3A_383 : i32 to index
        %swap3A_428 = arith.constant 48 : index
        %swap3A_429 = tpu.vector_load %arg7[%swap3A_427, %swap3A_428] {strides = array<i32>} : memref<256x64xf32, #tpu.memory_space<vmem>>, vector<1x16xf32>,
        %swap3A_430 = vector.shape_cast %swap3A_429 : vector<1x16xf32> to vector<16xf32>
        %swap3A_431 = vector.shape_cast %mul3A_426 : vector<16xf32> to vector<1x16xf32>
        tpu.vector_store %arg7[%swap3A_427, %swap3A_428], %swap3A_431 {strides = array<i32>} : memref<256x64xf32, #tpu.memory_space<vmem>>, vector<1x16xf32>,
        %scan3A_432 = arith.constant 0 : i32
        %scan3A_433 = arith.constant 4 : i32
        %scan3A_434 = arith.addi %scan3A_231, %scan3A_433 : i32
        %get3A_435 = arith.index_cast %scan3A_434 : i32 to index
        %get3A_436 = arith.constant 0 : index
        %get3A_437 = tpu.vector_load %arg7[%get3A_435, %get3A_436] {strides = array<i32>} : memref<256x64xf32, #tpu.memory_space<vmem>>, vector<1x16xf32>,
        %get3A_438 = vector.shape_cast %get3A_437 : vector<1x16xf32> to vector<16xf32>
        %mul3A_439 = arith.constant 8.000000e+00 : f32
        %mul3A_440 = vector.broadcast %mul3A_439 : f32 to vector<16xf32>
        %mul3A_441 = arith.mulf %get3A_438, %mul3A_440 : vector<16xf32>
        %swap3A_442 = arith.index_cast %scan3A_434 : i32 to index
        %swap3A_443 = arith.constant 0 : index
        %swap3A_444 = tpu.vector_load %arg7[%swap3A_442, %swap3A_443] {strides = array<i32>} : memref<256x64xf32, #tpu.memory_space<vmem>>, vector<1x16xf32>,
        %swap3A_445 = vector.shape_cast %swap3A_444 : vector<1x16xf32> to vector<16xf32>
        %swap3A_446 = vector.shape_cast %mul3A_441 : vector<16xf32> to vector<1x16xf32>
        tpu.vector_store %arg7[%swap3A_442, %swap3A_443], %swap3A_446 {strides = array<i32>} : memref<256x64xf32, #tpu.memory_space<vmem>>, vector<1x16xf32>,
        %get3A_447 = arith.index_cast %scan3A_434 : i32 to index
        %get3A_448 = arith.constant 16 : index
        %get3A_449 = tpu.vector_load %arg7[%get3A_447, %get3A_448] {strides = array<i32>} : memref<256x64xf32, #tpu.memory_space<vmem>>, vector<1x16xf32>,
        %get3A_450 = vector.shape_cast %get3A_449 : vector<1x16xf32> to vector<16xf32>
        %mul3A_451 = arith.constant 8.000000e+00 : f32
        %mul3A_452 = vector.broadcast %mul3A_451 : f32 to vector<16xf32>
        %mul3A_453 = arith.mulf %get3A_450, %mul3A_452 : vector<16xf32>
        %swap3A_454 = arith.index_cast %scan3A_434 : i32 to index
        %swap3A_455 = arith.constant 16 : index
        %swap3A_456 = tpu.vector_load %arg7[%swap3A_454, %swap3A_455] {strides = array<i32>} : memref<256x64xf32, #tpu.memory_space<vmem>>, vector<1x16xf32>,
        %swap3A_457 = vector.shape_cast %swap3A_456 : vector<1x16xf32> to vector<16xf32>
        %swap3A_458 = vector.shape_cast %mul3A_453 : vector<16xf32> to vector<1x16xf32>
        tpu.vector_store %arg7[%swap3A_454, %swap3A_455], %swap3A_458 {strides = array<i32>} : memref<256x64xf32, #tpu.memory_space<vmem>>, vector<1x16xf32>,
        %get3A_459 = arith.index_cast %scan3A_434 : i32 to index
        %get3A_460 = arith.constant 32 : index
        %get3A_461 = tpu.vector_load %arg7[%get3A_459, %get3A_460] {strides = array<i32>} : memref<256x64xf32, #tpu.memory_space<vmem>>, vector<1x16xf32>,
        %get3A_462 = vector.shape_cast %get3A_461 : vector<1x16xf32> to vector<16xf32>
        %mul3A_463 = arith.constant 8.000000e+00 : f32
        %mul3A_464 = vector.broadcast %mul3A_463 : f32 to vector<16xf32>
        %mul3A_465 = arith.mulf %get3A_462, %mul3A_464 : vector<16xf32>
        %swap3A_466 = arith.index_cast %scan3A_434 : i32 to index
        %swap3A_467 = arith.constant 32 : index
        %swap3A_468 = tpu.vector_load %arg7[%swap3A_466, %swap3A_467] {strides = array<i32>} : memref<256x64xf32, #tpu.memory_space<vmem>>, vector<1x16xf32>,
        %swap3A_469 = vector.shape_cast %swap3A_468 : vector<1x16xf32> to vector<16xf32>
        %swap3A_470 = vector.shape_cast %mul3A_465 : vector<16xf32> to vector<1x16xf32>
        tpu.vector_store %arg7[%swap3A_466, %swap3A_467], %swap3A_470 {strides = array<i32>} : memref<256x64xf32, #tpu.memory_space<vmem>>, vector<1x16xf32>,
        %get3A_471 = arith.index_cast %scan3A_434 : i32 to index
        %get3A_472 = arith.constant 48 : index
        %get3A_473 = tpu.vector_load %arg7[%get3A_471, %get3A_472] {strides = array<i32>} : memref<256x64xf32, #tpu.memory_space<vmem>>, vector<1x16xf32>,
        %get3A_474 = vector.shape_cast %get3A_473 : vector<1x16xf32> to vector<16xf32>
        %mul3A_475 = arith.constant 8.000000e+00 : f32
        %mul3A_476 = vector.broadcast %mul3A_475 : f32 to vector<16xf32>
        %mul3A_477 = arith.mulf %get3A_474, %mul3A_476 : vector<16xf32>
        %swap3A_478 = arith.index_cast %scan3A_434 : i32 to index
        %swap3A_479 = arith.constant 48 : index
        %swap3A_480 = tpu.vector_load %arg7[%swap3A_478, %swap3A_479] {strides = array<i32>} : memref<256x64xf32, #tpu.memory_space<vmem>>, vector<1x16xf32>,
        %swap3A_481 = vector.shape_cast %swap3A_480 : vector<1x16xf32> to vector<16xf32>
        %swap3A_482 = vector.shape_cast %mul3A_477 : vector<16xf32> to vector<1x16xf32>
        tpu.vector_store %arg7[%swap3A_478, %swap3A_479], %swap3A_482 {strides = array<i32>} : memref<256x64xf32, #tpu.memory_space<vmem>>, vector<1x16xf32>,
        %scan3A_483 = arith.constant 0 : i32
        %scan3A_484 = arith.constant 5 : i32
        %scan3A_485 = arith.addi %scan3A_231, %scan3A_484 : i32
        %get3A_486 = arith.index_cast %scan3A_485 : i32 to index
        %get3A_487 = arith.constant 0 : index
        %get3A_488 = tpu.vector_load %arg7[%get3A_486, %get3A_487] {strides = array<i32>} : memref<256x64xf32, #tpu.memory_space<vmem>>, vector<1x16xf32>,
        %get3A_489 = vector.shape_cast %get3A_488 : vector<1x16xf32> to vector<16xf32>
        %mul3A_490 = arith.constant 8.000000e+00 : f32
        %mul3A_491 = vector.broadcast %mul3A_490 : f32 to vector<16xf32>
        %mul3A_492 = arith.mulf %get3A_489, %mul3A_491 : vector<16xf32>
        %swap3A_493 = arith.index_cast %scan3A_485 : i32 to index
        %swap3A_494 = arith.constant 0 : index
        %swap3A_495 = tpu.vector_load %arg7[%swap3A_493, %swap3A_494] {strides = array<i32>} : memref<256x64xf32, #tpu.memory_space<vmem>>, vector<1x16xf32>,
        %swap3A_496 = vector.shape_cast %swap3A_495 : vector<1x16xf32> to vector<16xf32>
        %swap3A_497 = vector.shape_cast %mul3A_492 : vector<16xf32> to vector<1x16xf32>
        tpu.vector_store %arg7[%swap3A_493, %swap3A_494], %swap3A_497 {strides = array<i32>} : memref<256x64xf32, #tpu.memory_space<vmem>>, vector<1x16xf32>,
        %get3A_498 = arith.index_cast %scan3A_485 : i32 to index
        %get3A_499 = arith.constant 16 : index
        %get3A_500 = tpu.vector_load %arg7[%get3A_498, %get3A_499] {strides = array<i32>} : memref<256x64xf32, #tpu.memory_space<vmem>>, vector<1x16xf32>,
        %get3A_501 = vector.shape_cast %get3A_500 : vector<1x16xf32> to vector<16xf32>
        %mul3A_502 = arith.constant 8.000000e+00 : f32
        %mul3A_503 = vector.broadcast %mul3A_502 : f32 to vector<16xf32>
        %mul3A_504 = arith.mulf %get3A_501, %mul3A_503 : vector<16xf32>
        %swap3A_505 = arith.index_cast %scan3A_485 : i32 to index
        %swap3A_506 = arith.constant 16 : index
        %swap3A_507 = tpu.vector_load %arg7[%swap3A_505, %swap3A_506] {strides = array<i32>} : memref<256x64xf32, #tpu.memory_space<vmem>>, vector<1x16xf32>,
        %swap3A_508 = vector.shape_cast %swap3A_507 : vector<1x16xf32> to vector<16xf32>
        %swap3A_509 = vector.shape_cast %mul3A_504 : vector<16xf32> to vector<1x16xf32>
        tpu.vector_store %arg7[%swap3A_505, %swap3A_506], %swap3A_509 {strides = array<i32>} : memref<256x64xf32, #tpu.memory_space<vmem>>, vector<1x16xf32>,
        %get3A_510 = arith.index_cast %scan3A_485 : i32 to index
        %get3A_511 = arith.constant 32 : index
        %get3A_512 = tpu.vector_load %arg7[%get3A_510, %get3A_511] {strides = array<i32>} : memref<256x64xf32, #tpu.memory_space<vmem>>, vector<1x16xf32>,
        %get3A_513 = vector.shape_cast %get3A_512 : vector<1x16xf32> to vector<16xf32>
        %mul3A_514 = arith.constant 8.000000e+00 : f32
        %mul3A_515 = vector.broadcast %mul3A_514 : f32 to vector<16xf32>
        %mul3A_516 = arith.mulf %get3A_513, %mul3A_515 : vector<16xf32>
        %swap3A_517 = arith.index_cast %scan3A_485 : i32 to index
        %swap3A_518 = arith.constant 32 : index
        %swap3A_519 = tpu.vector_load %arg7[%swap3A_517, %swap3A_518] {strides = array<i32>} : memref<256x64xf32, #tpu.memory_space<vmem>>, vector<1x16xf32>,
        %swap3A_520 = vector.shape_cast %swap3A_519 : vector<1x16xf32> to vector<16xf32>
        %swap3A_521 = vector.shape_cast %mul3A_516 : vector<16xf32> to vector<1x16xf32>
        tpu.vector_store %arg7[%swap3A_517, %swap3A_518], %swap3A_521 {strides = array<i32>} : memref<256x64xf32, #tpu.memory_space<vmem>>, vector<1x16xf32>,
        %get3A_522 = arith.index_cast %scan3A_485 : i32 to index
        %get3A_523 = arith.constant 48 : index
        %get3A_524 = tpu.vector_load %arg7[%get3A_522, %get3A_523] {strides = array<i32>} : memref<256x64xf32, #tpu.memory_space<vmem>>, vector<1x16xf32>,
        %get3A_525 = vector.shape_cast %get3A_524 : vector<1x16xf32> to vector<16xf32>
        %mul3A_526 = arith.constant 8.000000e+00 : f32
        %mul3A_527 = vector.broadcast %mul3A_526 : f32 to vector<16xf32>
        %mul3A_528 = arith.mulf %get3A_525, %mul3A_527 : vector<16xf32>
        %swap3A_529 = arith.index_cast %scan3A_485 : i32 to index
        %swap3A_530 = arith.constant 48 : index
        %swap3A_531 = tpu.vector_load %arg7[%swap3A_529, %swap3A_530] {strides = array<i32>} : memref<256x64xf32, #tpu.memory_space<vmem>>, vector<1x16xf32>,
        %swap3A_532 = vector.shape_cast %swap3A_531 : vector<1x16xf32> to vector<16xf32>
        %swap3A_533 = vector.shape_cast %mul3A_528 : vector<16xf32> to vector<1x16xf32>
        tpu.vector_store %arg7[%swap3A_529, %swap3A_530], %swap3A_533 {strides = array<i32>} : memref<256x64xf32, #tpu.memory_space<vmem>>, vector<1x16xf32>,
        %scan3A_534 = arith.constant 0 : i32
        %scan3A_535 = arith.constant 6 : i32
        %scan3A_536 = arith.addi %scan3A_231, %scan3A_535 : i32
        %get3A_537 = arith.index_cast %scan3A_536 : i32 to index
        %get3A_538 = arith.constant 0 : index
        %get3A_539 = tpu.vector_load %arg7[%get3A_537, %get3A_538] {strides = array<i32>} : memref<256x64xf32, #tpu.memory_space<vmem>>, vector<1x16xf32>,
        %get3A_540 = vector.shape_cast %get3A_539 : vector<1x16xf32> to vector<16xf32>
        %mul3A_541 = arith.constant 8.000000e+00 : f32
        %mul3A_542 = vector.broadcast %mul3A_541 : f32 to vector<16xf32>
        %mul3A_543 = arith.mulf %get3A_540, %mul3A_542 : vector<16xf32>
        %swap3A_544 = arith.index_cast %scan3A_536 : i32 to index
        %swap3A_545 = arith.constant 0 : index
        %swap3A_546 = tpu.vector_load %arg7[%swap3A_544, %swap3A_545] {strides = array<i32>} : memref<256x64xf32, #tpu.memory_space<vmem>>, vector<1x16xf32>,
        %swap3A_547 = vector.shape_cast %swap3A_546 : vector<1x16xf32> to vector<16xf32>
        %swap3A_548 = vector.shape_cast %mul3A_543 : vector<16xf32> to vector<1x16xf32>
        tpu.vector_store %arg7[%swap3A_544, %swap3A_545], %swap3A_548 {strides = array<i32>} : memref<256x64xf32, #tpu.memory_space<vmem>>, vector<1x16xf32>,
        %get3A_549 = arith.index_cast %scan3A_536 : i32 to index
        %get3A_550 = arith.constant 16 : index
        %get3A_551 = tpu.vector_load %arg7[%get3A_549, %get3A_550] {strides = array<i32>} : memref<256x64xf32, #tpu.memory_space<vmem>>, vector<1x16xf32>,
        %get3A_552 = vector.shape_cast %get3A_551 : vector<1x16xf32> to vector<16xf32>
        %mul3A_553 = arith.constant 8.000000e+00 : f32
        %mul3A_554 = vector.broadcast %mul3A_553 : f32 to vector<16xf32>
        %mul3A_555 = arith.mulf %get3A_552, %mul3A_554 : vector<16xf32>
        %swap3A_556 = arith.index_cast %scan3A_536 : i32 to index
        %swap3A_557 = arith.constant 16 : index
        %swap3A_558 = tpu.vector_load %arg7[%swap3A_556, %swap3A_557] {strides = array<i32>} : memref<256x64xf32, #tpu.memory_space<vmem>>, vector<1x16xf32>,
        %swap3A_559 = vector.shape_cast %swap3A_558 : vector<1x16xf32> to vector<16xf32>
        %swap3A_560 = vector.shape_cast %mul3A_555 : vector<16xf32> to vector<1x16xf32>
        tpu.vector_store %arg7[%swap3A_556, %swap3A_557], %swap3A_560 {strides = array<i32>} : memref<256x64xf32, #tpu.memory_space<vmem>>, vector<1x16xf32>,
        %get3A_561 = arith.index_cast %scan3A_536 : i32 to index
        %get3A_562 = arith.constant 32 : index
        %get3A_563 = tpu.vector_load %arg7[%get3A_561, %get3A_562] {strides = array<i32>} : memref<256x64xf32, #tpu.memory_space<vmem>>, vector<1x16xf32>,
        %get3A_564 = vector.shape_cast %get3A_563 : vector<1x16xf32> to vector<16xf32>
        %mul3A_565 = arith.constant 8.000000e+00 : f32
        %mul3A_566 = vector.broadcast %mul3A_565 : f32 to vector<16xf32>
        %mul3A_567 = arith.mulf %get3A_564, %mul3A_566 : vector<16xf32>
        %swap3A_568 = arith.index_cast %scan3A_536 : i32 to index
        %swap3A_569 = arith.constant 32 : index
        %swap3A_570 = tpu.vector_load %arg7[%swap3A_568, %swap3A_569] {strides = array<i32>} : memref<256x64xf32, #tpu.memory_space<vmem>>, vector<1x16xf32>,
        %swap3A_571 = vector.shape_cast %swap3A_570 : vector<1x16xf32> to vector<16xf32>
        %swap3A_572 = vector.shape_cast %mul3A_567 : vector<16xf32> to vector<1x16xf32>
        tpu.vector_store %arg7[%swap3A_568, %swap3A_569], %swap3A_572 {strides = array<i32>} : memref<256x64xf32, #tpu.memory_space<vmem>>, vector<1x16xf32>,
        %get3A_573 = arith.index_cast %scan3A_536 : i32 to index
        %get3A_574 = arith.constant 48 : index
        %get3A_575 = tpu.vector_load %arg7[%get3A_573, %get3A_574] {strides = array<i32>} : memref<256x64xf32, #tpu.memory_space<vmem>>, vector<1x16xf32>,
        %get3A_576 = vector.shape_cast %get3A_575 : vector<1x16xf32> to vector<16xf32>
        %mul3A_577 = arith.constant 8.000000e+00 : f32
        %mul3A_578 = vector.broadcast %mul3A_577 : f32 to vector<16xf32>
        %mul3A_579 = arith.mulf %get3A_576, %mul3A_578 : vector<16xf32>
        %swap3A_580 = arith.index_cast %scan3A_536 : i32 to index
        %swap3A_581 = arith.constant 48 : index
        %swap3A_582 = tpu.vector_load %arg7[%swap3A_580, %swap3A_581] {strides = array<i32>} : memref<256x64xf32, #tpu.memory_space<vmem>>, vector<1x16xf32>,
        %swap3A_583 = vector.shape_cast %swap3A_582 : vector<1x16xf32> to vector<16xf32>
        %swap3A_584 = vector.shape_cast %mul3A_579 : vector<16xf32> to vector<1x16xf32>
        tpu.vector_store %arg7[%swap3A_580, %swap3A_581], %swap3A_584 {strides = array<i32>} : memref<256x64xf32, #tpu.memory_space<vmem>>, vector<1x16xf32>,
        %scan3A_585 = arith.constant 0 : i32
        %scan3A_586 = arith.constant 7 : i32
        %scan3A_587 = arith.addi %scan3A_231, %scan3A_586 : i32
        %get3A_588 = arith.index_cast %scan3A_587 : i32 to index
        %get3A_589 = arith.constant 0 : index
        %get3A_590 = tpu.vector_load %arg7[%get3A_588, %get3A_589] {strides = array<i32>} : memref<256x64xf32, #tpu.memory_space<vmem>>, vector<1x16xf32>,
        %get3A_591 = vector.shape_cast %get3A_590 : vector<1x16xf32> to vector<16xf32>
        %mul3A_592 = arith.constant 8.000000e+00 : f32
        %mul3A_593 = vector.broadcast %mul3A_592 : f32 to vector<16xf32>
        %mul3A_594 = arith.mulf %get3A_591, %mul3A_593 : vector<16xf32>
        %swap3A_595 = arith.index_cast %scan3A_587 : i32 to index
        %swap3A_596 = arith.constant 0 : index
        %swap3A_597 = tpu.vector_load %arg7[%swap3A_595, %swap3A_596] {strides = array<i32>} : memref<256x64xf32, #tpu.memory_space<vmem>>, vector<1x16xf32>,
        %swap3A_598 = vector.shape_cast %swap3A_597 : vector<1x16xf32> to vector<16xf32>
        %swap3A_599 = vector.shape_cast %mul3A_594 : vector<16xf32> to vector<1x16xf32>
        tpu.vector_store %arg7[%swap3A_595, %swap3A_596], %swap3A_599 {strides = array<i32>} : memref<256x64xf32, #tpu.memory_space<vmem>>, vector<1x16xf32>,
        %get3A_600 = arith.index_cast %scan3A_587 : i32 to index
        %get3A_601 = arith.constant 16 : index
        %get3A_602 = tpu.vector_load %arg7[%get3A_600, %get3A_601] {strides = array<i32>} : memref<256x64xf32, #tpu.memory_space<vmem>>, vector<1x16xf32>,
        %get3A_603 = vector.shape_cast %get3A_602 : vector<1x16xf32> to vector<16xf32>
        %mul3A_604 = arith.constant 8.000000e+00 : f32
        %mul3A_605 = vector.broadcast %mul3A_604 : f32 to vector<16xf32>
        %mul3A_606 = arith.mulf %get3A_603, %mul3A_605 : vector<16xf32>
        %swap3A_607 = arith.index_cast %scan3A_587 : i32 to index
        %swap3A_608 = arith.constant 16 : index
        %swap3A_609 = tpu.vector_load %arg7[%swap3A_607, %swap3A_608] {strides = array<i32>} : memref<256x64xf32, #tpu.memory_space<vmem>>, vector<1x16xf32>,
        %swap3A_610 = vector.shape_cast %swap3A_609 : vector<1x16xf32> to vector<16xf32>
        %swap3A_611 = vector.shape_cast %mul3A_606 : vector<16xf32> to vector<1x16xf32>
        tpu.vector_store %arg7[%swap3A_607, %swap3A_608], %swap3A_611 {strides = array<i32>} : memref<256x64xf32, #tpu.memory_space<vmem>>, vector<1x16xf32>,
        %get3A_612 = arith.index_cast %scan3A_587 : i32 to index
        %get3A_613 = arith.constant 32 : index
        %get3A_614 = tpu.vector_load %arg7[%get3A_612, %get3A_613] {strides = array<i32>} : memref<256x64xf32, #tpu.memory_space<vmem>>, vector<1x16xf32>,
        %get3A_615 = vector.shape_cast %get3A_614 : vector<1x16xf32> to vector<16xf32>
        %mul3A_616 = arith.constant 8.000000e+00 : f32
        %mul3A_617 = vector.broadcast %mul3A_616 : f32 to vector<16xf32>
        %mul3A_618 = arith.mulf %get3A_615, %mul3A_617 : vector<16xf32>
        %swap3A_619 = arith.index_cast %scan3A_587 : i32 to index
        %swap3A_620 = arith.constant 32 : index
        %swap3A_621 = tpu.vector_load %arg7[%swap3A_619, %swap3A_620] {strides = array<i32>} : memref<256x64xf32, #tpu.memory_space<vmem>>, vector<1x16xf32>,
        %swap3A_622 = vector.shape_cast %swap3A_621 : vector<1x16xf32> to vector<16xf32>
        %swap3A_623 = vector.shape_cast %mul3A_618 : vector<16xf32> to vector<1x16xf32>
        tpu.vector_store %arg7[%swap3A_619, %swap3A_620], %swap3A_623 {strides = array<i32>} : memref<256x64xf32, #tpu.memory_space<vmem>>, vector<1x16xf32>,
        %get3A_624 = arith.index_cast %scan3A_587 : i32 to index
        %get3A_625 = arith.constant 48 : index
        %get3A_626 = tpu.vector_load %arg7[%get3A_624, %get3A_625] {strides = array<i32>} : memref<256x64xf32, #tpu.memory_space<vmem>>, vector<1x16xf32>,
        %get3A_627 = vector.shape_cast %get3A_626 : vector<1x16xf32> to vector<16xf32>
        %mul3A_628 = arith.constant 8.000000e+00 : f32
        %mul3A_629 = vector.broadcast %mul3A_628 : f32 to vector<16xf32>
        %mul3A_630 = arith.mulf %get3A_627, %mul3A_629 : vector<16xf32>
        %swap3A_631 = arith.index_cast %scan3A_587 : i32 to index
        %swap3A_632 = arith.constant 48 : index
        %swap3A_633 = tpu.vector_load %arg7[%swap3A_631, %swap3A_632] {strides = array<i32>} : memref<256x64xf32, #tpu.memory_space<vmem>>, vector<1x16xf32>,
        %swap3A_634 = vector.shape_cast %swap3A_633 : vector<1x16xf32> to vector<16xf32>
        %swap3A_635 = vector.shape_cast %mul3A_630 : vector<16xf32> to vector<1x16xf32>
        tpu.vector_store %arg7[%swap3A_631, %swap3A_632], %swap3A_635 {strides = array<i32>} : memref<256x64xf32, #tpu.memory_space<vmem>>, vector<1x16xf32>,
        %scan3A_636 = arith.constant 0 : i32
        scf.yield %scan3A_636 : i32
      }
      %scan3A_169 = arith.constant 256 : i32
      %mul3A_170 = arith.constant 2 : i32
      %mul3A_171 = arith.muli %mul3A_170, %add3A_131 : i32
      %mul3A_172 = arith.constant 128 : i32
      %mul3A_173 = arith.muli %mul3A_171, %mul3A_172 : i32
      %add3A_174 = arith.addi %mul3A_2, %mul3A_173 : i32
      %dma_start3A_175 = arith.constant 0 : i32
      %dma_start3A_176 = tpu.memref_slice %arg4[%add3A_174, %dma_start3A_175] : memref<204800x64xf32, #tpu.memory_space<hbm>> -> memref<256x64xf32, #tpu.memory_space<hbm>>
      %dma_start3A_177 = arith.constant 0 : i32
      %dma_start3A_178 = tpu.memref_slice %arg4[%add3A_174, %dma_start3A_177] : memref<204800x64xf32, #tpu.memory_space<hbm>> -> memref<256x64xf32, #tpu.memory_space<hbm>>
      tpu.enqueue_dma source(%arg7 : memref<256x64xf32, #tpu.memory_space<vmem>>) target(%dma_start3A_178 : memref<256x64xf32, #tpu.memory_space<hbm>>) target_semaphore(%arg13 : memref<!tpu.dma_semaphore, #tpu.memory_space<semaphore_mem>>)
      %mul3A_179 = arith.constant 3 : i32
      %mul3A_180 = arith.muli %scan3A_78, %mul3A_179 : i32
      %add3A_181 = arith.constant 2 : i32
      %add3A_182 = arith.addi %mul3A_180, %add3A_181 : i32
      %dma_wait3A_183 = arith.constant 0 : i32
      %dma_wait3A_184 = arith.constant 0 : i32
      %dma_wait3A_185 = tpu.memref_slice %arg8[%dma_wait3A_183, %dma_wait3A_184] : memref<256x64xf32, #tpu.memory_space<vmem>> -> memref<128x64xf32, #tpu.memory_space<vmem>>
      %dma_wait3A_186 = arith.constant 0 : i32
      %dma_wait3A_187 = arith.constant 0 : i32
      %dma_wait3A_188 = tpu.memref_slice %arg2[%dma_wait3A_186, %dma_wait3A_187] : memref<1000000x64xf32, #tpu.memory_space<hbm>> -> memref<128x64xf32, #tpu.memory_space<hbm>>
      %dma_wait3A_189 = arith.constant 0 : i32
      %dma_wait3A_190 = arith.constant 0 : i32
      %dma_wait3A_191 = tpu.memref_slice %arg8[%dma_wait3A_189, %dma_wait3A_190] : memref<256x64xf32, #tpu.memory_space<vmem>> -> memref<128x64xf32, #tpu.memory_space<vmem>>
      %dma_wait3A_192 = arith.constant 0 : i32
      %dma_wait3A_193 = arith.constant 0 : i32
      %dma_wait3A_194 = tpu.memref_slice %arg2[%dma_wait3A_192, %dma_wait3A_193] : memref<1000000x64xf32, #tpu.memory_space<hbm>> -> memref<128x64xf32, #tpu.memory_space<hbm>>
      tpu.wait_dma2 semaphore(%arg11 : memref<!tpu.dma_semaphore, #tpu.memory_space<semaphore_mem>>) src(%dma_wait3A_194 : memref<128x64xf32, #tpu.memory_space<hbm>>) dst(%dma_wait3A_191 : memref<128x64xf32, #tpu.memory_space<vmem>>)
      %dma_wait3A_195 = arith.constant 128 : i32
      %dma_wait3A_196 = arith.constant 0 : i32
      %dma_wait3A_197 = tpu.memref_slice %arg8[%dma_wait3A_195, %dma_wait3A_196] : memref<256x64xf32, #tpu.memory_space<vmem>> -> memref<128x64xf32, #tpu.memory_space<vmem>>
      %dma_wait3A_198 = arith.constant 0 : i32
      %dma_wait3A_199 = arith.constant 0 : i32
      %dma_wait3A_200 = tpu.memref_slice %arg2[%dma_wait3A_198, %dma_wait3A_199] : memref<1000000x64xf32, #tpu.memory_space<hbm>> -> memref<128x64xf32, #tpu.memory_space<hbm>>
      %dma_wait3A_201 = arith.constant 128 : i32
      %dma_wait3A_202 = arith.constant 0 : i32
      %dma_wait3A_203 = tpu.memref_slice %arg8[%dma_wait3A_201, %dma_wait3A_202] : memref<256x64xf32, #tpu.memory_space<vmem>> -> memref<128x64xf32, #tpu.memory_space<vmem>>
      %dma_wait3A_204 = arith.constant 0 : i32
      %dma_wait3A_205 = arith.constant 0 : i32
      %dma_wait3A_206 = tpu.memref_slice %arg2[%dma_wait3A_204, %dma_wait3A_205] : memref<1000000x64xf32, #tpu.memory_space<hbm>> -> memref<128x64xf32, #tpu.memory_space<hbm>>
      tpu.wait_dma2 semaphore(%arg11 : memref<!tpu.dma_semaphore, #tpu.memory_space<semaphore_mem>>) src(%dma_wait3A_206 : memref<128x64xf32, #tpu.memory_space<hbm>>) dst(%dma_wait3A_203 : memref<128x64xf32, #tpu.memory_space<vmem>>)
      %add3A_207 = arith.constant 1 : i32
      %add3A_208 = arith.addi %add3A_182, %add3A_207 : i32
      %lt3A_209 = arith.constant 25 : i32
      %lt3A_210 = arith.cmpi slt, %add3A_208, %lt3A_209 : i32
      %convert_element_type3A_211 = arith.extui %lt3A_210 : i1 to i32
      %cond3A_212 = arith.constant 0 : i32
      %cond3A_213 = arith.cmpi ne, %convert_element_type3A_211, %cond3A_212 : i32
      scf.if %cond3A_213 {
        %ge3A = arith.constant 2 : i32
        %ge3A_231 = arith.cmpi sge, %add3A_182, %ge3A : i32
        %convert_element_type3A_232 = arith.extui %ge3A_231 : i1 to i32
        %cond3A_233 = arith.constant 0 : i32
        %cond3A_234 = arith.cmpi ne, %convert_element_type3A_232, %cond3A_233 : i32
        scf.if %cond3A_234 {
          %dma_wait3A_263 = arith.constant 0 : i32
          %dma_wait3A_264 = arith.constant 0 : i32
          %dma_wait3A_265 = tpu.memref_slice %arg4[%dma_wait3A_263, %dma_wait3A_264] : memref<204800x64xf32, #tpu.memory_space<hbm>> -> memref<256x64xf32, #tpu.memory_space<hbm>>
          %dma_wait3A_266 = arith.constant 0 : i32
          %dma_wait3A_267 = arith.constant 0 : i32
          %dma_wait3A_268 = tpu.memref_slice %arg4[%dma_wait3A_266, %dma_wait3A_267] : memref<204800x64xf32, #tpu.memory_space<hbm>> -> memref<256x64xf32, #tpu.memory_space<hbm>>
          tpu.wait_dma2 semaphore(%arg12 : memref<!tpu.dma_semaphore, #tpu.memory_space<semaphore_mem>>) src(%arg6 : memref<256x64xf32, #tpu.memory_space<vmem>>) dst(%dma_wait3A_268 : memref<256x64xf32, #tpu.memory_space<hbm>>)
        } else {
        }
        %add3A_235 = arith.constant 1 : i32
        %add3A_236 = arith.addi %add3A_182, %add3A_235 : i32
        %mul3A_237 = arith.constant 2 : i32
        %mul3A_238 = arith.muli %mul3A_237, %add3A_236 : i32
        %add3A_239 = arith.constant 0 : i32
        %add3A_240 = arith.addi %mul3A_238, %add3A_239 : i32
        %mul3A_241 = arith.constant 128 : i32
        %mul3A_242 = arith.muli %add3A_240, %mul3A_241 : i32
        %dma_start3A_243 = arith.constant 0 : i32
        %dma_start3A_244 = arith.constant 0 : i32
        %dma_start3A_245 = tpu.memref_slice %arg6[%dma_start3A_243, %dma_start3A_244] : memref<256x64xf32, #tpu.memory_space<vmem>> -> memref<128x64xf32, #tpu.memory_space<vmem>>
        %dma_start3A_246 = tpu.memref_slice %arg5[%mul3A_242] : memref<6400xi32, #tpu.memory_space<vmem>> -> memref<128xi32, #tpu.memory_space<vmem>>
        %dma_start3A_247 = arith.constant 0 : i32
        %dma_start3A_248 = arith.constant 0 : i32
        %dma_start3A_249 = tpu.memref_slice %arg2[%dma_start3A_247, %dma_start3A_248] : memref<1000000x64xf32, #tpu.memory_space<hbm>> -> memref<1000000x64xf32, #tpu.memory_space<hbm>>
        tpu.enqueue_indirect_dma source(%dma_start3A_249 : memref<1000000x64xf32, #tpu.memory_space<hbm>>) target(%dma_start3A_245 : memref<128x64xf32, #tpu.memory_space<vmem>>) offsets(%dma_start3A_246 : memref<128xi32, #tpu.memory_space<vmem>>) semaphore(%arg9 : memref<!tpu.dma_semaphore, #tpu.memory_space<semaphore_mem>>)
        %mul3A_250 = arith.constant 2 : i32
        %mul3A_251 = arith.muli %mul3A_250, %add3A_236 : i32
        %add3A_252 = arith.constant 1 : i32
        %add3A_253 = arith.addi %mul3A_251, %add3A_252 : i32
        %mul3A_254 = arith.constant 128 : i32
        %mul3A_255 = arith.muli %add3A_253, %mul3A_254 : i32
        %dma_start3A_256 = arith.constant 128 : i32
        %dma_start3A_257 = arith.constant 0 : i32
        %dma_start3A_258 = tpu.memref_slice %arg6[%dma_start3A_256, %dma_start3A_257] : memref<256x64xf32, #tpu.memory_space<vmem>> -> memref<128x64xf32, #tpu.memory_space<vmem>>
        %dma_start3A_259 = tpu.memref_slice %arg5[%mul3A_255] : memref<6400xi32, #tpu.memory_space<vmem>> -> memref<128xi32, #tpu.memory_space<vmem>>
        %dma_start3A_260 = arith.constant 0 : i32
        %dma_start3A_261 = arith.constant 0 : i32
        %dma_start3A_262 = tpu.memref_slice %arg2[%dma_start3A_260, %dma_start3A_261] : memref<1000000x64xf32, #tpu.memory_space<hbm>> -> memref<1000000x64xf32, #tpu.memory_space<hbm>>
        tpu.enqueue_indirect_dma source(%dma_start3A_262 : memref<1000000x64xf32, #tpu.memory_space<hbm>>) target(%dma_start3A_258 : memref<128x64xf32, #tpu.memory_space<vmem>>) offsets(%dma_start3A_259 : memref<128xi32, #tpu.memory_space<vmem>>) semaphore(%arg9 : memref<!tpu.dma_semaphore, #tpu.memory_space<semaphore_mem>>)
      } else {
      }
      %scan3A_214 = arith.constant 0 : i32
      %scan3A_215 = arith.constant 0 : i32
      %scan3A_216 = arith.constant 256 : i32
      %scan3A_217 = arith.addi %scan3A_215, %scan3A_216 : i32
      %scan3A_218 = arith.constant 8 : i32
      %scan3A_219 = scf.for %scan3A_231 = %scan3A_215 to %scan3A_217 step %scan3A_218 iter_args(%scan3A_232 = %scan3A_214) -> (i32)  : i32 {
        %get3A = arith.index_cast %scan3A_231 : i32 to index
        %get3A_233 = arith.constant 0 : index
        %get3A_234 = tpu.vector_load %arg8[%get3A, %get3A_233] {strides = array<i32>} : memref<256x64xf32, #tpu.memory_space<vmem>>, vector<1x16xf32>,
        %get3A_235 = vector.shape_cast %get3A_234 : vector<1x16xf32> to vector<16xf32>
        %mul3A_236 = arith.constant 8.000000e+00 : f32
        %mul3A_237 = vector.broadcast %mul3A_236 : f32 to vector<16xf32>
        %mul3A_238 = arith.mulf %get3A_235, %mul3A_237 : vector<16xf32>
        %swap3A = arith.index_cast %scan3A_231 : i32 to index
        %swap3A_239 = arith.constant 0 : index
        %swap3A_240 = tpu.vector_load %arg8[%swap3A, %swap3A_239] {strides = array<i32>} : memref<256x64xf32, #tpu.memory_space<vmem>>, vector<1x16xf32>,
        %swap3A_241 = vector.shape_cast %swap3A_240 : vector<1x16xf32> to vector<16xf32>
        %swap3A_242 = vector.shape_cast %mul3A_238 : vector<16xf32> to vector<1x16xf32>
        tpu.vector_store %arg8[%swap3A, %swap3A_239], %swap3A_242 {strides = array<i32>} : memref<256x64xf32, #tpu.memory_space<vmem>>, vector<1x16xf32>,
        %get3A_243 = arith.index_cast %scan3A_231 : i32 to index
        %get3A_244 = arith.constant 16 : index
        %get3A_245 = tpu.vector_load %arg8[%get3A_243, %get3A_244] {strides = array<i32>} : memref<256x64xf32, #tpu.memory_space<vmem>>, vector<1x16xf32>,
        %get3A_246 = vector.shape_cast %get3A_245 : vector<1x16xf32> to vector<16xf32>
        %mul3A_247 = arith.constant 8.000000e+00 : f32
        %mul3A_248 = vector.broadcast %mul3A_247 : f32 to vector<16xf32>
        %mul3A_249 = arith.mulf %get3A_246, %mul3A_248 : vector<16xf32>
        %swap3A_250 = arith.index_cast %scan3A_231 : i32 to index
        %swap3A_251 = arith.constant 16 : index
        %swap3A_252 = tpu.vector_load %arg8[%swap3A_250, %swap3A_251] {strides = array<i32>} : memref<256x64xf32, #tpu.memory_space<vmem>>, vector<1x16xf32>,
        %swap3A_253 = vector.shape_cast %swap3A_252 : vector<1x16xf32> to vector<16xf32>
        %swap3A_254 = vector.shape_cast %mul3A_249 : vector<16xf32> to vector<1x16xf32>
        tpu.vector_store %arg8[%swap3A_250, %swap3A_251], %swap3A_254 {strides = array<i32>} : memref<256x64xf32, #tpu.memory_space<vmem>>, vector<1x16xf32>,
        %get3A_255 = arith.index_cast %scan3A_231 : i32 to index
        %get3A_256 = arith.constant 32 : index
        %get3A_257 = tpu.vector_load %arg8[%get3A_255, %get3A_256] {strides = array<i32>} : memref<256x64xf32, #tpu.memory_space<vmem>>, vector<1x16xf32>,
        %get3A_258 = vector.shape_cast %get3A_257 : vector<1x16xf32> to vector<16xf32>
        %mul3A_259 = arith.constant 8.000000e+00 : f32
        %mul3A_260 = vector.broadcast %mul3A_259 : f32 to vector<16xf32>
        %mul3A_261 = arith.mulf %get3A_258, %mul3A_260 : vector<16xf32>
        %swap3A_262 = arith.index_cast %scan3A_231 : i32 to index
        %swap3A_263 = arith.constant 32 : index
        %swap3A_264 = tpu.vector_load %arg8[%swap3A_262, %swap3A_263] {strides = array<i32>} : memref<256x64xf32, #tpu.memory_space<vmem>>, vector<1x16xf32>,
        %swap3A_265 = vector.shape_cast %swap3A_264 : vector<1x16xf32> to vector<16xf32>
        %swap3A_266 = vector.shape_cast %mul3A_261 : vector<16xf32> to vector<1x16xf32>
        tpu.vector_store %arg8[%swap3A_262, %swap3A_263], %swap3A_266 {strides = array<i32>} : memref<256x64xf32, #tpu.memory_space<vmem>>, vector<1x16xf32>,
        %get3A_267 = arith.index_cast %scan3A_231 : i32 to index
        %get3A_268 = arith.constant 48 : index
        %get3A_269 = tpu.vector_load %arg8[%get3A_267, %get3A_268] {strides = array<i32>} : memref<256x64xf32, #tpu.memory_space<vmem>>, vector<1x16xf32>,
        %get3A_270 = vector.shape_cast %get3A_269 : vector<1x16xf32> to vector<16xf32>
        %mul3A_271 = arith.constant 8.000000e+00 : f32
        %mul3A_272 = vector.broadcast %mul3A_271 : f32 to vector<16xf32>
        %mul3A_273 = arith.mulf %get3A_270, %mul3A_272 : vector<16xf32>
        %swap3A_274 = arith.index_cast %scan3A_231 : i32 to index
        %swap3A_275 = arith.constant 48 : index
        %swap3A_276 = tpu.vector_load %arg8[%swap3A_274, %swap3A_275] {strides = array<i32>} : memref<256x64xf32, #tpu.memory_space<vmem>>, vector<1x16xf32>,
        %swap3A_277 = vector.shape_cast %swap3A_276 : vector<1x16xf32> to vector<16xf32>
        %swap3A_278 = vector.shape_cast %mul3A_273 : vector<16xf32> to vector<1x16xf32>
        tpu.vector_store %arg8[%swap3A_274, %swap3A_275], %swap3A_278 {strides = array<i32>} : memref<256x64xf32, #tpu.memory_space<vmem>>, vector<1x16xf32>,
        %scan3A_279 = arith.constant 0 : i32
        %scan3A_280 = arith.constant 1 : i32
        %scan3A_281 = arith.addi %scan3A_231, %scan3A_280 : i32
        %get3A_282 = arith.index_cast %scan3A_281 : i32 to index
        %get3A_283 = arith.constant 0 : index
        %get3A_284 = tpu.vector_load %arg8[%get3A_282, %get3A_283] {strides = array<i32>} : memref<256x64xf32, #tpu.memory_space<vmem>>, vector<1x16xf32>,
        %get3A_285 = vector.shape_cast %get3A_284 : vector<1x16xf32> to vector<16xf32>
        %mul3A_286 = arith.constant 8.000000e+00 : f32
        %mul3A_287 = vector.broadcast %mul3A_286 : f32 to vector<16xf32>
        %mul3A_288 = arith.mulf %get3A_285, %mul3A_287 : vector<16xf32>
        %swap3A_289 = arith.index_cast %scan3A_281 : i32 to index
        %swap3A_290 = arith.constant 0 : index
        %swap3A_291 = tpu.vector_load %arg8[%swap3A_289, %swap3A_290] {strides = array<i32>} : memref<256x64xf32, #tpu.memory_space<vmem>>, vector<1x16xf32>,
        %swap3A_292 = vector.shape_cast %swap3A_291 : vector<1x16xf32> to vector<16xf32>
        %swap3A_293 = vector.shape_cast %mul3A_288 : vector<16xf32> to vector<1x16xf32>
        tpu.vector_store %arg8[%swap3A_289, %swap3A_290], %swap3A_293 {strides = array<i32>} : memref<256x64xf32, #tpu.memory_space<vmem>>, vector<1x16xf32>,
        %get3A_294 = arith.index_cast %scan3A_281 : i32 to index
        %get3A_295 = arith.constant 16 : index
        %get3A_296 = tpu.vector_load %arg8[%get3A_294, %get3A_295] {strides = array<i32>} : memref<256x64xf32, #tpu.memory_space<vmem>>, vector<1x16xf32>,
        %get3A_297 = vector.shape_cast %get3A_296 : vector<1x16xf32> to vector<16xf32>
        %mul3A_298 = arith.constant 8.000000e+00 : f32
        %mul3A_299 = vector.broadcast %mul3A_298 : f32 to vector<16xf32>
        %mul3A_300 = arith.mulf %get3A_297, %mul3A_299 : vector<16xf32>
        %swap3A_301 = arith.index_cast %scan3A_281 : i32 to index
        %swap3A_302 = arith.constant 16 : index
        %swap3A_303 = tpu.vector_load %arg8[%swap3A_301, %swap3A_302] {strides = array<i32>} : memref<256x64xf32, #tpu.memory_space<vmem>>, vector<1x16xf32>,
        %swap3A_304 = vector.shape_cast %swap3A_303 : vector<1x16xf32> to vector<16xf32>
        %swap3A_305 = vector.shape_cast %mul3A_300 : vector<16xf32> to vector<1x16xf32>
        tpu.vector_store %arg8[%swap3A_301, %swap3A_302], %swap3A_305 {strides = array<i32>} : memref<256x64xf32, #tpu.memory_space<vmem>>, vector<1x16xf32>,
        %get3A_306 = arith.index_cast %scan3A_281 : i32 to index
        %get3A_307 = arith.constant 32 : index
        %get3A_308 = tpu.vector_load %arg8[%get3A_306, %get3A_307] {strides = array<i32>} : memref<256x64xf32, #tpu.memory_space<vmem>>, vector<1x16xf32>,
        %get3A_309 = vector.shape_cast %get3A_308 : vector<1x16xf32> to vector<16xf32>
        %mul3A_310 = arith.constant 8.000000e+00 : f32
        %mul3A_311 = vector.broadcast %mul3A_310 : f32 to vector<16xf32>
        %mul3A_312 = arith.mulf %get3A_309, %mul3A_311 : vector<16xf32>
        %swap3A_313 = arith.index_cast %scan3A_281 : i32 to index
        %swap3A_314 = arith.constant 32 : index
        %swap3A_315 = tpu.vector_load %arg8[%swap3A_313, %swap3A_314] {strides = array<i32>} : memref<256x64xf32, #tpu.memory_space<vmem>>, vector<1x16xf32>,
        %swap3A_316 = vector.shape_cast %swap3A_315 : vector<1x16xf32> to vector<16xf32>
        %swap3A_317 = vector.shape_cast %mul3A_312 : vector<16xf32> to vector<1x16xf32>
        tpu.vector_store %arg8[%swap3A_313, %swap3A_314], %swap3A_317 {strides = array<i32>} : memref<256x64xf32, #tpu.memory_space<vmem>>, vector<1x16xf32>,
        %get3A_318 = arith.index_cast %scan3A_281 : i32 to index
        %get3A_319 = arith.constant 48 : index
        %get3A_320 = tpu.vector_load %arg8[%get3A_318, %get3A_319] {strides = array<i32>} : memref<256x64xf32, #tpu.memory_space<vmem>>, vector<1x16xf32>,
        %get3A_321 = vector.shape_cast %get3A_320 : vector<1x16xf32> to vector<16xf32>
        %mul3A_322 = arith.constant 8.000000e+00 : f32
        %mul3A_323 = vector.broadcast %mul3A_322 : f32 to vector<16xf32>
        %mul3A_324 = arith.mulf %get3A_321, %mul3A_323 : vector<16xf32>
        %swap3A_325 = arith.index_cast %scan3A_281 : i32 to index
        %swap3A_326 = arith.constant 48 : index
        %swap3A_327 = tpu.vector_load %arg8[%swap3A_325, %swap3A_326] {strides = array<i32>} : memref<256x64xf32, #tpu.memory_space<vmem>>, vector<1x16xf32>,
        %swap3A_328 = vector.shape_cast %swap3A_327 : vector<1x16xf32> to vector<16xf32>
        %swap3A_329 = vector.shape_cast %mul3A_324 : vector<16xf32> to vector<1x16xf32>
        tpu.vector_store %arg8[%swap3A_325, %swap3A_326], %swap3A_329 {strides = array<i32>} : memref<256x64xf32, #tpu.memory_space<vmem>>, vector<1x16xf32>,
        %scan3A_330 = arith.constant 0 : i32
        %scan3A_331 = arith.constant 2 : i32
        %scan3A_332 = arith.addi %scan3A_231, %scan3A_331 : i32
        %get3A_333 = arith.index_cast %scan3A_332 : i32 to index
        %get3A_334 = arith.constant 0 : index
        %get3A_335 = tpu.vector_load %arg8[%get3A_333, %get3A_334] {strides = array<i32>} : memref<256x64xf32, #tpu.memory_space<vmem>>, vector<1x16xf32>,
        %get3A_336 = vector.shape_cast %get3A_335 : vector<1x16xf32> to vector<16xf32>
        %mul3A_337 = arith.constant 8.000000e+00 : f32
        %mul3A_338 = vector.broadcast %mul3A_337 : f32 to vector<16xf32>
        %mul3A_339 = arith.mulf %get3A_336, %mul3A_338 : vector<16xf32>
        %swap3A_340 = arith.index_cast %scan3A_332 : i32 to index
        %swap3A_341 = arith.constant 0 : index
        %swap3A_342 = tpu.vector_load %arg8[%swap3A_340, %swap3A_341] {strides = array<i32>} : memref<256x64xf32, #tpu.memory_space<vmem>>, vector<1x16xf32>,
        %swap3A_343 = vector.shape_cast %swap3A_342 : vector<1x16xf32> to vector<16xf32>
        %swap3A_344 = vector.shape_cast %mul3A_339 : vector<16xf32> to vector<1x16xf32>
        tpu.vector_store %arg8[%swap3A_340, %swap3A_341], %swap3A_344 {strides = array<i32>} : memref<256x64xf32, #tpu.memory_space<vmem>>, vector<1x16xf32>,
        %get3A_345 = arith.index_cast %scan3A_332 : i32 to index
        %get3A_346 = arith.constant 16 : index
        %get3A_347 = tpu.vector_load %arg8[%get3A_345, %get3A_346] {strides = array<i32>} : memref<256x64xf32, #tpu.memory_space<vmem>>, vector<1x16xf32>,
        %get3A_348 = vector.shape_cast %get3A_347 : vector<1x16xf32> to vector<16xf32>
        %mul3A_349 = arith.constant 8.000000e+00 : f32
        %mul3A_350 = vector.broadcast %mul3A_349 : f32 to vector<16xf32>
        %mul3A_351 = arith.mulf %get3A_348, %mul3A_350 : vector<16xf32>
        %swap3A_352 = arith.index_cast %scan3A_332 : i32 to index
        %swap3A_353 = arith.constant 16 : index
        %swap3A_354 = tpu.vector_load %arg8[%swap3A_352, %swap3A_353] {strides = array<i32>} : memref<256x64xf32, #tpu.memory_space<vmem>>, vector<1x16xf32>,
        %swap3A_355 = vector.shape_cast %swap3A_354 : vector<1x16xf32> to vector<16xf32>
        %swap3A_356 = vector.shape_cast %mul3A_351 : vector<16xf32> to vector<1x16xf32>
        tpu.vector_store %arg8[%swap3A_352, %swap3A_353], %swap3A_356 {strides = array<i32>} : memref<256x64xf32, #tpu.memory_space<vmem>>, vector<1x16xf32>,
        %get3A_357 = arith.index_cast %scan3A_332 : i32 to index
        %get3A_358 = arith.constant 32 : index
        %get3A_359 = tpu.vector_load %arg8[%get3A_357, %get3A_358] {strides = array<i32>} : memref<256x64xf32, #tpu.memory_space<vmem>>, vector<1x16xf32>,
        %get3A_360 = vector.shape_cast %get3A_359 : vector<1x16xf32> to vector<16xf32>
        %mul3A_361 = arith.constant 8.000000e+00 : f32
        %mul3A_362 = vector.broadcast %mul3A_361 : f32 to vector<16xf32>
        %mul3A_363 = arith.mulf %get3A_360, %mul3A_362 : vector<16xf32>
        %swap3A_364 = arith.index_cast %scan3A_332 : i32 to index
        %swap3A_365 = arith.constant 32 : index
        %swap3A_366 = tpu.vector_load %arg8[%swap3A_364, %swap3A_365] {strides = array<i32>} : memref<256x64xf32, #tpu.memory_space<vmem>>, vector<1x16xf32>,
        %swap3A_367 = vector.shape_cast %swap3A_366 : vector<1x16xf32> to vector<16xf32>
        %swap3A_368 = vector.shape_cast %mul3A_363 : vector<16xf32> to vector<1x16xf32>
        tpu.vector_store %arg8[%swap3A_364, %swap3A_365], %swap3A_368 {strides = array<i32>} : memref<256x64xf32, #tpu.memory_space<vmem>>, vector<1x16xf32>,
        %get3A_369 = arith.index_cast %scan3A_332 : i32 to index
        %get3A_370 = arith.constant 48 : index
        %get3A_371 = tpu.vector_load %arg8[%get3A_369, %get3A_370] {strides = array<i32>} : memref<256x64xf32, #tpu.memory_space<vmem>>, vector<1x16xf32>,
        %get3A_372 = vector.shape_cast %get3A_371 : vector<1x16xf32> to vector<16xf32>
        %mul3A_373 = arith.constant 8.000000e+00 : f32
        %mul3A_374 = vector.broadcast %mul3A_373 : f32 to vector<16xf32>
        %mul3A_375 = arith.mulf %get3A_372, %mul3A_374 : vector<16xf32>
        %swap3A_376 = arith.index_cast %scan3A_332 : i32 to index
        %swap3A_377 = arith.constant 48 : index
        %swap3A_378 = tpu.vector_load %arg8[%swap3A_376, %swap3A_377] {strides = array<i32>} : memref<256x64xf32, #tpu.memory_space<vmem>>, vector<1x16xf32>,
        %swap3A_379 = vector.shape_cast %swap3A_378 : vector<1x16xf32> to vector<16xf32>
        %swap3A_380 = vector.shape_cast %mul3A_375 : vector<16xf32> to vector<1x16xf32>
        tpu.vector_store %arg8[%swap3A_376, %swap3A_377], %swap3A_380 {strides = array<i32>} : memref<256x64xf32, #tpu.memory_space<vmem>>, vector<1x16xf32>,
        %scan3A_381 = arith.constant 0 : i32
        %scan3A_382 = arith.constant 3 : i32
        %scan3A_383 = arith.addi %scan3A_231, %scan3A_382 : i32
        %get3A_384 = arith.index_cast %scan3A_383 : i32 to index
        %get3A_385 = arith.constant 0 : index
        %get3A_386 = tpu.vector_load %arg8[%get3A_384, %get3A_385] {strides = array<i32>} : memref<256x64xf32, #tpu.memory_space<vmem>>, vector<1x16xf32>,
        %get3A_387 = vector.shape_cast %get3A_386 : vector<1x16xf32> to vector<16xf32>
        %mul3A_388 = arith.constant 8.000000e+00 : f32
        %mul3A_389 = vector.broadcast %mul3A_388 : f32 to vector<16xf32>
        %mul3A_390 = arith.mulf %get3A_387, %mul3A_389 : vector<16xf32>
        %swap3A_391 = arith.index_cast %scan3A_383 : i32 to index
        %swap3A_392 = arith.constant 0 : index
        %swap3A_393 = tpu.vector_load %arg8[%swap3A_391, %swap3A_392] {strides = array<i32>} : memref<256x64xf32, #tpu.memory_space<vmem>>, vector<1x16xf32>,
        %swap3A_394 = vector.shape_cast %swap3A_393 : vector<1x16xf32> to vector<16xf32>
        %swap3A_395 = vector.shape_cast %mul3A_390 : vector<16xf32> to vector<1x16xf32>
        tpu.vector_store %arg8[%swap3A_391, %swap3A_392], %swap3A_395 {strides = array<i32>} : memref<256x64xf32, #tpu.memory_space<vmem>>, vector<1x16xf32>,
        %get3A_396 = arith.index_cast %scan3A_383 : i32 to index
        %get3A_397 = arith.constant 16 : index
        %get3A_398 = tpu.vector_load %arg8[%get3A_396, %get3A_397] {strides = array<i32>} : memref<256x64xf32, #tpu.memory_space<vmem>>, vector<1x16xf32>,
        %get3A_399 = vector.shape_cast %get3A_398 : vector<1x16xf32> to vector<16xf32>
        %mul3A_400 = arith.constant 8.000000e+00 : f32
        %mul3A_401 = vector.broadcast %mul3A_400 : f32 to vector<16xf32>
        %mul3A_402 = arith.mulf %get3A_399, %mul3A_401 : vector<16xf32>
        %swap3A_403 = arith.index_cast %scan3A_383 : i32 to index
        %swap3A_404 = arith.constant 16 : index
        %swap3A_405 = tpu.vector_load %arg8[%swap3A_403, %swap3A_404] {strides = array<i32>} : memref<256x64xf32, #tpu.memory_space<vmem>>, vector<1x16xf32>,
        %swap3A_406 = vector.shape_cast %swap3A_405 : vector<1x16xf32> to vector<16xf32>
        %swap3A_407 = vector.shape_cast %mul3A_402 : vector<16xf32> to vector<1x16xf32>
        tpu.vector_store %arg8[%swap3A_403, %swap3A_404], %swap3A_407 {strides = array<i32>} : memref<256x64xf32, #tpu.memory_space<vmem>>, vector<1x16xf32>,
        %get3A_408 = arith.index_cast %scan3A_383 : i32 to index
        %get3A_409 = arith.constant 32 : index
        %get3A_410 = tpu.vector_load %arg8[%get3A_408, %get3A_409] {strides = array<i32>} : memref<256x64xf32, #tpu.memory_space<vmem>>, vector<1x16xf32>,
        %get3A_411 = vector.shape_cast %get3A_410 : vector<1x16xf32> to vector<16xf32>
        %mul3A_412 = arith.constant 8.000000e+00 : f32
        %mul3A_413 = vector.broadcast %mul3A_412 : f32 to vector<16xf32>
        %mul3A_414 = arith.mulf %get3A_411, %mul3A_413 : vector<16xf32>
        %swap3A_415 = arith.index_cast %scan3A_383 : i32 to index
        %swap3A_416 = arith.constant 32 : index
        %swap3A_417 = tpu.vector_load %arg8[%swap3A_415, %swap3A_416] {strides = array<i32>} : memref<256x64xf32, #tpu.memory_space<vmem>>, vector<1x16xf32>,
        %swap3A_418 = vector.shape_cast %swap3A_417 : vector<1x16xf32> to vector<16xf32>
        %swap3A_419 = vector.shape_cast %mul3A_414 : vector<16xf32> to vector<1x16xf32>
        tpu.vector_store %arg8[%swap3A_415, %swap3A_416], %swap3A_419 {strides = array<i32>} : memref<256x64xf32, #tpu.memory_space<vmem>>, vector<1x16xf32>,
        %get3A_420 = arith.index_cast %scan3A_383 : i32 to index
        %get3A_421 = arith.constant 48 : index
        %get3A_422 = tpu.vector_load %arg8[%get3A_420, %get3A_421] {strides = array<i32>} : memref<256x64xf32, #tpu.memory_space<vmem>>, vector<1x16xf32>,
        %get3A_423 = vector.shape_cast %get3A_422 : vector<1x16xf32> to vector<16xf32>
        %mul3A_424 = arith.constant 8.000000e+00 : f32
        %mul3A_425 = vector.broadcast %mul3A_424 : f32 to vector<16xf32>
        %mul3A_426 = arith.mulf %get3A_423, %mul3A_425 : vector<16xf32>
        %swap3A_427 = arith.index_cast %scan3A_383 : i32 to index
        %swap3A_428 = arith.constant 48 : index
        %swap3A_429 = tpu.vector_load %arg8[%swap3A_427, %swap3A_428] {strides = array<i32>} : memref<256x64xf32, #tpu.memory_space<vmem>>, vector<1x16xf32>,
        %swap3A_430 = vector.shape_cast %swap3A_429 : vector<1x16xf32> to vector<16xf32>
        %swap3A_431 = vector.shape_cast %mul3A_426 : vector<16xf32> to vector<1x16xf32>
        tpu.vector_store %arg8[%swap3A_427, %swap3A_428], %swap3A_431 {strides = array<i32>} : memref<256x64xf32, #tpu.memory_space<vmem>>, vector<1x16xf32>,
        %scan3A_432 = arith.constant 0 : i32
        %scan3A_433 = arith.constant 4 : i32
        %scan3A_434 = arith.addi %scan3A_231, %scan3A_433 : i32
        %get3A_435 = arith.index_cast %scan3A_434 : i32 to index
        %get3A_436 = arith.constant 0 : index
        %get3A_437 = tpu.vector_load %arg8[%get3A_435, %get3A_436] {strides = array<i32>} : memref<256x64xf32, #tpu.memory_space<vmem>>, vector<1x16xf32>,
        %get3A_438 = vector.shape_cast %get3A_437 : vector<1x16xf32> to vector<16xf32>
        %mul3A_439 = arith.constant 8.000000e+00 : f32
        %mul3A_440 = vector.broadcast %mul3A_439 : f32 to vector<16xf32>
        %mul3A_441 = arith.mulf %get3A_438, %mul3A_440 : vector<16xf32>
        %swap3A_442 = arith.index_cast %scan3A_434 : i32 to index
        %swap3A_443 = arith.constant 0 : index
        %swap3A_444 = tpu.vector_load %arg8[%swap3A_442, %swap3A_443] {strides = array<i32>} : memref<256x64xf32, #tpu.memory_space<vmem>>, vector<1x16xf32>,
        %swap3A_445 = vector.shape_cast %swap3A_444 : vector<1x16xf32> to vector<16xf32>
        %swap3A_446 = vector.shape_cast %mul3A_441 : vector<16xf32> to vector<1x16xf32>
        tpu.vector_store %arg8[%swap3A_442, %swap3A_443], %swap3A_446 {strides = array<i32>} : memref<256x64xf32, #tpu.memory_space<vmem>>, vector<1x16xf32>,
        %get3A_447 = arith.index_cast %scan3A_434 : i32 to index
        %get3A_448 = arith.constant 16 : index
        %get3A_449 = tpu.vector_load %arg8[%get3A_447, %get3A_448] {strides = array<i32>} : memref<256x64xf32, #tpu.memory_space<vmem>>, vector<1x16xf32>,
        %get3A_450 = vector.shape_cast %get3A_449 : vector<1x16xf32> to vector<16xf32>
        %mul3A_451 = arith.constant 8.000000e+00 : f32
        %mul3A_452 = vector.broadcast %mul3A_451 : f32 to vector<16xf32>
        %mul3A_453 = arith.mulf %get3A_450, %mul3A_452 : vector<16xf32>
        %swap3A_454 = arith.index_cast %scan3A_434 : i32 to index
        %swap3A_455 = arith.constant 16 : index
        %swap3A_456 = tpu.vector_load %arg8[%swap3A_454, %swap3A_455] {strides = array<i32>} : memref<256x64xf32, #tpu.memory_space<vmem>>, vector<1x16xf32>,
        %swap3A_457 = vector.shape_cast %swap3A_456 : vector<1x16xf32> to vector<16xf32>
        %swap3A_458 = vector.shape_cast %mul3A_453 : vector<16xf32> to vector<1x16xf32>
        tpu.vector_store %arg8[%swap3A_454, %swap3A_455], %swap3A_458 {strides = array<i32>} : memref<256x64xf32, #tpu.memory_space<vmem>>, vector<1x16xf32>,
        %get3A_459 = arith.index_cast %scan3A_434 : i32 to index
        %get3A_460 = arith.constant 32 : index
        %get3A_461 = tpu.vector_load %arg8[%get3A_459, %get3A_460] {strides = array<i32>} : memref<256x64xf32, #tpu.memory_space<vmem>>, vector<1x16xf32>,
        %get3A_462 = vector.shape_cast %get3A_461 : vector<1x16xf32> to vector<16xf32>
        %mul3A_463 = arith.constant 8.000000e+00 : f32
        %mul3A_464 = vector.broadcast %mul3A_463 : f32 to vector<16xf32>
        %mul3A_465 = arith.mulf %get3A_462, %mul3A_464 : vector<16xf32>
        %swap3A_466 = arith.index_cast %scan3A_434 : i32 to index
        %swap3A_467 = arith.constant 32 : index
        %swap3A_468 = tpu.vector_load %arg8[%swap3A_466, %swap3A_467] {strides = array<i32>} : memref<256x64xf32, #tpu.memory_space<vmem>>, vector<1x16xf32>,
        %swap3A_469 = vector.shape_cast %swap3A_468 : vector<1x16xf32> to vector<16xf32>
        %swap3A_470 = vector.shape_cast %mul3A_465 : vector<16xf32> to vector<1x16xf32>
        tpu.vector_store %arg8[%swap3A_466, %swap3A_467], %swap3A_470 {strides = array<i32>} : memref<256x64xf32, #tpu.memory_space<vmem>>, vector<1x16xf32>,
        %get3A_471 = arith.index_cast %scan3A_434 : i32 to index
        %get3A_472 = arith.constant 48 : index
        %get3A_473 = tpu.vector_load %arg8[%get3A_471, %get3A_472] {strides = array<i32>} : memref<256x64xf32, #tpu.memory_space<vmem>>, vector<1x16xf32>,
        %get3A_474 = vector.shape_cast %get3A_473 : vector<1x16xf32> to vector<16xf32>
        %mul3A_475 = arith.constant 8.000000e+00 : f32
        %mul3A_476 = vector.broadcast %mul3A_475 : f32 to vector<16xf32>
        %mul3A_477 = arith.mulf %get3A_474, %mul3A_476 : vector<16xf32>
        %swap3A_478 = arith.index_cast %scan3A_434 : i32 to index
        %swap3A_479 = arith.constant 48 : index
        %swap3A_480 = tpu.vector_load %arg8[%swap3A_478, %swap3A_479] {strides = array<i32>} : memref<256x64xf32, #tpu.memory_space<vmem>>, vector<1x16xf32>,
        %swap3A_481 = vector.shape_cast %swap3A_480 : vector<1x16xf32> to vector<16xf32>
        %swap3A_482 = vector.shape_cast %mul3A_477 : vector<16xf32> to vector<1x16xf32>
        tpu.vector_store %arg8[%swap3A_478, %swap3A_479], %swap3A_482 {strides = array<i32>} : memref<256x64xf32, #tpu.memory_space<vmem>>, vector<1x16xf32>,
        %scan3A_483 = arith.constant 0 : i32
        %scan3A_484 = arith.constant 5 : i32
        %scan3A_485 = arith.addi %scan3A_231, %scan3A_484 : i32
        %get3A_486 = arith.index_cast %scan3A_485 : i32 to index
        %get3A_487 = arith.constant 0 : index
        %get3A_488 = tpu.vector_load %arg8[%get3A_486, %get3A_487] {strides = array<i32>} : memref<256x64xf32, #tpu.memory_space<vmem>>, vector<1x16xf32>,
        %get3A_489 = vector.shape_cast %get3A_488 : vector<1x16xf32> to vector<16xf32>
        %mul3A_490 = arith.constant 8.000000e+00 : f32
        %mul3A_491 = vector.broadcast %mul3A_490 : f32 to vector<16xf32>
        %mul3A_492 = arith.mulf %get3A_489, %mul3A_491 : vector<16xf32>
        %swap3A_493 = arith.index_cast %scan3A_485 : i32 to index
        %swap3A_494 = arith.constant 0 : index
        %swap3A_495 = tpu.vector_load %arg8[%swap3A_493, %swap3A_494] {strides = array<i32>} : memref<256x64xf32, #tpu.memory_space<vmem>>, vector<1x16xf32>,
        %swap3A_496 = vector.shape_cast %swap3A_495 : vector<1x16xf32> to vector<16xf32>
        %swap3A_497 = vector.shape_cast %mul3A_492 : vector<16xf32> to vector<1x16xf32>
        tpu.vector_store %arg8[%swap3A_493, %swap3A_494], %swap3A_497 {strides = array<i32>} : memref<256x64xf32, #tpu.memory_space<vmem>>, vector<1x16xf32>,
        %get3A_498 = arith.index_cast %scan3A_485 : i32 to index
        %get3A_499 = arith.constant 16 : index
        %get3A_500 = tpu.vector_load %arg8[%get3A_498, %get3A_499] {strides = array<i32>} : memref<256x64xf32, #tpu.memory_space<vmem>>, vector<1x16xf32>,
        %get3A_501 = vector.shape_cast %get3A_500 : vector<1x16xf32> to vector<16xf32>
        %mul3A_502 = arith.constant 8.000000e+00 : f32
        %mul3A_503 = vector.broadcast %mul3A_502 : f32 to vector<16xf32>
        %mul3A_504 = arith.mulf %get3A_501, %mul3A_503 : vector<16xf32>
        %swap3A_505 = arith.index_cast %scan3A_485 : i32 to index
        %swap3A_506 = arith.constant 16 : index
        %swap3A_507 = tpu.vector_load %arg8[%swap3A_505, %swap3A_506] {strides = array<i32>} : memref<256x64xf32, #tpu.memory_space<vmem>>, vector<1x16xf32>,
        %swap3A_508 = vector.shape_cast %swap3A_507 : vector<1x16xf32> to vector<16xf32>
        %swap3A_509 = vector.shape_cast %mul3A_504 : vector<16xf32> to vector<1x16xf32>
        tpu.vector_store %arg8[%swap3A_505, %swap3A_506], %swap3A_509 {strides = array<i32>} : memref<256x64xf32, #tpu.memory_space<vmem>>, vector<1x16xf32>,
        %get3A_510 = arith.index_cast %scan3A_485 : i32 to index
        %get3A_511 = arith.constant 32 : index
        %get3A_512 = tpu.vector_load %arg8[%get3A_510, %get3A_511] {strides = array<i32>} : memref<256x64xf32, #tpu.memory_space<vmem>>, vector<1x16xf32>,
        %get3A_513 = vector.shape_cast %get3A_512 : vector<1x16xf32> to vector<16xf32>
        %mul3A_514 = arith.constant 8.000000e+00 : f32
        %mul3A_515 = vector.broadcast %mul3A_514 : f32 to vector<16xf32>
        %mul3A_516 = arith.mulf %get3A_513, %mul3A_515 : vector<16xf32>
        %swap3A_517 = arith.index_cast %scan3A_485 : i32 to index
        %swap3A_518 = arith.constant 32 : index
        %swap3A_519 = tpu.vector_load %arg8[%swap3A_517, %swap3A_518] {strides = array<i32>} : memref<256x64xf32, #tpu.memory_space<vmem>>, vector<1x16xf32>,
        %swap3A_520 = vector.shape_cast %swap3A_519 : vector<1x16xf32> to vector<16xf32>
        %swap3A_521 = vector.shape_cast %mul3A_516 : vector<16xf32> to vector<1x16xf32>
        tpu.vector_store %arg8[%swap3A_517, %swap3A_518], %swap3A_521 {strides = array<i32>} : memref<256x64xf32, #tpu.memory_space<vmem>>, vector<1x16xf32>,
        %get3A_522 = arith.index_cast %scan3A_485 : i32 to index
        %get3A_523 = arith.constant 48 : index
        %get3A_524 = tpu.vector_load %arg8[%get3A_522, %get3A_523] {strides = array<i32>} : memref<256x64xf32, #tpu.memory_space<vmem>>, vector<1x16xf32>,
        %get3A_525 = vector.shape_cast %get3A_524 : vector<1x16xf32> to vector<16xf32>
        %mul3A_526 = arith.constant 8.000000e+00 : f32
        %mul3A_527 = vector.broadcast %mul3A_526 : f32 to vector<16xf32>
        %mul3A_528 = arith.mulf %get3A_525, %mul3A_527 : vector<16xf32>
        %swap3A_529 = arith.index_cast %scan3A_485 : i32 to index
        %swap3A_530 = arith.constant 48 : index
        %swap3A_531 = tpu.vector_load %arg8[%swap3A_529, %swap3A_530] {strides = array<i32>} : memref<256x64xf32, #tpu.memory_space<vmem>>, vector<1x16xf32>,
        %swap3A_532 = vector.shape_cast %swap3A_531 : vector<1x16xf32> to vector<16xf32>
        %swap3A_533 = vector.shape_cast %mul3A_528 : vector<16xf32> to vector<1x16xf32>
        tpu.vector_store %arg8[%swap3A_529, %swap3A_530], %swap3A_533 {strides = array<i32>} : memref<256x64xf32, #tpu.memory_space<vmem>>, vector<1x16xf32>,
        %scan3A_534 = arith.constant 0 : i32
        %scan3A_535 = arith.constant 6 : i32
        %scan3A_536 = arith.addi %scan3A_231, %scan3A_535 : i32
        %get3A_537 = arith.index_cast %scan3A_536 : i32 to index
        %get3A_538 = arith.constant 0 : index
        %get3A_539 = tpu.vector_load %arg8[%get3A_537, %get3A_538] {strides = array<i32>} : memref<256x64xf32, #tpu.memory_space<vmem>>, vector<1x16xf32>,
        %get3A_540 = vector.shape_cast %get3A_539 : vector<1x16xf32> to vector<16xf32>
        %mul3A_541 = arith.constant 8.000000e+00 : f32
        %mul3A_542 = vector.broadcast %mul3A_541 : f32 to vector<16xf32>
        %mul3A_543 = arith.mulf %get3A_540, %mul3A_542 : vector<16xf32>
        %swap3A_544 = arith.index_cast %scan3A_536 : i32 to index
        %swap3A_545 = arith.constant 0 : index
        %swap3A_546 = tpu.vector_load %arg8[%swap3A_544, %swap3A_545] {strides = array<i32>} : memref<256x64xf32, #tpu.memory_space<vmem>>, vector<1x16xf32>,
        %swap3A_547 = vector.shape_cast %swap3A_546 : vector<1x16xf32> to vector<16xf32>
        %swap3A_548 = vector.shape_cast %mul3A_543 : vector<16xf32> to vector<1x16xf32>
        tpu.vector_store %arg8[%swap3A_544, %swap3A_545], %swap3A_548 {strides = array<i32>} : memref<256x64xf32, #tpu.memory_space<vmem>>, vector<1x16xf32>,
        %get3A_549 = arith.index_cast %scan3A_536 : i32 to index
        %get3A_550 = arith.constant 16 : index
        %get3A_551 = tpu.vector_load %arg8[%get3A_549, %get3A_550] {strides = array<i32>} : memref<256x64xf32, #tpu.memory_space<vmem>>, vector<1x16xf32>,
        %get3A_552 = vector.shape_cast %get3A_551 : vector<1x16xf32> to vector<16xf32>
        %mul3A_553 = arith.constant 8.000000e+00 : f32
        %mul3A_554 = vector.broadcast %mul3A_553 : f32 to vector<16xf32>
        %mul3A_555 = arith.mulf %get3A_552, %mul3A_554 : vector<16xf32>
        %swap3A_556 = arith.index_cast %scan3A_536 : i32 to index
        %swap3A_557 = arith.constant 16 : index
        %swap3A_558 = tpu.vector_load %arg8[%swap3A_556, %swap3A_557] {strides = array<i32>} : memref<256x64xf32, #tpu.memory_space<vmem>>, vector<1x16xf32>,
        %swap3A_559 = vector.shape_cast %swap3A_558 : vector<1x16xf32> to vector<16xf32>
        %swap3A_560 = vector.shape_cast %mul3A_555 : vector<16xf32> to vector<1x16xf32>
        tpu.vector_store %arg8[%swap3A_556, %swap3A_557], %swap3A_560 {strides = array<i32>} : memref<256x64xf32, #tpu.memory_space<vmem>>, vector<1x16xf32>,
        %get3A_561 = arith.index_cast %scan3A_536 : i32 to index
        %get3A_562 = arith.constant 32 : index
        %get3A_563 = tpu.vector_load %arg8[%get3A_561, %get3A_562] {strides = array<i32>} : memref<256x64xf32, #tpu.memory_space<vmem>>, vector<1x16xf32>,
        %get3A_564 = vector.shape_cast %get3A_563 : vector<1x16xf32> to vector<16xf32>
        %mul3A_565 = arith.constant 8.000000e+00 : f32
        %mul3A_566 = vector.broadcast %mul3A_565 : f32 to vector<16xf32>
        %mul3A_567 = arith.mulf %get3A_564, %mul3A_566 : vector<16xf32>
        %swap3A_568 = arith.index_cast %scan3A_536 : i32 to index
        %swap3A_569 = arith.constant 32 : index
        %swap3A_570 = tpu.vector_load %arg8[%swap3A_568, %swap3A_569] {strides = array<i32>} : memref<256x64xf32, #tpu.memory_space<vmem>>, vector<1x16xf32>,
        %swap3A_571 = vector.shape_cast %swap3A_570 : vector<1x16xf32> to vector<16xf32>
        %swap3A_572 = vector.shape_cast %mul3A_567 : vector<16xf32> to vector<1x16xf32>
        tpu.vector_store %arg8[%swap3A_568, %swap3A_569], %swap3A_572 {strides = array<i32>} : memref<256x64xf32, #tpu.memory_space<vmem>>, vector<1x16xf32>,
        %get3A_573 = arith.index_cast %scan3A_536 : i32 to index
        %get3A_574 = arith.constant 48 : index
        %get3A_575 = tpu.vector_load %arg8[%get3A_573, %get3A_574] {strides = array<i32>} : memref<256x64xf32, #tpu.memory_space<vmem>>, vector<1x16xf32>,
        %get3A_576 = vector.shape_cast %get3A_575 : vector<1x16xf32> to vector<16xf32>
        %mul3A_577 = arith.constant 8.000000e+00 : f32
        %mul3A_578 = vector.broadcast %mul3A_577 : f32 to vector<16xf32>
        %mul3A_579 = arith.mulf %get3A_576, %mul3A_578 : vector<16xf32>
        %swap3A_580 = arith.index_cast %scan3A_536 : i32 to index
        %swap3A_581 = arith.constant 48 : index
        %swap3A_582 = tpu.vector_load %arg8[%swap3A_580, %swap3A_581] {strides = array<i32>} : memref<256x64xf32, #tpu.memory_space<vmem>>, vector<1x16xf32>,
        %swap3A_583 = vector.shape_cast %swap3A_582 : vector<1x16xf32> to vector<16xf32>
        %swap3A_584 = vector.shape_cast %mul3A_579 : vector<16xf32> to vector<1x16xf32>
        tpu.vector_store %arg8[%swap3A_580, %swap3A_581], %swap3A_584 {strides = array<i32>} : memref<256x64xf32, #tpu.memory_space<vmem>>, vector<1x16xf32>,
        %scan3A_585 = arith.constant 0 : i32
        %scan3A_586 = arith.constant 7 : i32
        %scan3A_587 = arith.addi %scan3A_231, %scan3A_586 : i32
        %get3A_588 = arith.index_cast %scan3A_587 : i32 to index
        %get3A_589 = arith.constant 0 : index
        %get3A_590 = tpu.vector_load %arg8[%get3A_588, %get3A_589] {strides = array<i32>} : memref<256x64xf32, #tpu.memory_space<vmem>>, vector<1x16xf32>,
        %get3A_591 = vector.shape_cast %get3A_590 : vector<1x16xf32> to vector<16xf32>
        %mul3A_592 = arith.constant 8.000000e+00 : f32
        %mul3A_593 = vector.broadcast %mul3A_592 : f32 to vector<16xf32>
        %mul3A_594 = arith.mulf %get3A_591, %mul3A_593 : vector<16xf32>
        %swap3A_595 = arith.index_cast %scan3A_587 : i32 to index
        %swap3A_596 = arith.constant 0 : index
        %swap3A_597 = tpu.vector_load %arg8[%swap3A_595, %swap3A_596] {strides = array<i32>} : memref<256x64xf32, #tpu.memory_space<vmem>>, vector<1x16xf32>,
        %swap3A_598 = vector.shape_cast %swap3A_597 : vector<1x16xf32> to vector<16xf32>
        %swap3A_599 = vector.shape_cast %mul3A_594 : vector<16xf32> to vector<1x16xf32>
        tpu.vector_store %arg8[%swap3A_595, %swap3A_596], %swap3A_599 {strides = array<i32>} : memref<256x64xf32, #tpu.memory_space<vmem>>, vector<1x16xf32>,
        %get3A_600 = arith.index_cast %scan3A_587 : i32 to index
        %get3A_601 = arith.constant 16 : index
        %get3A_602 = tpu.vector_load %arg8[%get3A_600, %get3A_601] {strides = array<i32>} : memref<256x64xf32, #tpu.memory_space<vmem>>, vector<1x16xf32>,
        %get3A_603 = vector.shape_cast %get3A_602 : vector<1x16xf32> to vector<16xf32>
        %mul3A_604 = arith.constant 8.000000e+00 : f32
        %mul3A_605 = vector.broadcast %mul3A_604 : f32 to vector<16xf32>
        %mul3A_606 = arith.mulf %get3A_603, %mul3A_605 : vector<16xf32>
        %swap3A_607 = arith.index_cast %scan3A_587 : i32 to index
        %swap3A_608 = arith.constant 16 : index
        %swap3A_609 = tpu.vector_load %arg8[%swap3A_607, %swap3A_608] {strides = array<i32>} : memref<256x64xf32, #tpu.memory_space<vmem>>, vector<1x16xf32>,
        %swap3A_610 = vector.shape_cast %swap3A_609 : vector<1x16xf32> to vector<16xf32>
        %swap3A_611 = vector.shape_cast %mul3A_606 : vector<16xf32> to vector<1x16xf32>
        tpu.vector_store %arg8[%swap3A_607, %swap3A_608], %swap3A_611 {strides = array<i32>} : memref<256x64xf32, #tpu.memory_space<vmem>>, vector<1x16xf32>,
        %get3A_612 = arith.index_cast %scan3A_587 : i32 to index
        %get3A_613 = arith.constant 32 : index
        %get3A_614 = tpu.vector_load %arg8[%get3A_612, %get3A_613] {strides = array<i32>} : memref<256x64xf32, #tpu.memory_space<vmem>>, vector<1x16xf32>,
        %get3A_615 = vector.shape_cast %get3A_614 : vector<1x16xf32> to vector<16xf32>
        %mul3A_616 = arith.constant 8.000000e+00 : f32
        %mul3A_617 = vector.broadcast %mul3A_616 : f32 to vector<16xf32>
        %mul3A_618 = arith.mulf %get3A_615, %mul3A_617 : vector<16xf32>
        %swap3A_619 = arith.index_cast %scan3A_587 : i32 to index
        %swap3A_620 = arith.constant 32 : index
        %swap3A_621 = tpu.vector_load %arg8[%swap3A_619, %swap3A_620] {strides = array<i32>} : memref<256x64xf32, #tpu.memory_space<vmem>>, vector<1x16xf32>,
        %swap3A_622 = vector.shape_cast %swap3A_621 : vector<1x16xf32> to vector<16xf32>
        %swap3A_623 = vector.shape_cast %mul3A_618 : vector<16xf32> to vector<1x16xf32>
        tpu.vector_store %arg8[%swap3A_619, %swap3A_620], %swap3A_623 {strides = array<i32>} : memref<256x64xf32, #tpu.memory_space<vmem>>, vector<1x16xf32>,
        %get3A_624 = arith.index_cast %scan3A_587 : i32 to index
        %get3A_625 = arith.constant 48 : index
        %get3A_626 = tpu.vector_load %arg8[%get3A_624, %get3A_625] {strides = array<i32>} : memref<256x64xf32, #tpu.memory_space<vmem>>, vector<1x16xf32>,
        %get3A_627 = vector.shape_cast %get3A_626 : vector<1x16xf32> to vector<16xf32>
        %mul3A_628 = arith.constant 8.000000e+00 : f32
        %mul3A_629 = vector.broadcast %mul3A_628 : f32 to vector<16xf32>
        %mul3A_630 = arith.mulf %get3A_627, %mul3A_629 : vector<16xf32>
        %swap3A_631 = arith.index_cast %scan3A_587 : i32 to index
        %swap3A_632 = arith.constant 48 : index
        %swap3A_633 = tpu.vector_load %arg8[%swap3A_631, %swap3A_632] {strides = array<i32>} : memref<256x64xf32, #tpu.memory_space<vmem>>, vector<1x16xf32>,
        %swap3A_634 = vector.shape_cast %swap3A_633 : vector<1x16xf32> to vector<16xf32>
        %swap3A_635 = vector.shape_cast %mul3A_630 : vector<16xf32> to vector<1x16xf32>
        tpu.vector_store %arg8[%swap3A_631, %swap3A_632], %swap3A_635 {strides = array<i32>} : memref<256x64xf32, #tpu.memory_space<vmem>>, vector<1x16xf32>,
        %scan3A_636 = arith.constant 0 : i32
        scf.yield %scan3A_636 : i32
      }
      %scan3A_220 = arith.constant 256 : i32
      %mul3A_221 = arith.constant 2 : i32
      %mul3A_222 = arith.muli %mul3A_221, %add3A_182 : i32
      %mul3A_223 = arith.constant 128 : i32
      %mul3A_224 = arith.muli %mul3A_222, %mul3A_223 : i32
      %add3A_225 = arith.addi %mul3A_2, %mul3A_224 : i32
      %dma_start3A_226 = arith.constant 0 : i32
      %dma_start3A_227 = tpu.memref_slice %arg4[%add3A_225, %dma_start3A_226] : memref<204800x64xf32, #tpu.memory_space<hbm>> -> memref<256x64xf32, #tpu.memory_space<hbm>>
      %dma_start3A_228 = arith.constant 0 : i32
      %dma_start3A_229 = tpu.memref_slice %arg4[%add3A_225, %dma_start3A_228] : memref<204800x64xf32, #tpu.memory_space<hbm>> -> memref<256x64xf32, #tpu.memory_space<hbm>>
      tpu.enqueue_dma source(%arg8 : memref<256x64xf32, #tpu.memory_space<vmem>>) target(%dma_start3A_229 : memref<256x64xf32, #tpu.memory_space<hbm>>) target_semaphore(%arg14 : memref<!tpu.dma_semaphore, #tpu.memory_space<semaphore_mem>>)
      %scan3A_230 = arith.constant 0 : i32
      scf.yield %scan3A_230 : i32
    }
    %scan3A_23 = arith.constant 8 : i32
    %dma_wait3A = arith.constant 0 : i32
    %dma_wait3A_24 = arith.constant 0 : i32
    %dma_wait3A_25 = tpu.memref_slice %arg6[%dma_wait3A, %dma_wait3A_24] : memref<256x64xf32, #tpu.memory_space<vmem>> -> memref<128x64xf32, #tpu.memory_space<vmem>>
    %dma_wait3A_26 = arith.constant 0 : i32
    %dma_wait3A_27 = arith.constant 0 : i32
    %dma_wait3A_28 = tpu.memref_slice %arg2[%dma_wait3A_26, %dma_wait3A_27] : memref<1000000x64xf32, #tpu.memory_space<hbm>> -> memref<128x64xf32, #tpu.memory_space<hbm>>
    %dma_wait3A_29 = arith.constant 0 : i32
    %dma_wait3A_30 = arith.constant 0 : i32
    %dma_wait3A_31 = tpu.memref_slice %arg6[%dma_wait3A_29, %dma_wait3A_30] : memref<256x64xf32, #tpu.memory_space<vmem>> -> memref<128x64xf32, #tpu.memory_space<vmem>>
    %dma_wait3A_32 = arith.constant 0 : i32
    %dma_wait3A_33 = arith.constant 0 : i32
    %dma_wait3A_34 = tpu.memref_slice %arg2[%dma_wait3A_32, %dma_wait3A_33] : memref<1000000x64xf32, #tpu.memory_space<hbm>> -> memref<128x64xf32, #tpu.memory_space<hbm>>
    tpu.wait_dma2 semaphore(%arg9 : memref<!tpu.dma_semaphore, #tpu.memory_space<semaphore_mem>>) src(%dma_wait3A_34 : memref<128x64xf32, #tpu.memory_space<hbm>>) dst(%dma_wait3A_31 : memref<128x64xf32, #tpu.memory_space<vmem>>)
    %dma_wait3A_35 = arith.constant 128 : i32
    %dma_wait3A_36 = arith.constant 0 : i32
    %dma_wait3A_37 = tpu.memref_slice %arg6[%dma_wait3A_35, %dma_wait3A_36] : memref<256x64xf32, #tpu.memory_space<vmem>> -> memref<128x64xf32, #tpu.memory_space<vmem>>
    %dma_wait3A_38 = arith.constant 0 : i32
    %dma_wait3A_39 = arith.constant 0 : i32
    %dma_wait3A_40 = tpu.memref_slice %arg2[%dma_wait3A_38, %dma_wait3A_39] : memref<1000000x64xf32, #tpu.memory_space<hbm>> -> memref<128x64xf32, #tpu.memory_space<hbm>>
    %dma_wait3A_41 = arith.constant 128 : i32
    %dma_wait3A_42 = arith.constant 0 : i32
    %dma_wait3A_43 = tpu.memref_slice %arg6[%dma_wait3A_41, %dma_wait3A_42] : memref<256x64xf32, #tpu.memory_space<vmem>> -> memref<128x64xf32, #tpu.memory_space<vmem>>
    %dma_wait3A_44 = arith.constant 0 : i32
    %dma_wait3A_45 = arith.constant 0 : i32
    %dma_wait3A_46 = tpu.memref_slice %arg2[%dma_wait3A_44, %dma_wait3A_45] : memref<1000000x64xf32, #tpu.memory_space<hbm>> -> memref<128x64xf32, #tpu.memory_space<hbm>>
    tpu.wait_dma2 semaphore(%arg9 : memref<!tpu.dma_semaphore, #tpu.memory_space<semaphore_mem>>) src(%dma_wait3A_46 : memref<128x64xf32, #tpu.memory_space<hbm>>) dst(%dma_wait3A_43 : memref<128x64xf32, #tpu.memory_space<vmem>>)
    %scan3A_47 = arith.constant 0 : i32
    %scan3A_48 = arith.constant 0 : i32
    %scan3A_49 = arith.constant 256 : i32
    %scan3A_50 = arith.addi %scan3A_48, %scan3A_49 : i32
    %scan3A_51 = arith.constant 8 : i32
    %scan3A_52 = scf.for %scan3A_78 = %scan3A_48 to %scan3A_50 step %scan3A_51 iter_args(%scan3A_79 = %scan3A_47) -> (i32)  : i32 {
      %get3A = arith.index_cast %scan3A_78 : i32 to index
      %get3A_80 = arith.constant 0 : index
      %get3A_81 = tpu.vector_load %arg6[%get3A, %get3A_80] {strides = array<i32>} : memref<256x64xf32, #tpu.memory_space<vmem>>, vector<1x16xf32>,
      %get3A_82 = vector.shape_cast %get3A_81 : vector<1x16xf32> to vector<16xf32>
      %mul3A_83 = arith.constant 8.000000e+00 : f32
      %mul3A_84 = vector.broadcast %mul3A_83 : f32 to vector<16xf32>
      %mul3A_85 = arith.mulf %get3A_82, %mul3A_84 : vector<16xf32>
      %swap3A = arith.index_cast %scan3A_78 : i32 to index
      %swap3A_86 = arith.constant 0 : index
      %swap3A_87 = tpu.vector_load %arg6[%swap3A, %swap3A_86] {strides = array<i32>} : memref<256x64xf32, #tpu.memory_space<vmem>>, vector<1x16xf32>,
      %swap3A_88 = vector.shape_cast %swap3A_87 : vector<1x16xf32> to vector<16xf32>
      %swap3A_89 = vector.shape_cast %mul3A_85 : vector<16xf32> to vector<1x16xf32>
      tpu.vector_store %arg6[%swap3A, %swap3A_86], %swap3A_89 {strides = array<i32>} : memref<256x64xf32, #tpu.memory_space<vmem>>, vector<1x16xf32>,
      %get3A_90 = arith.index_cast %scan3A_78 : i32 to index
      %get3A_91 = arith.constant 16 : index
      %get3A_92 = tpu.vector_load %arg6[%get3A_90, %get3A_91] {strides = array<i32>} : memref<256x64xf32, #tpu.memory_space<vmem>>, vector<1x16xf32>,
      %get3A_93 = vector.shape_cast %get3A_92 : vector<1x16xf32> to vector<16xf32>
      %mul3A_94 = arith.constant 8.000000e+00 : f32
      %mul3A_95 = vector.broadcast %mul3A_94 : f32 to vector<16xf32>
      %mul3A_96 = arith.mulf %get3A_93, %mul3A_95 : vector<16xf32>
      %swap3A_97 = arith.index_cast %scan3A_78 : i32 to index
      %swap3A_98 = arith.constant 16 : index
      %swap3A_99 = tpu.vector_load %arg6[%swap3A_97, %swap3A_98] {strides = array<i32>} : memref<256x64xf32, #tpu.memory_space<vmem>>, vector<1x16xf32>,
      %swap3A_100 = vector.shape_cast %swap3A_99 : vector<1x16xf32> to vector<16xf32>
      %swap3A_101 = vector.shape_cast %mul3A_96 : vector<16xf32> to vector<1x16xf32>
      tpu.vector_store %arg6[%swap3A_97, %swap3A_98], %swap3A_101 {strides = array<i32>} : memref<256x64xf32, #tpu.memory_space<vmem>>, vector<1x16xf32>,
      %get3A_102 = arith.index_cast %scan3A_78 : i32 to index
      %get3A_103 = arith.constant 32 : index
      %get3A_104 = tpu.vector_load %arg6[%get3A_102, %get3A_103] {strides = array<i32>} : memref<256x64xf32, #tpu.memory_space<vmem>>, vector<1x16xf32>,
      %get3A_105 = vector.shape_cast %get3A_104 : vector<1x16xf32> to vector<16xf32>
      %mul3A_106 = arith.constant 8.000000e+00 : f32
      %mul3A_107 = vector.broadcast %mul3A_106 : f32 to vector<16xf32>
      %mul3A_108 = arith.mulf %get3A_105, %mul3A_107 : vector<16xf32>
      %swap3A_109 = arith.index_cast %scan3A_78 : i32 to index
      %swap3A_110 = arith.constant 32 : index
      %swap3A_111 = tpu.vector_load %arg6[%swap3A_109, %swap3A_110] {strides = array<i32>} : memref<256x64xf32, #tpu.memory_space<vmem>>, vector<1x16xf32>,
      %swap3A_112 = vector.shape_cast %swap3A_111 : vector<1x16xf32> to vector<16xf32>
      %swap3A_113 = vector.shape_cast %mul3A_108 : vector<16xf32> to vector<1x16xf32>
      tpu.vector_store %arg6[%swap3A_109, %swap3A_110], %swap3A_113 {strides = array<i32>} : memref<256x64xf32, #tpu.memory_space<vmem>>, vector<1x16xf32>,
      %get3A_114 = arith.index_cast %scan3A_78 : i32 to index
      %get3A_115 = arith.constant 48 : index
      %get3A_116 = tpu.vector_load %arg6[%get3A_114, %get3A_115] {strides = array<i32>} : memref<256x64xf32, #tpu.memory_space<vmem>>, vector<1x16xf32>,
      %get3A_117 = vector.shape_cast %get3A_116 : vector<1x16xf32> to vector<16xf32>
      %mul3A_118 = arith.constant 8.000000e+00 : f32
      %mul3A_119 = vector.broadcast %mul3A_118 : f32 to vector<16xf32>
      %mul3A_120 = arith.mulf %get3A_117, %mul3A_119 : vector<16xf32>
      %swap3A_121 = arith.index_cast %scan3A_78 : i32 to index
      %swap3A_122 = arith.constant 48 : index
      %swap3A_123 = tpu.vector_load %arg6[%swap3A_121, %swap3A_122] {strides = array<i32>} : memref<256x64xf32, #tpu.memory_space<vmem>>, vector<1x16xf32>,
      %swap3A_124 = vector.shape_cast %swap3A_123 : vector<1x16xf32> to vector<16xf32>
      %swap3A_125 = vector.shape_cast %mul3A_120 : vector<16xf32> to vector<1x16xf32>
      tpu.vector_store %arg6[%swap3A_121, %swap3A_122], %swap3A_125 {strides = array<i32>} : memref<256x64xf32, #tpu.memory_space<vmem>>, vector<1x16xf32>,
      %scan3A_126 = arith.constant 0 : i32
      %scan3A_127 = arith.constant 1 : i32
      %scan3A_128 = arith.addi %scan3A_78, %scan3A_127 : i32
      %get3A_129 = arith.index_cast %scan3A_128 : i32 to index
      %get3A_130 = arith.constant 0 : index
      %get3A_131 = tpu.vector_load %arg6[%get3A_129, %get3A_130] {strides = array<i32>} : memref<256x64xf32, #tpu.memory_space<vmem>>, vector<1x16xf32>,
      %get3A_132 = vector.shape_cast %get3A_131 : vector<1x16xf32> to vector<16xf32>
      %mul3A_133 = arith.constant 8.000000e+00 : f32
      %mul3A_134 = vector.broadcast %mul3A_133 : f32 to vector<16xf32>
      %mul3A_135 = arith.mulf %get3A_132, %mul3A_134 : vector<16xf32>
      %swap3A_136 = arith.index_cast %scan3A_128 : i32 to index
      %swap3A_137 = arith.constant 0 : index
      %swap3A_138 = tpu.vector_load %arg6[%swap3A_136, %swap3A_137] {strides = array<i32>} : memref<256x64xf32, #tpu.memory_space<vmem>>, vector<1x16xf32>,
      %swap3A_139 = vector.shape_cast %swap3A_138 : vector<1x16xf32> to vector<16xf32>
      %swap3A_140 = vector.shape_cast %mul3A_135 : vector<16xf32> to vector<1x16xf32>
      tpu.vector_store %arg6[%swap3A_136, %swap3A_137], %swap3A_140 {strides = array<i32>} : memref<256x64xf32, #tpu.memory_space<vmem>>, vector<1x16xf32>,
      %get3A_141 = arith.index_cast %scan3A_128 : i32 to index
      %get3A_142 = arith.constant 16 : index
      %get3A_143 = tpu.vector_load %arg6[%get3A_141, %get3A_142] {strides = array<i32>} : memref<256x64xf32, #tpu.memory_space<vmem>>, vector<1x16xf32>,
      %get3A_144 = vector.shape_cast %get3A_143 : vector<1x16xf32> to vector<16xf32>
      %mul3A_145 = arith.constant 8.000000e+00 : f32
      %mul3A_146 = vector.broadcast %mul3A_145 : f32 to vector<16xf32>
      %mul3A_147 = arith.mulf %get3A_144, %mul3A_146 : vector<16xf32>
      %swap3A_148 = arith.index_cast %scan3A_128 : i32 to index
      %swap3A_149 = arith.constant 16 : index
      %swap3A_150 = tpu.vector_load %arg6[%swap3A_148, %swap3A_149] {strides = array<i32>} : memref<256x64xf32, #tpu.memory_space<vmem>>, vector<1x16xf32>,
      %swap3A_151 = vector.shape_cast %swap3A_150 : vector<1x16xf32> to vector<16xf32>
      %swap3A_152 = vector.shape_cast %mul3A_147 : vector<16xf32> to vector<1x16xf32>
      tpu.vector_store %arg6[%swap3A_148, %swap3A_149], %swap3A_152 {strides = array<i32>} : memref<256x64xf32, #tpu.memory_space<vmem>>, vector<1x16xf32>,
      %get3A_153 = arith.index_cast %scan3A_128 : i32 to index
      %get3A_154 = arith.constant 32 : index
      %get3A_155 = tpu.vector_load %arg6[%get3A_153, %get3A_154] {strides = array<i32>} : memref<256x64xf32, #tpu.memory_space<vmem>>, vector<1x16xf32>,
      %get3A_156 = vector.shape_cast %get3A_155 : vector<1x16xf32> to vector<16xf32>
      %mul3A_157 = arith.constant 8.000000e+00 : f32
      %mul3A_158 = vector.broadcast %mul3A_157 : f32 to vector<16xf32>
      %mul3A_159 = arith.mulf %get3A_156, %mul3A_158 : vector<16xf32>
      %swap3A_160 = arith.index_cast %scan3A_128 : i32 to index
      %swap3A_161 = arith.constant 32 : index
      %swap3A_162 = tpu.vector_load %arg6[%swap3A_160, %swap3A_161] {strides = array<i32>} : memref<256x64xf32, #tpu.memory_space<vmem>>, vector<1x16xf32>,
      %swap3A_163 = vector.shape_cast %swap3A_162 : vector<1x16xf32> to vector<16xf32>
      %swap3A_164 = vector.shape_cast %mul3A_159 : vector<16xf32> to vector<1x16xf32>
      tpu.vector_store %arg6[%swap3A_160, %swap3A_161], %swap3A_164 {strides = array<i32>} : memref<256x64xf32, #tpu.memory_space<vmem>>, vector<1x16xf32>,
      %get3A_165 = arith.index_cast %scan3A_128 : i32 to index
      %get3A_166 = arith.constant 48 : index
      %get3A_167 = tpu.vector_load %arg6[%get3A_165, %get3A_166] {strides = array<i32>} : memref<256x64xf32, #tpu.memory_space<vmem>>, vector<1x16xf32>,
      %get3A_168 = vector.shape_cast %get3A_167 : vector<1x16xf32> to vector<16xf32>
      %mul3A_169 = arith.constant 8.000000e+00 : f32
      %mul3A_170 = vector.broadcast %mul3A_169 : f32 to vector<16xf32>
      %mul3A_171 = arith.mulf %get3A_168, %mul3A_170 : vector<16xf32>
      %swap3A_172 = arith.index_cast %scan3A_128 : i32 to index
      %swap3A_173 = arith.constant 48 : index
      %swap3A_174 = tpu.vector_load %arg6[%swap3A_172, %swap3A_173] {strides = array<i32>} : memref<256x64xf32, #tpu.memory_space<vmem>>, vector<1x16xf32>,
      %swap3A_175 = vector.shape_cast %swap3A_174 : vector<1x16xf32> to vector<16xf32>
      %swap3A_176 = vector.shape_cast %mul3A_171 : vector<16xf32> to vector<1x16xf32>
      tpu.vector_store %arg6[%swap3A_172, %swap3A_173], %swap3A_176 {strides = array<i32>} : memref<256x64xf32, #tpu.memory_space<vmem>>, vector<1x16xf32>,
      %scan3A_177 = arith.constant 0 : i32
      %scan3A_178 = arith.constant 2 : i32
      %scan3A_179 = arith.addi %scan3A_78, %scan3A_178 : i32
      %get3A_180 = arith.index_cast %scan3A_179 : i32 to index
      %get3A_181 = arith.constant 0 : index
      %get3A_182 = tpu.vector_load %arg6[%get3A_180, %get3A_181] {strides = array<i32>} : memref<256x64xf32, #tpu.memory_space<vmem>>, vector<1x16xf32>,
      %get3A_183 = vector.shape_cast %get3A_182 : vector<1x16xf32> to vector<16xf32>
      %mul3A_184 = arith.constant 8.000000e+00 : f32
      %mul3A_185 = vector.broadcast %mul3A_184 : f32 to vector<16xf32>
      %mul3A_186 = arith.mulf %get3A_183, %mul3A_185 : vector<16xf32>
      %swap3A_187 = arith.index_cast %scan3A_179 : i32 to index
      %swap3A_188 = arith.constant 0 : index
      %swap3A_189 = tpu.vector_load %arg6[%swap3A_187, %swap3A_188] {strides = array<i32>} : memref<256x64xf32, #tpu.memory_space<vmem>>, vector<1x16xf32>,
      %swap3A_190 = vector.shape_cast %swap3A_189 : vector<1x16xf32> to vector<16xf32>
      %swap3A_191 = vector.shape_cast %mul3A_186 : vector<16xf32> to vector<1x16xf32>
      tpu.vector_store %arg6[%swap3A_187, %swap3A_188], %swap3A_191 {strides = array<i32>} : memref<256x64xf32, #tpu.memory_space<vmem>>, vector<1x16xf32>,
      %get3A_192 = arith.index_cast %scan3A_179 : i32 to index
      %get3A_193 = arith.constant 16 : index
      %get3A_194 = tpu.vector_load %arg6[%get3A_192, %get3A_193] {strides = array<i32>} : memref<256x64xf32, #tpu.memory_space<vmem>>, vector<1x16xf32>,
      %get3A_195 = vector.shape_cast %get3A_194 : vector<1x16xf32> to vector<16xf32>
      %mul3A_196 = arith.constant 8.000000e+00 : f32
      %mul3A_197 = vector.broadcast %mul3A_196 : f32 to vector<16xf32>
      %mul3A_198 = arith.mulf %get3A_195, %mul3A_197 : vector<16xf32>
      %swap3A_199 = arith.index_cast %scan3A_179 : i32 to index
      %swap3A_200 = arith.constant 16 : index
      %swap3A_201 = tpu.vector_load %arg6[%swap3A_199, %swap3A_200] {strides = array<i32>} : memref<256x64xf32, #tpu.memory_space<vmem>>, vector<1x16xf32>,
      %swap3A_202 = vector.shape_cast %swap3A_201 : vector<1x16xf32> to vector<16xf32>
      %swap3A_203 = vector.shape_cast %mul3A_198 : vector<16xf32> to vector<1x16xf32>
      tpu.vector_store %arg6[%swap3A_199, %swap3A_200], %swap3A_203 {strides = array<i32>} : memref<256x64xf32, #tpu.memory_space<vmem>>, vector<1x16xf32>,
      %get3A_204 = arith.index_cast %scan3A_179 : i32 to index
      %get3A_205 = arith.constant 32 : index
      %get3A_206 = tpu.vector_load %arg6[%get3A_204, %get3A_205] {strides = array<i32>} : memref<256x64xf32, #tpu.memory_space<vmem>>, vector<1x16xf32>,
      %get3A_207 = vector.shape_cast %get3A_206 : vector<1x16xf32> to vector<16xf32>
      %mul3A_208 = arith.constant 8.000000e+00 : f32
      %mul3A_209 = vector.broadcast %mul3A_208 : f32 to vector<16xf32>
      %mul3A_210 = arith.mulf %get3A_207, %mul3A_209 : vector<16xf32>
      %swap3A_211 = arith.index_cast %scan3A_179 : i32 to index
      %swap3A_212 = arith.constant 32 : index
      %swap3A_213 = tpu.vector_load %arg6[%swap3A_211, %swap3A_212] {strides = array<i32>} : memref<256x64xf32, #tpu.memory_space<vmem>>, vector<1x16xf32>,
      %swap3A_214 = vector.shape_cast %swap3A_213 : vector<1x16xf32> to vector<16xf32>
      %swap3A_215 = vector.shape_cast %mul3A_210 : vector<16xf32> to vector<1x16xf32>
      tpu.vector_store %arg6[%swap3A_211, %swap3A_212], %swap3A_215 {strides = array<i32>} : memref<256x64xf32, #tpu.memory_space<vmem>>, vector<1x16xf32>,
      %get3A_216 = arith.index_cast %scan3A_179 : i32 to index
      %get3A_217 = arith.constant 48 : index
      %get3A_218 = tpu.vector_load %arg6[%get3A_216, %get3A_217] {strides = array<i32>} : memref<256x64xf32, #tpu.memory_space<vmem>>, vector<1x16xf32>,
      %get3A_219 = vector.shape_cast %get3A_218 : vector<1x16xf32> to vector<16xf32>
      %mul3A_220 = arith.constant 8.000000e+00 : f32
      %mul3A_221 = vector.broadcast %mul3A_220 : f32 to vector<16xf32>
      %mul3A_222 = arith.mulf %get3A_219, %mul3A_221 : vector<16xf32>
      %swap3A_223 = arith.index_cast %scan3A_179 : i32 to index
      %swap3A_224 = arith.constant 48 : index
      %swap3A_225 = tpu.vector_load %arg6[%swap3A_223, %swap3A_224] {strides = array<i32>} : memref<256x64xf32, #tpu.memory_space<vmem>>, vector<1x16xf32>,
      %swap3A_226 = vector.shape_cast %swap3A_225 : vector<1x16xf32> to vector<16xf32>
      %swap3A_227 = vector.shape_cast %mul3A_222 : vector<16xf32> to vector<1x16xf32>
      tpu.vector_store %arg6[%swap3A_223, %swap3A_224], %swap3A_227 {strides = array<i32>} : memref<256x64xf32, #tpu.memory_space<vmem>>, vector<1x16xf32>,
      %scan3A_228 = arith.constant 0 : i32
      %scan3A_229 = arith.constant 3 : i32
      %scan3A_230 = arith.addi %scan3A_78, %scan3A_229 : i32
      %get3A_231 = arith.index_cast %scan3A_230 : i32 to index
      %get3A_232 = arith.constant 0 : index
      %get3A_233 = tpu.vector_load %arg6[%get3A_231, %get3A_232] {strides = array<i32>} : memref<256x64xf32, #tpu.memory_space<vmem>>, vector<1x16xf32>,
      %get3A_234 = vector.shape_cast %get3A_233 : vector<1x16xf32> to vector<16xf32>
      %mul3A_235 = arith.constant 8.000000e+00 : f32
      %mul3A_236 = vector.broadcast %mul3A_235 : f32 to vector<16xf32>
      %mul3A_237 = arith.mulf %get3A_234, %mul3A_236 : vector<16xf32>
      %swap3A_238 = arith.index_cast %scan3A_230 : i32 to index
      %swap3A_239 = arith.constant 0 : index
      %swap3A_240 = tpu.vector_load %arg6[%swap3A_238, %swap3A_239] {strides = array<i32>} : memref<256x64xf32, #tpu.memory_space<vmem>>, vector<1x16xf32>,
      %swap3A_241 = vector.shape_cast %swap3A_240 : vector<1x16xf32> to vector<16xf32>
      %swap3A_242 = vector.shape_cast %mul3A_237 : vector<16xf32> to vector<1x16xf32>
      tpu.vector_store %arg6[%swap3A_238, %swap3A_239], %swap3A_242 {strides = array<i32>} : memref<256x64xf32, #tpu.memory_space<vmem>>, vector<1x16xf32>,
      %get3A_243 = arith.index_cast %scan3A_230 : i32 to index
      %get3A_244 = arith.constant 16 : index
      %get3A_245 = tpu.vector_load %arg6[%get3A_243, %get3A_244] {strides = array<i32>} : memref<256x64xf32, #tpu.memory_space<vmem>>, vector<1x16xf32>,
      %get3A_246 = vector.shape_cast %get3A_245 : vector<1x16xf32> to vector<16xf32>
      %mul3A_247 = arith.constant 8.000000e+00 : f32
      %mul3A_248 = vector.broadcast %mul3A_247 : f32 to vector<16xf32>
      %mul3A_249 = arith.mulf %get3A_246, %mul3A_248 : vector<16xf32>
      %swap3A_250 = arith.index_cast %scan3A_230 : i32 to index
      %swap3A_251 = arith.constant 16 : index
      %swap3A_252 = tpu.vector_load %arg6[%swap3A_250, %swap3A_251] {strides = array<i32>} : memref<256x64xf32, #tpu.memory_space<vmem>>, vector<1x16xf32>,
      %swap3A_253 = vector.shape_cast %swap3A_252 : vector<1x16xf32> to vector<16xf32>
      %swap3A_254 = vector.shape_cast %mul3A_249 : vector<16xf32> to vector<1x16xf32>
      tpu.vector_store %arg6[%swap3A_250, %swap3A_251], %swap3A_254 {strides = array<i32>} : memref<256x64xf32, #tpu.memory_space<vmem>>, vector<1x16xf32>,
      %get3A_255 = arith.index_cast %scan3A_230 : i32 to index
      %get3A_256 = arith.constant 32 : index
      %get3A_257 = tpu.vector_load %arg6[%get3A_255, %get3A_256] {strides = array<i32>} : memref<256x64xf32, #tpu.memory_space<vmem>>, vector<1x16xf32>,
      %get3A_258 = vector.shape_cast %get3A_257 : vector<1x16xf32> to vector<16xf32>
      %mul3A_259 = arith.constant 8.000000e+00 : f32
      %mul3A_260 = vector.broadcast %mul3A_259 : f32 to vector<16xf32>
      %mul3A_261 = arith.mulf %get3A_258, %mul3A_260 : vector<16xf32>
      %swap3A_262 = arith.index_cast %scan3A_230 : i32 to index
      %swap3A_263 = arith.constant 32 : index
      %swap3A_264 = tpu.vector_load %arg6[%swap3A_262, %swap3A_263] {strides = array<i32>} : memref<256x64xf32, #tpu.memory_space<vmem>>, vector<1x16xf32>,
      %swap3A_265 = vector.shape_cast %swap3A_264 : vector<1x16xf32> to vector<16xf32>
      %swap3A_266 = vector.shape_cast %mul3A_261 : vector<16xf32> to vector<1x16xf32>
      tpu.vector_store %arg6[%swap3A_262, %swap3A_263], %swap3A_266 {strides = array<i32>} : memref<256x64xf32, #tpu.memory_space<vmem>>, vector<1x16xf32>,
      %get3A_267 = arith.index_cast %scan3A_230 : i32 to index
      %get3A_268 = arith.constant 48 : index
      %get3A_269 = tpu.vector_load %arg6[%get3A_267, %get3A_268] {strides = array<i32>} : memref<256x64xf32, #tpu.memory_space<vmem>>, vector<1x16xf32>,
      %get3A_270 = vector.shape_cast %get3A_269 : vector<1x16xf32> to vector<16xf32>
      %mul3A_271 = arith.constant 8.000000e+00 : f32
      %mul3A_272 = vector.broadcast %mul3A_271 : f32 to vector<16xf32>
      %mul3A_273 = arith.mulf %get3A_270, %mul3A_272 : vector<16xf32>
      %swap3A_274 = arith.index_cast %scan3A_230 : i32 to index
      %swap3A_275 = arith.constant 48 : index
      %swap3A_276 = tpu.vector_load %arg6[%swap3A_274, %swap3A_275] {strides = array<i32>} : memref<256x64xf32, #tpu.memory_space<vmem>>, vector<1x16xf32>,
      %swap3A_277 = vector.shape_cast %swap3A_276 : vector<1x16xf32> to vector<16xf32>
      %swap3A_278 = vector.shape_cast %mul3A_273 : vector<16xf32> to vector<1x16xf32>
      tpu.vector_store %arg6[%swap3A_274, %swap3A_275], %swap3A_278 {strides = array<i32>} : memref<256x64xf32, #tpu.memory_space<vmem>>, vector<1x16xf32>,
      %scan3A_279 = arith.constant 0 : i32
      %scan3A_280 = arith.constant 4 : i32
      %scan3A_281 = arith.addi %scan3A_78, %scan3A_280 : i32
      %get3A_282 = arith.index_cast %scan3A_281 : i32 to index
      %get3A_283 = arith.constant 0 : index
      %get3A_284 = tpu.vector_load %arg6[%get3A_282, %get3A_283] {strides = array<i32>} : memref<256x64xf32, #tpu.memory_space<vmem>>, vector<1x16xf32>,
      %get3A_285 = vector.shape_cast %get3A_284 : vector<1x16xf32> to vector<16xf32>
      %mul3A_286 = arith.constant 8.000000e+00 : f32
      %mul3A_287 = vector.broadcast %mul3A_286 : f32 to vector<16xf32>
      %mul3A_288 = arith.mulf %get3A_285, %mul3A_287 : vector<16xf32>
      %swap3A_289 = arith.index_cast %scan3A_281 : i32 to index
      %swap3A_290 = arith.constant 0 : index
      %swap3A_291 = tpu.vector_load %arg6[%swap3A_289, %swap3A_290] {strides = array<i32>} : memref<256x64xf32, #tpu.memory_space<vmem>>, vector<1x16xf32>,
      %swap3A_292 = vector.shape_cast %swap3A_291 : vector<1x16xf32> to vector<16xf32>
      %swap3A_293 = vector.shape_cast %mul3A_288 : vector<16xf32> to vector<1x16xf32>
      tpu.vector_store %arg6[%swap3A_289, %swap3A_290], %swap3A_293 {strides = array<i32>} : memref<256x64xf32, #tpu.memory_space<vmem>>, vector<1x16xf32>,
      %get3A_294 = arith.index_cast %scan3A_281 : i32 to index
      %get3A_295 = arith.constant 16 : index
      %get3A_296 = tpu.vector_load %arg6[%get3A_294, %get3A_295] {strides = array<i32>} : memref<256x64xf32, #tpu.memory_space<vmem>>, vector<1x16xf32>,
      %get3A_297 = vector.shape_cast %get3A_296 : vector<1x16xf32> to vector<16xf32>
      %mul3A_298 = arith.constant 8.000000e+00 : f32
      %mul3A_299 = vector.broadcast %mul3A_298 : f32 to vector<16xf32>
      %mul3A_300 = arith.mulf %get3A_297, %mul3A_299 : vector<16xf32>
      %swap3A_301 = arith.index_cast %scan3A_281 : i32 to index
      %swap3A_302 = arith.constant 16 : index
      %swap3A_303 = tpu.vector_load %arg6[%swap3A_301, %swap3A_302] {strides = array<i32>} : memref<256x64xf32, #tpu.memory_space<vmem>>, vector<1x16xf32>,
      %swap3A_304 = vector.shape_cast %swap3A_303 : vector<1x16xf32> to vector<16xf32>
      %swap3A_305 = vector.shape_cast %mul3A_300 : vector<16xf32> to vector<1x16xf32>
      tpu.vector_store %arg6[%swap3A_301, %swap3A_302], %swap3A_305 {strides = array<i32>} : memref<256x64xf32, #tpu.memory_space<vmem>>, vector<1x16xf32>,
      %get3A_306 = arith.index_cast %scan3A_281 : i32 to index
      %get3A_307 = arith.constant 32 : index
      %get3A_308 = tpu.vector_load %arg6[%get3A_306, %get3A_307] {strides = array<i32>} : memref<256x64xf32, #tpu.memory_space<vmem>>, vector<1x16xf32>,
      %get3A_309 = vector.shape_cast %get3A_308 : vector<1x16xf32> to vector<16xf32>
      %mul3A_310 = arith.constant 8.000000e+00 : f32
      %mul3A_311 = vector.broadcast %mul3A_310 : f32 to vector<16xf32>
      %mul3A_312 = arith.mulf %get3A_309, %mul3A_311 : vector<16xf32>
      %swap3A_313 = arith.index_cast %scan3A_281 : i32 to index
      %swap3A_314 = arith.constant 32 : index
      %swap3A_315 = tpu.vector_load %arg6[%swap3A_313, %swap3A_314] {strides = array<i32>} : memref<256x64xf32, #tpu.memory_space<vmem>>, vector<1x16xf32>,
      %swap3A_316 = vector.shape_cast %swap3A_315 : vector<1x16xf32> to vector<16xf32>
      %swap3A_317 = vector.shape_cast %mul3A_312 : vector<16xf32> to vector<1x16xf32>
      tpu.vector_store %arg6[%swap3A_313, %swap3A_314], %swap3A_317 {strides = array<i32>} : memref<256x64xf32, #tpu.memory_space<vmem>>, vector<1x16xf32>,
      %get3A_318 = arith.index_cast %scan3A_281 : i32 to index
      %get3A_319 = arith.constant 48 : index
      %get3A_320 = tpu.vector_load %arg6[%get3A_318, %get3A_319] {strides = array<i32>} : memref<256x64xf32, #tpu.memory_space<vmem>>, vector<1x16xf32>,
      %get3A_321 = vector.shape_cast %get3A_320 : vector<1x16xf32> to vector<16xf32>
      %mul3A_322 = arith.constant 8.000000e+00 : f32
      %mul3A_323 = vector.broadcast %mul3A_322 : f32 to vector<16xf32>
      %mul3A_324 = arith.mulf %get3A_321, %mul3A_323 : vector<16xf32>
      %swap3A_325 = arith.index_cast %scan3A_281 : i32 to index
      %swap3A_326 = arith.constant 48 : index
      %swap3A_327 = tpu.vector_load %arg6[%swap3A_325, %swap3A_326] {strides = array<i32>} : memref<256x64xf32, #tpu.memory_space<vmem>>, vector<1x16xf32>,
      %swap3A_328 = vector.shape_cast %swap3A_327 : vector<1x16xf32> to vector<16xf32>
      %swap3A_329 = vector.shape_cast %mul3A_324 : vector<16xf32> to vector<1x16xf32>
      tpu.vector_store %arg6[%swap3A_325, %swap3A_326], %swap3A_329 {strides = array<i32>} : memref<256x64xf32, #tpu.memory_space<vmem>>, vector<1x16xf32>,
      %scan3A_330 = arith.constant 0 : i32
      %scan3A_331 = arith.constant 5 : i32
      %scan3A_332 = arith.addi %scan3A_78, %scan3A_331 : i32
      %get3A_333 = arith.index_cast %scan3A_332 : i32 to index
      %get3A_334 = arith.constant 0 : index
      %get3A_335 = tpu.vector_load %arg6[%get3A_333, %get3A_334] {strides = array<i32>} : memref<256x64xf32, #tpu.memory_space<vmem>>, vector<1x16xf32>,
      %get3A_336 = vector.shape_cast %get3A_335 : vector<1x16xf32> to vector<16xf32>
      %mul3A_337 = arith.constant 8.000000e+00 : f32
      %mul3A_338 = vector.broadcast %mul3A_337 : f32 to vector<16xf32>
      %mul3A_339 = arith.mulf %get3A_336, %mul3A_338 : vector<16xf32>
      %swap3A_340 = arith.index_cast %scan3A_332 : i32 to index
      %swap3A_341 = arith.constant 0 : index
      %swap3A_342 = tpu.vector_load %arg6[%swap3A_340, %swap3A_341] {strides = array<i32>} : memref<256x64xf32, #tpu.memory_space<vmem>>, vector<1x16xf32>,
      %swap3A_343 = vector.shape_cast %swap3A_342 : vector<1x16xf32> to vector<16xf32>
      %swap3A_344 = vector.shape_cast %mul3A_339 : vector<16xf32> to vector<1x16xf32>
      tpu.vector_store %arg6[%swap3A_340, %swap3A_341], %swap3A_344 {strides = array<i32>} : memref<256x64xf32, #tpu.memory_space<vmem>>, vector<1x16xf32>,
      %get3A_345 = arith.index_cast %scan3A_332 : i32 to index
      %get3A_346 = arith.constant 16 : index
      %get3A_347 = tpu.vector_load %arg6[%get3A_345, %get3A_346] {strides = array<i32>} : memref<256x64xf32, #tpu.memory_space<vmem>>, vector<1x16xf32>,
      %get3A_348 = vector.shape_cast %get3A_347 : vector<1x16xf32> to vector<16xf32>
      %mul3A_349 = arith.constant 8.000000e+00 : f32
      %mul3A_350 = vector.broadcast %mul3A_349 : f32 to vector<16xf32>
      %mul3A_351 = arith.mulf %get3A_348, %mul3A_350 : vector<16xf32>
      %swap3A_352 = arith.index_cast %scan3A_332 : i32 to index
      %swap3A_353 = arith.constant 16 : index
      %swap3A_354 = tpu.vector_load %arg6[%swap3A_352, %swap3A_353] {strides = array<i32>} : memref<256x64xf32, #tpu.memory_space<vmem>>, vector<1x16xf32>,
      %swap3A_355 = vector.shape_cast %swap3A_354 : vector<1x16xf32> to vector<16xf32>
      %swap3A_356 = vector.shape_cast %mul3A_351 : vector<16xf32> to vector<1x16xf32>
      tpu.vector_store %arg6[%swap3A_352, %swap3A_353], %swap3A_356 {strides = array<i32>} : memref<256x64xf32, #tpu.memory_space<vmem>>, vector<1x16xf32>,
      %get3A_357 = arith.index_cast %scan3A_332 : i32 to index
      %get3A_358 = arith.constant 32 : index
      %get3A_359 = tpu.vector_load %arg6[%get3A_357, %get3A_358] {strides = array<i32>} : memref<256x64xf32, #tpu.memory_space<vmem>>, vector<1x16xf32>,
      %get3A_360 = vector.shape_cast %get3A_359 : vector<1x16xf32> to vector<16xf32>
      %mul3A_361 = arith.constant 8.000000e+00 : f32
      %mul3A_362 = vector.broadcast %mul3A_361 : f32 to vector<16xf32>
      %mul3A_363 = arith.mulf %get3A_360, %mul3A_362 : vector<16xf32>
      %swap3A_364 = arith.index_cast %scan3A_332 : i32 to index
      %swap3A_365 = arith.constant 32 : index
      %swap3A_366 = tpu.vector_load %arg6[%swap3A_364, %swap3A_365] {strides = array<i32>} : memref<256x64xf32, #tpu.memory_space<vmem>>, vector<1x16xf32>,
      %swap3A_367 = vector.shape_cast %swap3A_366 : vector<1x16xf32> to vector<16xf32>
      %swap3A_368 = vector.shape_cast %mul3A_363 : vector<16xf32> to vector<1x16xf32>
      tpu.vector_store %arg6[%swap3A_364, %swap3A_365], %swap3A_368 {strides = array<i32>} : memref<256x64xf32, #tpu.memory_space<vmem>>, vector<1x16xf32>,
      %get3A_369 = arith.index_cast %scan3A_332 : i32 to index
      %get3A_370 = arith.constant 48 : index
      %get3A_371 = tpu.vector_load %arg6[%get3A_369, %get3A_370] {strides = array<i32>} : memref<256x64xf32, #tpu.memory_space<vmem>>, vector<1x16xf32>,
      %get3A_372 = vector.shape_cast %get3A_371 : vector<1x16xf32> to vector<16xf32>
      %mul3A_373 = arith.constant 8.000000e+00 : f32
      %mul3A_374 = vector.broadcast %mul3A_373 : f32 to vector<16xf32>
      %mul3A_375 = arith.mulf %get3A_372, %mul3A_374 : vector<16xf32>
      %swap3A_376 = arith.index_cast %scan3A_332 : i32 to index
      %swap3A_377 = arith.constant 48 : index
      %swap3A_378 = tpu.vector_load %arg6[%swap3A_376, %swap3A_377] {strides = array<i32>} : memref<256x64xf32, #tpu.memory_space<vmem>>, vector<1x16xf32>,
      %swap3A_379 = vector.shape_cast %swap3A_378 : vector<1x16xf32> to vector<16xf32>
      %swap3A_380 = vector.shape_cast %mul3A_375 : vector<16xf32> to vector<1x16xf32>
      tpu.vector_store %arg6[%swap3A_376, %swap3A_377], %swap3A_380 {strides = array<i32>} : memref<256x64xf32, #tpu.memory_space<vmem>>, vector<1x16xf32>,
      %scan3A_381 = arith.constant 0 : i32
      %scan3A_382 = arith.constant 6 : i32
      %scan3A_383 = arith.addi %scan3A_78, %scan3A_382 : i32
      %get3A_384 = arith.index_cast %scan3A_383 : i32 to index
      %get3A_385 = arith.constant 0 : index
      %get3A_386 = tpu.vector_load %arg6[%get3A_384, %get3A_385] {strides = array<i32>} : memref<256x64xf32, #tpu.memory_space<vmem>>, vector<1x16xf32>,
      %get3A_387 = vector.shape_cast %get3A_386 : vector<1x16xf32> to vector<16xf32>
      %mul3A_388 = arith.constant 8.000000e+00 : f32
      %mul3A_389 = vector.broadcast %mul3A_388 : f32 to vector<16xf32>
      %mul3A_390 = arith.mulf %get3A_387, %mul3A_389 : vector<16xf32>
      %swap3A_391 = arith.index_cast %scan3A_383 : i32 to index
      %swap3A_392 = arith.constant 0 : index
      %swap3A_393 = tpu.vector_load %arg6[%swap3A_391, %swap3A_392] {strides = array<i32>} : memref<256x64xf32, #tpu.memory_space<vmem>>, vector<1x16xf32>,
      %swap3A_394 = vector.shape_cast %swap3A_393 : vector<1x16xf32> to vector<16xf32>
      %swap3A_395 = vector.shape_cast %mul3A_390 : vector<16xf32> to vector<1x16xf32>
      tpu.vector_store %arg6[%swap3A_391, %swap3A_392], %swap3A_395 {strides = array<i32>} : memref<256x64xf32, #tpu.memory_space<vmem>>, vector<1x16xf32>,
      %get3A_396 = arith.index_cast %scan3A_383 : i32 to index
      %get3A_397 = arith.constant 16 : index
      %get3A_398 = tpu.vector_load %arg6[%get3A_396, %get3A_397] {strides = array<i32>} : memref<256x64xf32, #tpu.memory_space<vmem>>, vector<1x16xf32>,
      %get3A_399 = vector.shape_cast %get3A_398 : vector<1x16xf32> to vector<16xf32>
      %mul3A_400 = arith.constant 8.000000e+00 : f32
      %mul3A_401 = vector.broadcast %mul3A_400 : f32 to vector<16xf32>
      %mul3A_402 = arith.mulf %get3A_399, %mul3A_401 : vector<16xf32>
      %swap3A_403 = arith.index_cast %scan3A_383 : i32 to index
      %swap3A_404 = arith.constant 16 : index
      %swap3A_405 = tpu.vector_load %arg6[%swap3A_403, %swap3A_404] {strides = array<i32>} : memref<256x64xf32, #tpu.memory_space<vmem>>, vector<1x16xf32>,
      %swap3A_406 = vector.shape_cast %swap3A_405 : vector<1x16xf32> to vector<16xf32>
      %swap3A_407 = vector.shape_cast %mul3A_402 : vector<16xf32> to vector<1x16xf32>
      tpu.vector_store %arg6[%swap3A_403, %swap3A_404], %swap3A_407 {strides = array<i32>} : memref<256x64xf32, #tpu.memory_space<vmem>>, vector<1x16xf32>,
      %get3A_408 = arith.index_cast %scan3A_383 : i32 to index
      %get3A_409 = arith.constant 32 : index
      %get3A_410 = tpu.vector_load %arg6[%get3A_408, %get3A_409] {strides = array<i32>} : memref<256x64xf32, #tpu.memory_space<vmem>>, vector<1x16xf32>,
      %get3A_411 = vector.shape_cast %get3A_410 : vector<1x16xf32> to vector<16xf32>
      %mul3A_412 = arith.constant 8.000000e+00 : f32
      %mul3A_413 = vector.broadcast %mul3A_412 : f32 to vector<16xf32>
      %mul3A_414 = arith.mulf %get3A_411, %mul3A_413 : vector<16xf32>
      %swap3A_415 = arith.index_cast %scan3A_383 : i32 to index
      %swap3A_416 = arith.constant 32 : index
      %swap3A_417 = tpu.vector_load %arg6[%swap3A_415, %swap3A_416] {strides = array<i32>} : memref<256x64xf32, #tpu.memory_space<vmem>>, vector<1x16xf32>,
      %swap3A_418 = vector.shape_cast %swap3A_417 : vector<1x16xf32> to vector<16xf32>
      %swap3A_419 = vector.shape_cast %mul3A_414 : vector<16xf32> to vector<1x16xf32>
      tpu.vector_store %arg6[%swap3A_415, %swap3A_416], %swap3A_419 {strides = array<i32>} : memref<256x64xf32, #tpu.memory_space<vmem>>, vector<1x16xf32>,
      %get3A_420 = arith.index_cast %scan3A_383 : i32 to index
      %get3A_421 = arith.constant 48 : index
      %get3A_422 = tpu.vector_load %arg6[%get3A_420, %get3A_421] {strides = array<i32>} : memref<256x64xf32, #tpu.memory_space<vmem>>, vector<1x16xf32>,
      %get3A_423 = vector.shape_cast %get3A_422 : vector<1x16xf32> to vector<16xf32>
      %mul3A_424 = arith.constant 8.000000e+00 : f32
      %mul3A_425 = vector.broadcast %mul3A_424 : f32 to vector<16xf32>
      %mul3A_426 = arith.mulf %get3A_423, %mul3A_425 : vector<16xf32>
      %swap3A_427 = arith.index_cast %scan3A_383 : i32 to index
      %swap3A_428 = arith.constant 48 : index
      %swap3A_429 = tpu.vector_load %arg6[%swap3A_427, %swap3A_428] {strides = array<i32>} : memref<256x64xf32, #tpu.memory_space<vmem>>, vector<1x16xf32>,
      %swap3A_430 = vector.shape_cast %swap3A_429 : vector<1x16xf32> to vector<16xf32>
      %swap3A_431 = vector.shape_cast %mul3A_426 : vector<16xf32> to vector<1x16xf32>
      tpu.vector_store %arg6[%swap3A_427, %swap3A_428], %swap3A_431 {strides = array<i32>} : memref<256x64xf32, #tpu.memory_space<vmem>>, vector<1x16xf32>,
      %scan3A_432 = arith.constant 0 : i32
      %scan3A_433 = arith.constant 7 : i32
      %scan3A_434 = arith.addi %scan3A_78, %scan3A_433 : i32
      %get3A_435 = arith.index_cast %scan3A_434 : i32 to index
      %get3A_436 = arith.constant 0 : index
      %get3A_437 = tpu.vector_load %arg6[%get3A_435, %get3A_436] {strides = array<i32>} : memref<256x64xf32, #tpu.memory_space<vmem>>, vector<1x16xf32>,
      %get3A_438 = vector.shape_cast %get3A_437 : vector<1x16xf32> to vector<16xf32>
      %mul3A_439 = arith.constant 8.000000e+00 : f32
      %mul3A_440 = vector.broadcast %mul3A_439 : f32 to vector<16xf32>
      %mul3A_441 = arith.mulf %get3A_438, %mul3A_440 : vector<16xf32>
      %swap3A_442 = arith.index_cast %scan3A_434 : i32 to index
      %swap3A_443 = arith.constant 0 : index
      %swap3A_444 = tpu.vector_load %arg6[%swap3A_442, %swap3A_443] {strides = array<i32>} : memref<256x64xf32, #tpu.memory_space<vmem>>, vector<1x16xf32>,
      %swap3A_445 = vector.shape_cast %swap3A_444 : vector<1x16xf32> to vector<16xf32>
      %swap3A_446 = vector.shape_cast %mul3A_441 : vector<16xf32> to vector<1x16xf32>
      tpu.vector_store %arg6[%swap3A_442, %swap3A_443], %swap3A_446 {strides = array<i32>} : memref<256x64xf32, #tpu.memory_space<vmem>>, vector<1x16xf32>,
      %get3A_447 = arith.index_cast %scan3A_434 : i32 to index
      %get3A_448 = arith.constant 16 : index
      %get3A_449 = tpu.vector_load %arg6[%get3A_447, %get3A_448] {strides = array<i32>} : memref<256x64xf32, #tpu.memory_space<vmem>>, vector<1x16xf32>,
      %get3A_450 = vector.shape_cast %get3A_449 : vector<1x16xf32> to vector<16xf32>
      %mul3A_451 = arith.constant 8.000000e+00 : f32
      %mul3A_452 = vector.broadcast %mul3A_451 : f32 to vector<16xf32>
      %mul3A_453 = arith.mulf %get3A_450, %mul3A_452 : vector<16xf32>
      %swap3A_454 = arith.index_cast %scan3A_434 : i32 to index
      %swap3A_455 = arith.constant 16 : index
      %swap3A_456 = tpu.vector_load %arg6[%swap3A_454, %swap3A_455] {strides = array<i32>} : memref<256x64xf32, #tpu.memory_space<vmem>>, vector<1x16xf32>,
      %swap3A_457 = vector.shape_cast %swap3A_456 : vector<1x16xf32> to vector<16xf32>
      %swap3A_458 = vector.shape_cast %mul3A_453 : vector<16xf32> to vector<1x16xf32>
      tpu.vector_store %arg6[%swap3A_454, %swap3A_455], %swap3A_458 {strides = array<i32>} : memref<256x64xf32, #tpu.memory_space<vmem>>, vector<1x16xf32>,
      %get3A_459 = arith.index_cast %scan3A_434 : i32 to index
      %get3A_460 = arith.constant 32 : index
      %get3A_461 = tpu.vector_load %arg6[%get3A_459, %get3A_460] {strides = array<i32>} : memref<256x64xf32, #tpu.memory_space<vmem>>, vector<1x16xf32>,
      %get3A_462 = vector.shape_cast %get3A_461 : vector<1x16xf32> to vector<16xf32>
      %mul3A_463 = arith.constant 8.000000e+00 : f32
      %mul3A_464 = vector.broadcast %mul3A_463 : f32 to vector<16xf32>
      %mul3A_465 = arith.mulf %get3A_462, %mul3A_464 : vector<16xf32>
      %swap3A_466 = arith.index_cast %scan3A_434 : i32 to index
      %swap3A_467 = arith.constant 32 : index
      %swap3A_468 = tpu.vector_load %arg6[%swap3A_466, %swap3A_467] {strides = array<i32>} : memref<256x64xf32, #tpu.memory_space<vmem>>, vector<1x16xf32>,
      %swap3A_469 = vector.shape_cast %swap3A_468 : vector<1x16xf32> to vector<16xf32>
      %swap3A_470 = vector.shape_cast %mul3A_465 : vector<16xf32> to vector<1x16xf32>
      tpu.vector_store %arg6[%swap3A_466, %swap3A_467], %swap3A_470 {strides = array<i32>} : memref<256x64xf32, #tpu.memory_space<vmem>>, vector<1x16xf32>,
      %get3A_471 = arith.index_cast %scan3A_434 : i32 to index
      %get3A_472 = arith.constant 48 : index
      %get3A_473 = tpu.vector_load %arg6[%get3A_471, %get3A_472] {strides = array<i32>} : memref<256x64xf32, #tpu.memory_space<vmem>>, vector<1x16xf32>,
      %get3A_474 = vector.shape_cast %get3A_473 : vector<1x16xf32> to vector<16xf32>
      %mul3A_475 = arith.constant 8.000000e+00 : f32
      %mul3A_476 = vector.broadcast %mul3A_475 : f32 to vector<16xf32>
      %mul3A_477 = arith.mulf %get3A_474, %mul3A_476 : vector<16xf32>
      %swap3A_478 = arith.index_cast %scan3A_434 : i32 to index
      %swap3A_479 = arith.constant 48 : index
      %swap3A_480 = tpu.vector_load %arg6[%swap3A_478, %swap3A_479] {strides = array<i32>} : memref<256x64xf32, #tpu.memory_space<vmem>>, vector<1x16xf32>,
      %swap3A_481 = vector.shape_cast %swap3A_480 : vector<1x16xf32> to vector<16xf32>
      %swap3A_482 = vector.shape_cast %mul3A_477 : vector<16xf32> to vector<1x16xf32>
      tpu.vector_store %arg6[%swap3A_478, %swap3A_479], %swap3A_482 {strides = array<i32>} : memref<256x64xf32, #tpu.memory_space<vmem>>, vector<1x16xf32>,
      %scan3A_483 = arith.constant 0 : i32
      scf.yield %scan3A_483 : i32
    }
    %scan3A_53 = arith.constant 256 : i32
    %add3A_54 = arith.constant 6144 : i32
    %add3A_55 = arith.addi %mul3A_2, %add3A_54 : i32
    %dma_start3A_56 = arith.constant 0 : i32
    %dma_start3A_57 = tpu.memref_slice %arg4[%add3A_55, %dma_start3A_56] : memref<204800x64xf32, #tpu.memory_space<hbm>> -> memref<256x64xf32, #tpu.memory_space<hbm>>
    %dma_start3A_58 = arith.constant 0 : i32
    %dma_start3A_59 = tpu.memref_slice %arg4[%add3A_55, %dma_start3A_58] : memref<204800x64xf32, #tpu.memory_space<hbm>> -> memref<256x64xf32, #tpu.memory_space<hbm>>
    tpu.enqueue_dma source(%arg6 : memref<256x64xf32, #tpu.memory_space<vmem>>) target(%dma_start3A_59 : memref<256x64xf32, #tpu.memory_space<hbm>>) target_semaphore(%arg12 : memref<!tpu.dma_semaphore, #tpu.memory_space<semaphore_mem>>)
    %dma_wait3A_60 = arith.constant 0 : i32
    %dma_wait3A_61 = arith.constant 0 : i32
    %dma_wait3A_62 = tpu.memref_slice %arg4[%dma_wait3A_60, %dma_wait3A_61] : memref<204800x64xf32, #tpu.memory_space<hbm>> -> memref<256x64xf32, #tpu.memory_space<hbm>>
    %dma_wait3A_63 = arith.constant 0 : i32
    %dma_wait3A_64 = arith.constant 0 : i32
    %dma_wait3A_65 = tpu.memref_slice %arg4[%dma_wait3A_63, %dma_wait3A_64] : memref<204800x64xf32, #tpu.memory_space<hbm>> -> memref<256x64xf32, #tpu.memory_space<hbm>>
    tpu.wait_dma2 semaphore(%arg12 : memref<!tpu.dma_semaphore, #tpu.memory_space<semaphore_mem>>) src(%arg6 : memref<256x64xf32, #tpu.memory_space<vmem>>) dst(%dma_wait3A_65 : memref<256x64xf32, #tpu.memory_space<hbm>>)
    %dma_wait3A_66 = arith.constant 0 : i32
    %dma_wait3A_67 = arith.constant 0 : i32
    %dma_wait3A_68 = tpu.memref_slice %arg4[%dma_wait3A_66, %dma_wait3A_67] : memref<204800x64xf32, #tpu.memory_space<hbm>> -> memref<256x64xf32, #tpu.memory_space<hbm>>
    %dma_wait3A_69 = arith.constant 0 : i32
    %dma_wait3A_70 = arith.constant 0 : i32
    %dma_wait3A_71 = tpu.memref_slice %arg4[%dma_wait3A_69, %dma_wait3A_70] : memref<204800x64xf32, #tpu.memory_space<hbm>> -> memref<256x64xf32, #tpu.memory_space<hbm>>
    tpu.wait_dma2 semaphore(%arg13 : memref<!tpu.dma_semaphore, #tpu.memory_space<semaphore_mem>>) src(%arg7 : memref<256x64xf32, #tpu.memory_space<vmem>>) dst(%dma_wait3A_71 : memref<256x64xf32, #tpu.memory_space<hbm>>)
    %dma_wait3A_72 = arith.constant 0 : i32
    %dma_wait3A_73 = arith.constant 0 : i32
    %dma_wait3A_74 = tpu.memref_slice %arg4[%dma_wait3A_72, %dma_wait3A_73] : memref<204800x64xf32, #tpu.memory_space<hbm>> -> memref<256x64xf32, #tpu.memory_space<hbm>>
    %dma_wait3A_75 = arith.constant 0 : i32
    %dma_wait3A_76 = arith.constant 0 : i32
    %dma_wait3A_77 = tpu.memref_slice %arg4[%dma_wait3A_75, %dma_wait3A_76] : memref<204800x64xf32, #tpu.memory_space<hbm>> -> memref<256x64xf32, #tpu.memory_space<hbm>>
    tpu.wait_dma2 semaphore(%arg14 : memref<!tpu.dma_semaphore, #tpu.memory_space<semaphore_mem>>) src(%arg8 : memref<256x64xf32, #tpu.memory_space<vmem>>) dst(%dma_wait3A_77 : memref<256x64xf32, #tpu.memory_space<hbm>>)
    return
  }
}

</mosaic_0001>

<sc_bundles>
// kernel: _emb_lookup.3.cloned.1.call-start
scs
__scs_entry_jumppad:
0x0: {  	(pc) =	sbr.rel $0x88, $3  }
0x1: {  	(tag) =	ssettag $0x0;
	lr =	simm.s32 $0x1  }
0x2: {  	[smem:$0x3F9F] =	sst lr;
	_ =	strace $0xD0000000  }
0x3: {  	_ = 	snop  }
0x4: {  	_ = 	snop  }
0x5: {  	_ = 	snop  }
0x6: {  	_ = 	snop  }
0x7: {  	_ = 	snop  }
__scs_overlays_trampoline_lowered:
0x8: {  	[smem:$0x3FAE] =	sst s0  }
0x9: {  	[smem:$0x3FAF] =	sst s1  }
0xa: {  	[smem:$0x3FB0] =	sst s2  }
0xb: {  	[smem:$0x3FB1] =	sst s3  }
0xc: {  	[smem:$0x3FB2] =	sst s4  }
0xd: {  	[smem:$0x3FB3] =	sst s5  }
0xe: {  	[smem:$0x3FB4] =	sst s6  }
0xf: {  	[smem:$0x3FB5] =	sst s7  }
0x10: {  	[smem:$0x3FB6] =	sst s8  }
0x11: {  	[smem:$0x3FB7] =	sst s9;
	s0 =	simm.s32 @!p0 $0x0  }
0x12: {  	s1 =	sld [smem:$0x3F9D];
	s0 =	simm.s32 @p0 $0x1  }
0x13: {  	[smem:$0x3FB8] =	sst s0;
	s0 =	simm.s32 @!p1 $0x0  }
0x14: {  	s2 =	sld [smem:$0x3F9C];
	s0 =	simm.s32 @p1 $0x1  }
0x15: {  	[smem:$0x3FB9] =	sst s0;
	s0 =	simm.s32 @!p2 $0x0  }
0x16: {  	s3 =	sld [smem:$0x3FDB];
	s0 =	simm.s32 @p2 $0x1  }
0x17: {  	s4 =	simm.s32 $0x1BF5;
	[smem:$0x3FBB] =	sst s0  }
0x18: {  	s0 =	sld [smem:$0x3F9E];
	_ =	swait.ge [sflag:s4], $0x0  }
0x19: {  	s7 =	sld [smem:$0x3F9F]  }
0x1a: {  	s8 =	sadd.s32 $0xFFFFE003, lr  }
0x1b: {  	s9 =	sadd.s32 $0xFFFFFEF7, lr;
	s5 =	simm.s32 $0xFFFFFFFF;
	p2 =	slt.u32 s8, $0xFFFFF086  }
0x1c: {  	p1 =	slt.u32 s9, $0xF7A;
	s5 =	simm.s32 @!p2 $0x0  }
0x1d: {  	s5 =	simm.s32 @p1 $0x1;
	p0 =	seq.s32 s7, s2  }
0x1e: {  	s7 =	smul.u32 @!p0 $0xF7A, s2;
	p2 =	seq.s32 @!p0 s5, $0x0  }
0x1f: {  	s9 =	smul.u32 $0xF7A, s1;
	s8 =	simm.s32 @!p0 $0x1BF5;
	p2 =	por !p2, p0  }
0x20: {  	[sflag:s8] =	ssyncset.s32 @!p0 $0xFFFFF086;
	s6 =	sadd.s32 @!p0 s3, s7;
	s7 =	simm.s32 @!p0 $0x108  }
0x21: {  	s3 =	sadd.s32 s3, s9;
	s6 =	sadd.s32 @!p0 $0x88, s6;
	s7 =	simm.s32 @p2 $0x1082  }
0x22: {  	[simem:s7], [sflag:s8] =	dma.local @!p0 [hbm:s6], $0xF7A  }
0x23: {  	s9 =	sor.u32 $0xD0000000, s2;
	s6 =	simm.s32 $0x108;
	_ =	swait.ge @!p0 [sflag:s8], $0x0  }
0x24: {  	s3 =	sadd.s32 $0x88, s3;
	s6 =	simm.s32 @!p1 $0x1082;
	[sflag:s4] =	ssyncset.s32 $0xFFFFF086  }
0x25: {  	[simem:s6], [sflag:s4] =	dma.local [hbm:s3], $0xF7A  }
0x26: {  	[smem:$0x3F9F] =	sst s1;
	(tag) =	ssettag s2;
	_ =	strace s9  }
0x27: {  	s1 =	sld [smem:$0x3FAF]  }
0x28: {  	s2 =	sld [smem:$0x3FB0]  }
0x29: {  	s4 =	sld [smem:$0x3FB2]  }
0x2a: {  	p0 =	seq.s32 s5, $0x0;
	s5 =	sld [smem:$0x3FB3]  }
0x2b: {  	s6 =	sld [smem:$0x3FB4]  }
0x2c: {  	s7 =	sld [smem:$0x3FB5]  }
0x2d: {  	s3 =	simm.s32 $0x108;
	s8 =	sld [smem:$0x3FB6]  }
0x2e: {  	s3 =	simm.s32 @!p0 $0x1082;
	s9 =	sld [smem:$0x3FB7]  }
0x2f: {  	lr =	sadd.s32 s0, s3;
	s0 =	sld [smem:$0x3FAE]  }
0x30: {  	s3 =	sld [smem:$0x3FB1]  }
0x31: {  	[smem:$0x3FBA] =	sst s10  }
0x32: {  	s10 =	sld [smem:$0x3FB8];
	_ =	sdelay $0x3  }
0x33: {  	p0 =	seq.s32 s10, $0x1;
	s10 =	sld [smem:$0x3FBA];
	_ =	sdelay $0x3  }
0x34: {  	[smem:$0x3FBA] =	sst s10  }
0x35: {  	s10 =	sld [smem:$0x3FB9];
	_ =	sdelay $0x3  }
0x36: {  	p1 =	seq.s32 s10, $0x1;
	s10 =	sld [smem:$0x3FBA];
	_ =	sdelay $0x3  }
0x37: {  	[smem:$0x3FBA] =	sst s10  }
0x38: {  	s10 =	sld [smem:$0x3FBB]  }
0x39: {  	_ = 	snop;
	(pc) =	sbr.ind lr, $3  }
0x3a: {  	_ = 	snop  }
0x3b: {  	_ = 	snop  }
0x3c: {  	p2 =	seq.s32 s10, $0x1;
	s10 =	sld [smem:$0x3FBA]  }
0x3d: {  	_ =	shalt  }
0x3e: {  	_ =	shalt  }
0x3f: {  	_ =	shalt  }
0x40: {  	_ =	shalt  }
0x41: {  	_ =	shalt  }
0x42: {  	_ =	shalt  }
0x43: {  	_ =	shalt  }
0x44: {  	_ =	shalt  }
0x45: {  	_ =	shalt  }
0x46: {  	_ =	shalt  }
0x47: {  	_ =	shalt  }
0x48: {  	_ =	shalt  }
0x49: {  	_ =	shalt  }
0x4a: {  	_ =	shalt  }
0x4b: {  	_ =	shalt  }
0x4c: {  	_ =	shalt  }
0x4d: {  	_ =	shalt  }
0x4e: {  	_ =	shalt  }
0x4f: {  	_ =	shalt  }
0x50: {  	_ =	shalt  }
0x51: {  	_ =	shalt  }
0x52: {  	_ =	shalt  }
0x53: {  	_ =	shalt  }
0x54: {  	_ =	shalt  }
0x55: {  	_ =	shalt  }
0x56: {  	_ =	shalt  }
0x57: {  	_ =	shalt  }
0x58: {  	_ =	shalt  }
0x59: {  	_ =	shalt  }
0x5a: {  	_ =	shalt  }
0x5b: {  	_ =	shalt  }
0x5c: {  	_ =	shalt  }
0x5d: {  	_ =	shalt  }
0x5e: {  	_ =	shalt  }
0x5f: {  	_ =	shalt  }
0x60: {  	_ =	shalt  }
0x61: {  	_ =	shalt  }
0x62: {  	_ =	shalt  }
0x63: {  	_ =	shalt  }
0x64: {  	_ =	shalt  }
0x65: {  	_ =	shalt  }
0x66: {  	_ =	shalt  }
0x67: {  	_ =	shalt  }
0x68: {  	_ =	shalt  }
0x69: {  	_ =	shalt  }
0x6a: {  	_ =	shalt  }
0x6b: {  	_ =	shalt  }
0x6c: {  	_ =	shalt  }
0x6d: {  	_ =	shalt  }
0x6e: {  	_ =	shalt  }
0x6f: {  	_ =	shalt  }
0x70: {  	_ =	shalt  }
0x71: {  	_ =	shalt  }
0x72: {  	_ =	shalt  }
0x73: {  	_ =	shalt  }
0x74: {  	_ =	shalt  }
0x75: {  	_ =	shalt  }
0x76: {  	_ =	shalt  }
0x77: {  	_ =	shalt  }
0x78: {  	_ =	shalt  }
0x79: {  	_ =	shalt  }
0x7a: {  	_ =	shalt  }
0x7b: {  	_ =	shalt  }
0x7c: {  	_ =	shalt  }
0x7d: {  	_ =	shalt  }
0x7e: {  	_ =	shalt  }
0x7f: {  	_ =	shalt  }
0x80: {  	_ =	shalt  }
0x81: {  	_ =	shalt  }
0x82: {  	_ =	shalt  }
0x83: {  	_ =	shalt  }
0x84: {  	_ =	shalt  }
0x85: {  	_ =	shalt  }
0x86: {  	_ =	shalt  }
0x87: {  	_ =	shalt  }
.Lfunc_end0:
.L_simem_size_0:
called_computation.1_lowered:
.L_overlay_start_0:
0x88: {  	s2 =	sld [smem:$0x3FD9]  }
0x89: {  	s3 =	sld [smem:$0x3FFE];
	_ =	sdelay $0x1  }
0x8a: {  	s1 =	srdreg.scid  }
0x8b: {  	s0 =	sand.u32 $0x1, s1  }
0x8c: {  	s17 =	sshll.u32 s0, $0xA;
	s2 =	sadd.s32 s3, s2  }
0x8d: {  	s2 =	sadd.s32 s2, s17  }
0x8e: {  	[smem:$0x3FC6] =	sst s2  }
0x8f: {  	_ = 	snop  }
0x90: {  	s2 =	sld [smem:$0x3FC8]  }
0x91: {  	s18 =	sld [smem:$0x3FD0];
	(tm) =	ssettm $0x1  }
0x92: {  	s4 =	sld [smem:$0x3FFB];
	_ =	sdelay $0x3  }
0x93: {  	_ =	strace s4  }
0x94: {  	s4 =	sld [smem:$0x3FFC];
	_ =	sdelay $0x3  }
0x95: {  	_ =	strace s4  }
0x96: {  	s4 =	sld [smem:$0x3FFD];
	_ =	sdelay $0x3  }
0x97: {  	_ =	strace s4  }
0x98: {  	_ =	strace $0x8FFFFFFF  }
0x99: {  	s19 =	sld [smem:$0x3FDB];
	_ =	sdelay $0x1  }
0x9a: {  	s5 =	simm.s32 $_scs_section_size  }
0x9b: {  	s6 =	simm.s32 $_size__tile_overlayer_lowered;
	s7 =	simm.s32 $_tile_overlayer_lowered  }
0x9c: {  	s22 =	simm.s32 $0x1BFF;
	s21 =	sshll.u32 s7, $0x1;
	s4 =	sadd.s32 s5, s19  }
0x9d: {  	s8 =	simm.s32 $0x0;
	s20 =	sshll.u32 s6, $0x1;
	s6 =	sadd.s32 s21, s4  }
0x9e: {  	[timem:s8], [sflag:s22] =	dma.local [hbm:s6], s20  }
0x9f: {  	_ =	swait.ge [sflag:s22], s20  }
0xa0: {  	s5 =	ssub.s32 $0x0, s20;
	[sflag:s22] =	ssyncset.done $0x0  }
0xa1: {  	[sflag:s22] =	ssyncadd.s32 s5;
	_ =	sdelay $0x1  }
0xa2: {  	s23 =	simm.s32 $0x1B8B  }
0xa3: {  	_ =	swait.ge [sflag:s23], $0x1  }
0xa4: {  	[sflag:s23] =	ssyncset.done $0x0  }
0xa5: {  	s25 =	simm.s32 $0x1B8E;
	s24 =	sld [smem:$0x3FFE];
	[sflag:s23] =	ssyncadd.s32 $0xFFFFFFFF  }
0xa6: {  	s26 =	simm.s32 $execute0_lowered;
	[smem:$0x3FD2] =	sst s25  }
0xa7: {  	s6 =	sshll.u32 s26, $0x1;
	_ =	strace $0x80000046;
	[dreg:$0x1] =	wrdreg $0xFFFFFFFF  }
0xa8: {  	s28 =	simm.s32 $_size_execute0_lowered;
	s4 =	sadd.s32 s4, s6;
	[dreg:$0x0] =	wrdreg $0x0  }
0xa9: {  	s6 =	sshll.u32 s28, $0x1;
	[dreg:$0x2] =	wrdreg s4  }
0xaa: {  	[dreg:$0x3] =	wrdreg s6  }
0xab: {  	[dreg:$0x4] =	wrdreg $0xC0  }
0xac: {  	_ =	task [dreg:s8], $0x5FFFF  }
0xad: {  	[dreg:$0x1] =	wrdreg $0xFFFFFFFF  }
0xae: {  	[dreg:$0x0] =	wrdreg $0x60  }
0xaf: {  	[dreg:$0x2] =	wrdreg s24  }
0xb0: {  	[dreg:$0x3] =	wrdreg s2  }
0xb1: {  	[dreg:$0x4] =	wrdreg s18  }
0xb2: {  	[dreg:$0x5] =	wrdreg $0x9  }
0xb3: {  	_ =	task.clear_ibuf [dreg:s8], $0x6FFFF;
	_ =	strace $0x90000046  }
0xb4: {  	s29 =	simm.s32 $0x9;
	_ =	strace $0x80000048  }
0xb5: {  	_ =	swait.ge [sflag:s29], $0x1  }
0xb6: {  	[sflag:s29] =	ssyncadd.s32 $0xFFFFFFFF  }
0xb7: {  	_ =	strace $0x90000048  }
0xb8: {  	_ =	sfence  }
0xb9: {  	s30 =	sld [smem:$0x0];
	_ =	sdelay $0x2  }
0xba: {  	s31 =	sshll.u32 s1, $0xD;
	s1 =	sshrl.u32 s1, $0x2  }
0xbb: {  	s3 =	sand.u32 $0x4000, s31;
	s1 =	sadd.s32 s1, s30  }
0xbc: {  	s0 =	sor.u32 s3, s0;
	s1 =	sshll.u32 s1, $0x11  }
0xbd: {  	s0 =	sor.u32 s1, s0  }
0xbe: {  	s0 =	sadd.s32 $0x8F2B, s0  }
0xbf: {  	[sflag:s0] =	ssyncadd.remote.s32 $0x1  }
0xc0: {  	_ =	sfence.sel $0xFFFF  }
0xc1: {  	[dreg:$0x0] =	wrdreg $0xFFFFFFFF;
	(pc) =	sbr.abs _section_cstart, $3  }
0xc2: {  	[dreg:$0x1] =	wrdreg $0xFFFFFFFF  }
0xc3: {  	_ =	task.clear_ibuf [dreg:s8], $0x2FFFF;
	_ =	strace $0x9FFFFFFF  }
0xc4: {  	(tm) =	ssettm $0x7FFFFFFF  }
0xc5: {  	_ =	shalt  }
tec
execute0_lowered:
.L_overlay_start_1:
0x0: {  	(tag) =	ssettag $0x1  }
0x1: {  	s6 =	rddreg [dreg:$0x0]  }
0x2: {  	s7 =	rddreg [dreg:$0x1];
	s1 =	srdreg.scid  }
0x3: {  	s0 =	stileid.u32;
	s2 =	rddreg [dreg:$0x2];
	s3 =	simm.s32 $0x0  }
0x4: {  	s11 =	simm.s32 $0x80;
	s12 =	simm.s32 $0x1900;
	s13 =	simm.s32 $0x3900  }
0x5: {  	s14 =	simm.s32 $0x1;
	s15 =	simm.s32 $0x5900;
	s16 =	simm.s32 $0x7900  }
0x6: {  	s17 =	simm.s32 $0x2;
	s18 =	simm.s32 $0x9900;
	s19 =	simm.s32 $0xB900  }
0x7: {  	s20 =	simm.s32 $0x3;
	s21 =	simm.s32 $0x4;
	s22 =	simm.s32 $0x5  }
0x8: {  	s23 =	simm.s32 $0x6;
	s5 =	sand.u32 $0x1, s1;
	s4 =	sshll.u32 s0, $0x1  }
0x9: {  	s24 =	simm.s32 $0x0;
	s1 =	rddreg [dreg:$0x3];
	s8 =	sor.u32 s5, s4  }
0xa: {  	[smem:$0x7FF] =	sst s3;
	s9 =	ssub.s32 $0x2, s5;
	s4 =	smul.u32 $0x64000, s8  }
0xb: {  	s6 =	sadd.s32 $0xF42C00, s6;
	s5 =	smul.u32 $0x1900, s8;
	s30 =	sshrl.u32 s9, $0x1  }
0xc: {  	_ =	strace $0x80000047;
	s9 =	ssub.s32 s9, s30;
	s10 =	sshrl.u32 s4, $0x3  }
0xd: {  	s31 =	sshrl.u32 s5, $0x3;
	s9 =	smax.u32 s9, $0x1;
	s10 =	sadd.s32 s2, s10  }
0xe: {  	s7 =	sadd.s32 s7, s31;
	s8 =	sadd.s32 $0xC000, s10;
	s10 =	simm.s32 $0x7  }
.LBB2_1:
0xf: {  	[tilespmem:s3], [sflag:$0x7] =	stream.linear.gather [hbm4b:s7+s3], $0x1900, $0x38;
	[tilespmem:$0xD900] =	vst v63  }
0x10: {  	_ =	swait.ge [sflag:s10], $0x1900  }
0x11: {  	[sflag:s10] =	ssyncset.done $0x0  }
0x12: {  	[sflag:s10] =	ssyncadd.s32 $0xFFFFE700  }
0x13: {  	[tilespmem:s12], [sflag:$0x1] =	stream.indirect.gather [hbm4b:s6+s11], $0x40, s3, s11, $0xb8;
	[tilespmem:$0xD900] =	vst v63  }
0x14: {  	s25 =	simm.s32 $0x0  }
0x15: {  	[tilespmem:s13], [sflag:$0x1] =	stream.indirect.gather [hbm4b:s6+s11], $0x40, s11, s11, $0xb8;
	[tilespmem:$0xD900] =	vst v63  }
.LBB2_2:
0x16: {  	_ =	swait.ge [sflag:s14], $0x2000  }
0x17: {  	[sflag:s14] =	ssyncset.done $0x0  }
0x18: {  	[sflag:s14] =	ssyncadd.s32 $0xFFFFE000  }
0x19: {  	_ =	swait.ge [sflag:s14], $0x2000  }
0x1a: {  	s28 =	smul.u32 $0x3, s25;
	p0 =	seq.s32 s25, $0x0;
	[sflag:s14] =	ssyncset.done $0x0  }
0x1b: {  	s29 =	simm.s32 @!p0 $0x5;
	[sflag:s14] =	ssyncadd.s32 $0xFFFFE000  }
0x1c: {  	s26 =	sadd.s32 $0x1, s28;
	_ =	swait.ge @!p0 [sflag:s29], $0x4000  }
0x1d: {  	s30 =	sshll.u32 s26, $0x8;
	[sflag:s29] =	ssyncset.done @!p0 $0x0  }
0x1e: {  	[sflag:s29] =	ssyncadd.s32 @!p0 $0xFFFFC000;
	s29 =	sand.u32 $0x3FFFFF00, s30  }
0x1f: {  	[tilespmem:s15], [sflag:$0x2] =	stream.indirect.gather [hbm4b:s6+s11], $0x40, s29, s11, $0xb8;
	[tilespmem:$0xD900] =	vst v63  }
0x20: {  	s29 =	sor.u32 $0x80, s29  }
0x21: {  	[tilespmem:s16], [sflag:$0x2] =	stream.indirect.gather [hbm4b:s6+s11], $0x40, s29, s11, $0xb8;
	[tilespmem:$0xD900] =	vst v63  }
0x22: {  	s29 =	simm.s32 $0x1A00  }
0x23: {  	v0 =	vld [tilespmem:s29+$0xFFFFFF00]  }
0x24: {  	v1 =	vld [tilespmem:s29+$0xFFFFFF10]  }
0x25: {  	v2 =	vld [tilespmem:s29+$0xFFFFFF20]  }
0x26: {  	v3 =	vld [tilespmem:s29+$0xFFFFFF30]  }
0x27: {  	v4 =	vld [tilespmem:s29+$0xFFFFFF40]  }
0x28: {  	v5 =	vld [tilespmem:s29+$0xFFFFFF50];
	v0 =	vmul.f32 $8.000000000e+00, v0  }
0x29: {  	v6 =	vld [tilespmem:s29+$0xFFFFFF60];
	v1 =	vmul.f32 $8.000000000e+00, v1  }
0x2a: {  	[tilespmem:s29+$0xFFFFFF00] =	vst v0;
	v0 =	vmul.f32 $8.000000000e+00, v2;
	v2 =	vld [tilespmem:s29+$0xFFFFFF70]  }
0x2b: {  	[tilespmem:s29+$0xFFFFFF10] =	vst v1;
	v1 =	vmul.f32 $8.000000000e+00, v3;
	v3 =	vld [tilespmem:s29+$0xFFFFFF80]  }
0x2c: {  	[tilespmem:s29+$0xFFFFFF20] =	vst v0;
	v0 =	vmul.f32 $8.000000000e+00, v4;
	v4 =	vld [tilespmem:s29+$0xFFFFFF90]  }
0x2d: {  	[tilespmem:s29+$0xFFFFFF30] =	vst v1;
	v1 =	vmul.f32 $8.000000000e+00, v5;
	v5 =	vld [tilespmem:s29+$0xFFFFFFA0]  }
0x2e: {  	[tilespmem:s29+$0xFFFFFF40] =	vst v0;
	v0 =	vmul.f32 $8.000000000e+00, v6;
	v6 =	vld [tilespmem:s29+$0xFFFFFFB0]  }
0x2f: {  	[tilespmem:s29+$0xFFFFFF50] =	vst v1;
	v1 =	vmul.f32 $8.000000000e+00, v2;
	v2 =	vld [tilespmem:s29+$0xFFFFFFC0]  }
0x30: {  	[tilespmem:s29+$0xFFFFFF60] =	vst v0;
	v0 =	vmul.f32 $8.000000000e+00, v3;
	v3 =	vld [tilespmem:s29+$0xFFFFFFD0]  }
0x31: {  	[tilespmem:s29+$0xFFFFFF70] =	vst v1;
	v1 =	vmul.f32 $8.000000000e+00, v4;
	v4 =	vld [tilespmem:s29+$0xFFFFFFE0]  }
0x32: {  	[tilespmem:s29+$0xFFFFFF80] =	vst v0;
	v0 =	vmul.f32 $8.000000000e+00, v5;
	v5 =	vld [tilespmem:s29+$0x0]  }
0x33: {  	[tilespmem:s29+$0xFFFFFF90] =	vst v1;
	v1 =	vmul.f32 $8.000000000e+00, v6;
	v6 =	vld [tilespmem:s29+$0x10]  }
0x34: {  	[tilespmem:s29+$0xFFFFFFA0] =	vst v0;
	v0 =	vmul.f32 $8.000000000e+00, v2;
	v2 =	vld [tilespmem:s29+$0x20]  }
0x35: {  	[tilespmem:s29+$0xFFFFFFB0] =	vst v1;
	v1 =	vmul.f32 $8.000000000e+00, v3;
	v3 =	vld [tilespmem:s29+$0x30]  }
0x36: {  	[tilespmem:s29+$0xFFFFFFC0] =	vst v0;
	v0 =	vmul.f32 $8.000000000e+00, v4;
	v4 =	vld [tilespmem:s29+$0x40]  }
0x37: {  	[tilespmem:s29+$0xFFFFFFD0] =	vst v1;
	v1 =	vmul.f32 $8.000000000e+00, v5;
	v5 =	vld [tilespmem:s29+$0x50]  }
0x38: {  	[tilespmem:s29+$0xFFFFFFE0] =	vst v0;
	v0 =	vmul.f32 $8.000000000e+00, v6;
	v6 =	vld [tilespmem:s29+$0x60]  }
0x39: {  	[tilespmem:s29+$0x0] =	vst v1;
	v1 =	vmul.f32 $8.000000000e+00, v2;
	v2 =	vld [tilespmem:s29+$0x70]  }
0x3a: {  	[tilespmem:s29+$0x10] =	vst v0;
	v0 =	vmul.f32 $8.000000000e+00, v3;
	v3 =	vld [tilespmem:s29+$0x80]  }
0x3b: {  	[tilespmem:s29+$0x20] =	vst v1;
	v1 =	vmul.f32 $8.000000000e+00, v4;
	v4 =	vld [tilespmem:s29+$0x90]  }
0x3c: {  	[tilespmem:s29+$0x30] =	vst v0;
	v0 =	vmul.f32 $8.000000000e+00, v5;
	v5 =	vld [tilespmem:s29+$0xA0]  }
0x3d: {  	[tilespmem:s29+$0x40] =	vst v1;
	v1 =	vmul.f32 $8.000000000e+00, v6;
	v6 =	vld [tilespmem:s29+$0xB0]  }
0x3e: {  	[tilespmem:s29+$0x50] =	vst v0;
	v2 =	vmul.f32 $8.000000000e+00, v2;
	v0 =	vld [tilespmem:s29+$0xC0]  }
0x3f: {  	[tilespmem:s29+$0x60] =	vst v1;
	v7 =	vmul.f32 $8.000000000e+00, v3;
	v1 =	vld [tilespmem:s29+$0xD0]  }
0x40: {  	v3 =	vld [tilespmem:s29+$0xE0];
	[tilespmem:s29+$0x70] =	vst v2;
	v8 =	vmul.f32 $8.000000000e+00, v4  }
0x41: {  	v2 =	vld [tilespmem:s29+$0xF0];
	[tilespmem:s29+$0x80] =	vst v7;
	v5 =	vmul.f32 $8.000000000e+00, v5  }
0x42: {  	s31 =	simm.s32 $0x1C00;
	s30 =	simm.s32 $0x0;
	v4 =	vld [tilespmem:s29+$0xFFFFFFF0];
	[tilespmem:s29+$0x90] =	vst v8;
	v6 =	vmul.f32 $8.000000000e+00, v6  }
.LBB2_3:
0x43: {  	v7 =	vld [tilespmem:s31+$0xFFFFFF00];
	[tilespmem:s29+$0xA0] =	vst v5;
	v0 =	vmul.f32 $8.000000000e+00, v0  }
0x44: {  	v5 =	vld [tilespmem:s31+$0xFFFFFF10];
	[tilespmem:s29+$0xB0] =	vst v6;
	v1 =	vmul.f32 $8.000000000e+00, v1  }
0x45: {  	v6 =	vld [tilespmem:s31+$0xFFFFFF20];
	[tilespmem:s29+$0xC0] =	vst v0;
	v0 =	vmul.f32 $8.000000000e+00, v3  }
0x46: {  	v3 =	vld [tilespmem:s31+$0xFFFFFF30];
	[tilespmem:s29+$0xD0] =	vst v1;
	v1 =	vmul.f32 $8.000000000e+00, v2  }
0x47: {  	v2 =	vld [tilespmem:s31+$0xFFFFFF40];
	v4 =	vmul.f32 $8.000000000e+00, v4;
	[tilespmem:s29+$0xE0] =	vst v0  }
0x48: {  	v0 =	vmul.f32 $8.000000000e+00, v7;
	v7 =	vld [tilespmem:s31+$0xFFFFFF50];
	[tilespmem:s29+$0xF0] =	vst v1  }
0x49: {  	v1 =	vmul.f32 $8.000000000e+00, v5;
	v5 =	vld [tilespmem:s31+$0xFFFFFF60];
	[tilespmem:s29+$0xFFFFFFF0] =	vst v4;
	s29 =	smov.u32 s31  }
0x4a: {  	[tilespmem:s31+$0xFFFFFF00] =	vst v0;
	v0 =	vmul.f32 $8.000000000e+00, v6;
	v4 =	vld [tilespmem:s31+$0xFFFFFF70]  }
0x4b: {  	[tilespmem:s31+$0xFFFFFF10] =	vst v1;
	v1 =	vmul.f32 $8.000000000e+00, v3;
	v3 =	vld [tilespmem:s31+$0xFFFFFF80]  }
0x4c: {  	[tilespmem:s31+$0xFFFFFF20] =	vst v0;
	v0 =	vmul.f32 $8.000000000e+00, v2;
	v2 =	vld [tilespmem:s31+$0xFFFFFF90]  }
0x4d: {  	[tilespmem:s31+$0xFFFFFF30] =	vst v1;
	v1 =	vmul.f32 $8.000000000e+00, v7;
	v6 =	vld [tilespmem:s31+$0xFFFFFFA0]  }
0x4e: {  	[tilespmem:s31+$0xFFFFFF40] =	vst v0;
	v0 =	vmul.f32 $8.000000000e+00, v5;
	v5 =	vld [tilespmem:s31+$0xFFFFFFB0]  }
0x4f: {  	[tilespmem:s31+$0xFFFFFF50] =	vst v1;
	v1 =	vmul.f32 $8.000000000e+00, v4;
	v4 =	vld [tilespmem:s31+$0xFFFFFFC0]  }
0x50: {  	[tilespmem:s31+$0xFFFFFF60] =	vst v0;
	v0 =	vmul.f32 $8.000000000e+00, v3;
	v3 =	vld [tilespmem:s31+$0xFFFFFFD0]  }
0x51: {  	[tilespmem:s31+$0xFFFFFF70] =	vst v1;
	v1 =	vmul.f32 $8.000000000e+00, v2;
	v2 =	vld [tilespmem:s31+$0xFFFFFFE0]  }
0x52: {  	[tilespmem:s31+$0xFFFFFF80] =	vst v0;
	v0 =	vmul.f32 $8.000000000e+00, v6;
	v6 =	vld [tilespmem:s31+$0x0]  }
0x53: {  	[tilespmem:s31+$0xFFFFFF90] =	vst v1;
	v1 =	vmul.f32 $8.000000000e+00, v5;
	v5 =	vld [tilespmem:s31+$0x10]  }
0x54: {  	[tilespmem:s31+$0xFFFFFFA0] =	vst v0;
	v0 =	vmul.f32 $8.000000000e+00, v4;
	v4 =	vld [tilespmem:s31+$0x20]  }
0x55: {  	[tilespmem:s31+$0xFFFFFFB0] =	vst v1;
	v1 =	vmul.f32 $8.000000000e+00, v3;
	v3 =	vld [tilespmem:s31+$0x30]  }
0x56: {  	[tilespmem:s31+$0xFFFFFFC0] =	vst v0;
	v0 =	vmul.f32 $8.000000000e+00, v2;
	v2 =	vld [tilespmem:s31+$0x40]  }
0x57: {  	[tilespmem:s31+$0xFFFFFFD0] =	vst v1;
	v1 =	vmul.f32 $8.000000000e+00, v6;
	v6 =	vld [tilespmem:s31+$0x50]  }
0x58: {  	[tilespmem:s31+$0xFFFFFFE0] =	vst v0;
	v0 =	vmul.f32 $8.000000000e+00, v5;
	v5 =	vld [tilespmem:s31+$0x60]  }
0x59: {  	[tilespmem:s31+$0x0] =	vst v1;
	v1 =	vmul.f32 $8.000000000e+00, v4;
	v4 =	vld [tilespmem:s31+$0x70]  }
0x5a: {  	[tilespmem:s31+$0x10] =	vst v0;
	v0 =	vmul.f32 $8.000000000e+00, v3;
	v3 =	vld [tilespmem:s31+$0x80]  }
0x5b: {  	[tilespmem:s31+$0x20] =	vst v1;
	v1 =	vmul.f32 $8.000000000e+00, v2;
	v2 =	vld [tilespmem:s31+$0x90]  }
0x5c: {  	s30 =	sadd.s32 $0x8, s30;
	[tilespmem:s31+$0x30] =	vst v0;
	v0 =	vmul.f32 $8.000000000e+00, v6;
	v6 =	vld [tilespmem:s31+$0xA0]  }
0x5d: {  	p1 =	slt.u32 s30, $0xF8;
	[tilespmem:s31+$0x40] =	vst v1;
	v1 =	vmul.f32 $8.000000000e+00, v5;
	v7 =	vld [tilespmem:s31+$0xB0]  }
.Ltmp0:
0x5e: {  	[tilespmem:s31+$0x50] =	vst v0;
	v4 =	vmul.f32 $8.000000000e+00, v4;
	v0 =	vld [tilespmem:s31+$0xC0];
	(pc) =	sbr.rel @p1 .LBB2_3-.Ltmp0, $4  }
0x5f: {  	[tilespmem:s31+$0x60] =	vst v1;
	v5 =	vmul.f32 $8.000000000e+00, v3;
	v1 =	vld [tilespmem:s31+$0xD0]  }
0x60: {  	[tilespmem:s31+$0x70] =	vst v4;
	v8 =	vmul.f32 $8.000000000e+00, v2;
	v3 =	vld [tilespmem:s31+$0xE0]  }
0x61: {  	[tilespmem:s31+$0x80] =	vst v5;
	v5 =	vmul.f32 $8.000000000e+00, v6;
	v2 =	vld [tilespmem:s31+$0xF0]  }
0x62: {  	s31 =	sadd.s32 $0x200, s31;
	v4 =	vld [tilespmem:s29+$0xFFFFFFF0];
	[tilespmem:s29+$0x90] =	vst v8;
	v6 =	vmul.f32 $8.000000000e+00, v7  }
0x63: {  	[tilespmem:s29+$0xA0] =	vst v5;
	v0 =	vmul.f32 $8.000000000e+00, v0  }
0x64: {  	[tilespmem:s29+$0xB0] =	vst v6;
	v1 =	vmul.f32 $8.000000000e+00, v1  }
0x65: {  	s30 =	smul.u32 $0x300, s25;
	[tilespmem:s29+$0xC0] =	vst v0;
	v0 =	vmul.f32 $8.000000000e+00, v3  }
0x66: {  	[tilespmem:s29+$0xD0] =	vst v1;
	v1 =	vmul.f32 $8.000000000e+00, v2  }
0x67: {  	s30 =	sadd.s32 s5, s30;
	v2 =	vmul.f32 $8.000000000e+00, v4;
	[tilespmem:s29+$0xE0] =	vst v0  }
0x68: {  	s30 =	sshll.u32 s30, $0x3;
	[tilespmem:s29+$0xF0] =	vst v1  }
0x69: {  	[tilespmem:s29+$0xFFFFFFF0] =	vst v2;
	s29 =	sadd.s32 s2, s30  }
0x6a: {  	[hbm4b:s29+s3] =	stream.linear.scatter [tilespmem:s12], [sflag:$0x4], $0x4000, $0x38;
	[tilespmem:$0xD900] =	vst v63  }
0x6b: {  	_ =	swait.ge [sflag:s17], $0x2000  }
0x6c: {  	[sflag:s17] =	ssyncset.done $0x0  }
0x6d: {  	[sflag:s17] =	ssyncadd.s32 $0xFFFFE000  }
0x6e: {  	_ =	swait.ge [sflag:s17], $0x2000  }
0x6f: {  	[sflag:s17] =	ssyncset.done $0x0  }
0x70: {  	s29 =	simm.s32 @!p0 $0x6;
	[sflag:s17] =	ssyncadd.s32 $0xFFFFE000  }
0x71: {  	s28 =	sadd.s32 $0x2, s28;
	_ =	swait.ge @!p0 [sflag:s29], $0x4000  }
0x72: {  	s30 =	sshll.u32 s28, $0x8;
	[sflag:s29] =	ssyncset.done @!p0 $0x0  }
0x73: {  	[sflag:s29] =	ssyncadd.s32 @!p0 $0xFFFFC000;
	s29 =	sand.u32 $0x3FFFFF00, s30  }
0x74: {  	[tilespmem:s18], [sflag:$0x3] =	stream.indirect.gather [hbm4b:s6+s11], $0x40, s29, s11, $0xb8;
	[tilespmem:$0xD900] =	vst v63  }
0x75: {  	s29 =	sor.u32 $0x80, s29  }
0x76: {  	[tilespmem:s19], [sflag:$0x3] =	stream.indirect.gather [hbm4b:s6+s11], $0x40, s29, s11, $0xb8;
	[tilespmem:$0xD900] =	vst v63  }
0x77: {  	s29 =	simm.s32 $0x5A00  }
0x78: {  	v0 =	vld [tilespmem:s29+$0xFFFFFF00]  }
0x79: {  	v1 =	vld [tilespmem:s29+$0xFFFFFF10]  }
0x7a: {  	v2 =	vld [tilespmem:s29+$0xFFFFFF20]  }
0x7b: {  	v3 =	vld [tilespmem:s29+$0xFFFFFF30]  }
0x7c: {  	v4 =	vld [tilespmem:s29+$0xFFFFFF40]  }
0x7d: {  	v5 =	vld [tilespmem:s29+$0xFFFFFF50];
	v0 =	vmul.f32 $8.000000000e+00, v0  }
0x7e: {  	v6 =	vld [tilespmem:s29+$0xFFFFFF60];
	v1 =	vmul.f32 $8.000000000e+00, v1  }
0x7f: {  	[tilespmem:s29+$0xFFFFFF00] =	vst v0;
	v0 =	vmul.f32 $8.000000000e+00, v2;
	v2 =	vld [tilespmem:s29+$0xFFFFFF70]  }
0x80: {  	[tilespmem:s29+$0xFFFFFF10] =	vst v1;
	v1 =	vmul.f32 $8.000000000e+00, v3;
	v3 =	vld [tilespmem:s29+$0xFFFFFF80]  }
0x81: {  	[tilespmem:s29+$0xFFFFFF20] =	vst v0;
	v0 =	vmul.f32 $8.000000000e+00, v4;
	v4 =	vld [tilespmem:s29+$0xFFFFFF90]  }
0x82: {  	[tilespmem:s29+$0xFFFFFF30] =	vst v1;
	v1 =	vmul.f32 $8.000000000e+00, v5;
	v5 =	vld [tilespmem:s29+$0xFFFFFFA0]  }
0x83: {  	[tilespmem:s29+$0xFFFFFF40] =	vst v0;
	v0 =	vmul.f32 $8.000000000e+00, v6;
	v6 =	vld [tilespmem:s29+$0xFFFFFFB0]  }
0x84: {  	[tilespmem:s29+$0xFFFFFF50] =	vst v1;
	v1 =	vmul.f32 $8.000000000e+00, v2;
	v2 =	vld [tilespmem:s29+$0xFFFFFFC0]  }
0x85: {  	[tilespmem:s29+$0xFFFFFF60] =	vst v0;
	v0 =	vmul.f32 $8.000000000e+00, v3;
	v3 =	vld [tilespmem:s29+$0xFFFFFFD0]  }
0x86: {  	[tilespmem:s29+$0xFFFFFF70] =	vst v1;
	v1 =	vmul.f32 $8.000000000e+00, v4;
	v4 =	vld [tilespmem:s29+$0xFFFFFFE0]  }
0x87: {  	[tilespmem:s29+$0xFFFFFF80] =	vst v0;
	v0 =	vmul.f32 $8.000000000e+00, v5;
	v5 =	vld [tilespmem:s29+$0x0]  }
0x88: {  	[tilespmem:s29+$0xFFFFFF90] =	vst v1;
	v1 =	vmul.f32 $8.000000000e+00, v6;
	v6 =	vld [tilespmem:s29+$0x10]  }
0x89: {  	[tilespmem:s29+$0xFFFFFFA0] =	vst v0;
	v0 =	vmul.f32 $8.000000000e+00, v2;
	v2 =	vld [tilespmem:s29+$0x20]  }
0x8a: {  	[tilespmem:s29+$0xFFFFFFB0] =	vst v1;
	v1 =	vmul.f32 $8.000000000e+00, v3;
	v3 =	vld [tilespmem:s29+$0x30]  }
0x8b: {  	[tilespmem:s29+$0xFFFFFFC0] =	vst v0;
	v0 =	vmul.f32 $8.000000000e+00, v4;
	v4 =	vld [tilespmem:s29+$0x40]  }
0x8c: {  	[tilespmem:s29+$0xFFFFFFD0] =	vst v1;
	v1 =	vmul.f32 $8.000000000e+00, v5;
	v5 =	vld [tilespmem:s29+$0x50]  }
0x8d: {  	[tilespmem:s29+$0xFFFFFFE0] =	vst v0;
	v0 =	vmul.f32 $8.000000000e+00, v6;
	v6 =	vld [tilespmem:s29+$0x60]  }
0x8e: {  	[tilespmem:s29+$0x0] =	vst v1;
	v1 =	vmul.f32 $8.000000000e+00, v2;
	v2 =	vld [tilespmem:s29+$0x70]  }
0x8f: {  	[tilespmem:s29+$0x10] =	vst v0;
	v0 =	vmul.f32 $8.000000000e+00, v3;
	v3 =	vld [tilespmem:s29+$0x80]  }
0x90: {  	[tilespmem:s29+$0x20] =	vst v1;
	v1 =	vmul.f32 $8.000000000e+00, v4;
	v4 =	vld [tilespmem:s29+$0x90]  }
0x91: {  	[tilespmem:s29+$0x30] =	vst v0;
	v0 =	vmul.f32 $8.000000000e+00, v5;
	v5 =	vld [tilespmem:s29+$0xA0]  }
0x92: {  	[tilespmem:s29+$0x40] =	vst v1;
	v1 =	vmul.f32 $8.000000000e+00, v6;
	v6 =	vld [tilespmem:s29+$0xB0]  }
0x93: {  	[tilespmem:s29+$0x50] =	vst v0;
	v2 =	vmul.f32 $8.000000000e+00, v2;
	v0 =	vld [tilespmem:s29+$0xC0]  }
0x94: {  	[tilespmem:s29+$0x60] =	vst v1;
	v3 =	vmul.f32 $8.000000000e+00, v3;
	v1 =	vld [tilespmem:s29+$0xD0]  }
0x95: {  	[tilespmem:s29+$0x70] =	vst v2;
	v7 =	vmul.f32 $8.000000000e+00, v4;
	v2 =	vld [tilespmem:s29+$0xE0]  }
0x96: {  	[tilespmem:s29+$0x80] =	vst v3;
	v3 =	vld [tilespmem:s29+$0xF0];
	v5 =	vmul.f32 $8.000000000e+00, v5  }
0x97: {  	s31 =	simm.s32 $0x5C00;
	s30 =	simm.s32 $0x0;
	v4 =	vld [tilespmem:s29+$0xFFFFFFF0];
	[tilespmem:s29+$0x90] =	vst v7;
	v6 =	vmul.f32 $8.000000000e+00, v6  }
.LBB2_5:
0x98: {  	v7 =	vld [tilespmem:s31+$0xFFFFFF00];
	[tilespmem:s29+$0xA0] =	vst v5;
	v0 =	vmul.f32 $8.000000000e+00, v0  }
0x99: {  	v5 =	vld [tilespmem:s31+$0xFFFFFF10];
	[tilespmem:s29+$0xB0] =	vst v6;
	v1 =	vmul.f32 $8.000000000e+00, v1  }
0x9a: {  	v6 =	vld [tilespmem:s31+$0xFFFFFF20];
	[tilespmem:s29+$0xC0] =	vst v0;
	v0 =	vmul.f32 $8.000000000e+00, v2  }
0x9b: {  	v2 =	vld [tilespmem:s31+$0xFFFFFF30];
	[tilespmem:s29+$0xD0] =	vst v1;
	v1 =	vmul.f32 $8.000000000e+00, v3  }
0x9c: {  	v3 =	vld [tilespmem:s31+$0xFFFFFF40];
	v4 =	vmul.f32 $8.000000000e+00, v4;
	[tilespmem:s29+$0xE0] =	vst v0  }
0x9d: {  	v0 =	vmul.f32 $8.000000000e+00, v7;
	v7 =	vld [tilespmem:s31+$0xFFFFFF50];
	[tilespmem:s29+$0xF0] =	vst v1  }
0x9e: {  	v1 =	vmul.f32 $8.000000000e+00, v5;
	v5 =	vld [tilespmem:s31+$0xFFFFFF60];
	[tilespmem:s29+$0xFFFFFFF0] =	vst v4;
	s29 =	smov.u32 s31  }
0x9f: {  	[tilespmem:s31+$0xFFFFFF00] =	vst v0;
	v0 =	vmul.f32 $8.000000000e+00, v6;
	v4 =	vld [tilespmem:s31+$0xFFFFFF70]  }
0xa0: {  	[tilespmem:s31+$0xFFFFFF10] =	vst v1;
	v1 =	vmul.f32 $8.000000000e+00, v2;
	v2 =	vld [tilespmem:s31+$0xFFFFFF80]  }
0xa1: {  	[tilespmem:s31+$0xFFFFFF20] =	vst v0;
	v0 =	vmul.f32 $8.000000000e+00, v3;
	v3 =	vld [tilespmem:s31+$0xFFFFFF90]  }
0xa2: {  	[tilespmem:s31+$0xFFFFFF30] =	vst v1;
	v1 =	vmul.f32 $8.000000000e+00, v7;
	v6 =	vld [tilespmem:s31+$0xFFFFFFA0]  }
0xa3: {  	[tilespmem:s31+$0xFFFFFF40] =	vst v0;
	v0 =	vmul.f32 $8.000000000e+00, v5;
	v5 =	vld [tilespmem:s31+$0xFFFFFFB0]  }
0xa4: {  	[tilespmem:s31+$0xFFFFFF50] =	vst v1;
	v1 =	vmul.f32 $8.000000000e+00, v4;
	v4 =	vld [tilespmem:s31+$0xFFFFFFC0]  }
0xa5: {  	[tilespmem:s31+$0xFFFFFF60] =	vst v0;
	v0 =	vmul.f32 $8.000000000e+00, v2;
	v2 =	vld [tilespmem:s31+$0xFFFFFFD0]  }
0xa6: {  	[tilespmem:s31+$0xFFFFFF70] =	vst v1;
	v1 =	vmul.f32 $8.000000000e+00, v3;
	v3 =	vld [tilespmem:s31+$0xFFFFFFE0]  }
0xa7: {  	[tilespmem:s31+$0xFFFFFF80] =	vst v0;
	v0 =	vmul.f32 $8.000000000e+00, v6;
	v6 =	vld [tilespmem:s31+$0x0]  }
0xa8: {  	[tilespmem:s31+$0xFFFFFF90] =	vst v1;
	v1 =	vmul.f32 $8.000000000e+00, v5;
	v5 =	vld [tilespmem:s31+$0x10]  }
0xa9: {  	[tilespmem:s31+$0xFFFFFFA0] =	vst v0;
	v0 =	vmul.f32 $8.000000000e+00, v4;
	v4 =	vld [tilespmem:s31+$0x20]  }
0xaa: {  	[tilespmem:s31+$0xFFFFFFB0] =	vst v1;
	v1 =	vmul.f32 $8.000000000e+00, v2;
	v2 =	vld [tilespmem:s31+$0x30]  }
0xab: {  	[tilespmem:s31+$0xFFFFFFC0] =	vst v0;
	v0 =	vmul.f32 $8.000000000e+00, v3;
	v3 =	vld [tilespmem:s31+$0x40]  }
0xac: {  	[tilespmem:s31+$0xFFFFFFD0] =	vst v1;
	v1 =	vmul.f32 $8.000000000e+00, v6;
	v6 =	vld [tilespmem:s31+$0x50]  }
0xad: {  	[tilespmem:s31+$0xFFFFFFE0] =	vst v0;
	v0 =	vmul.f32 $8.000000000e+00, v5;
	v5 =	vld [tilespmem:s31+$0x60]  }
0xae: {  	[tilespmem:s31+$0x0] =	vst v1;
	v1 =	vmul.f32 $8.000000000e+00, v4;
	v4 =	vld [tilespmem:s31+$0x70]  }
0xaf: {  	[tilespmem:s31+$0x10] =	vst v0;
	v0 =	vmul.f32 $8.000000000e+00, v2;
	v2 =	vld [tilespmem:s31+$0x80]  }
0xb0: {  	[tilespmem:s31+$0x20] =	vst v1;
	v1 =	vmul.f32 $8.000000000e+00, v3;
	v3 =	vld [tilespmem:s31+$0x90]  }
0xb1: {  	s30 =	sadd.s32 $0x8, s30;
	[tilespmem:s31+$0x30] =	vst v0;
	v0 =	vmul.f32 $8.000000000e+00, v6;
	v6 =	vld [tilespmem:s31+$0xA0]  }
0xb2: {  	p0 =	slt.u32 s30, $0xF8;
	[tilespmem:s31+$0x40] =	vst v1;
	v1 =	vmul.f32 $8.000000000e+00, v5;
	v7 =	vld [tilespmem:s31+$0xB0]  }
.Ltmp1:
0xb3: {  	[tilespmem:s31+$0x50] =	vst v0;
	v4 =	vmul.f32 $8.000000000e+00, v4;
	v0 =	vld [tilespmem:s31+$0xC0];
	(pc) =	sbr.rel @p0 .LBB2_5-.Ltmp1, $4  }
0xb4: {  	[tilespmem:s31+$0x60] =	vst v1;
	v5 =	vmul.f32 $8.000000000e+00, v2;
	v1 =	vld [tilespmem:s31+$0xD0]  }
0xb5: {  	[tilespmem:s31+$0x70] =	vst v4;
	v8 =	vmul.f32 $8.000000000e+00, v3;
	v2 =	vld [tilespmem:s31+$0xE0]  }
0xb6: {  	[tilespmem:s31+$0x80] =	vst v5;
	v5 =	vmul.f32 $8.000000000e+00, v6;
	v3 =	vld [tilespmem:s31+$0xF0]  }
0xb7: {  	s31 =	sadd.s32 $0x200, s31;
	v4 =	vld [tilespmem:s29+$0xFFFFFFF0];
	[tilespmem:s29+$0x90] =	vst v8;
	v6 =	vmul.f32 $8.000000000e+00, v7  }
0xb8: {  	[tilespmem:s29+$0xA0] =	vst v5;
	v0 =	vmul.f32 $8.000000000e+00, v0  }
0xb9: {  	[tilespmem:s29+$0xB0] =	vst v6;
	v1 =	vmul.f32 $8.000000000e+00, v1  }
0xba: {  	[tilespmem:s29+$0xC0] =	vst v0;
	v0 =	vmul.f32 $8.000000000e+00, v2  }
0xbb: {  	s26 =	sshll.u32 s26, $0xE;
	[tilespmem:s29+$0xD0] =	vst v1;
	v1 =	vmul.f32 $8.000000000e+00, v3  }
0xbc: {  	s26 =	sadd.s32 s4, s26;
	v2 =	vmul.f32 $8.000000000e+00, v4;
	[tilespmem:s29+$0xE0] =	vst v0  }
0xbd: {  	s26 =	sshrl.u32 s26, $0x3;
	[tilespmem:s29+$0xF0] =	vst v1  }
0xbe: {  	s26 =	sadd.s32 s2, s26;
	[tilespmem:s29+$0xFFFFFFF0] =	vst v2  }
0xbf: {  	[hbm4b:s26+s3] =	stream.linear.scatter [tilespmem:s15], [sflag:$0x5], $0x4000, $0x38;
	[tilespmem:$0xD900] =	vst v63  }
0xc0: {  	_ =	swait.ge [sflag:s20], $0x2000  }
0xc1: {  	[sflag:s20] =	ssyncset.done $0x0  }
0xc2: {  	[sflag:s20] =	ssyncadd.s32 $0xFFFFE000  }
0xc3: {  	_ =	swait.ge [sflag:s20], $0x2000  }
0xc4: {  	[sflag:s20] =	ssyncset.done $0x0  }
0xc5: {  	s31 =	smul.u32 $0xC00, s25;
	[sflag:s20] =	ssyncadd.s32 $0xFFFFE000  }
0xc6: {  	_ =	swait.ge [sflag:s21], $0x4000  }
0xc7: {  	s26 =	sshra.s32 s31, $0x2;
	[sflag:s21] =	ssyncset.done $0x0  }
0xc8: {  	s29 =	sadd.s32 $0x300, s26;
	[sflag:s21] =	ssyncadd.s32 $0xFFFFC000  }
0xc9: {  	[tilespmem:s12], [sflag:$0x1] =	stream.indirect.gather [hbm4b:s6+s11], $0x40, s29, s11, $0xb8;
	[tilespmem:$0xD900] =	vst v63  }
0xca: {  	s26 =	sadd.s32 $0x380, s26  }
0xcb: {  	[tilespmem:s13], [sflag:$0x1] =	stream.indirect.gather [hbm4b:s6+s11], $0x40, s26, s11, $0xb8;
	[tilespmem:$0xD900] =	vst v63  }
0xcc: {  	s26 =	simm.s32 $0x9A00  }
0xcd: {  	v0 =	vld [tilespmem:s26+$0xFFFFFF00]  }
0xce: {  	v1 =	vld [tilespmem:s26+$0xFFFFFF10]  }
0xcf: {  	v2 =	vld [tilespmem:s26+$0xFFFFFF20]  }
0xd0: {  	v3 =	vld [tilespmem:s26+$0xFFFFFF30]  }
0xd1: {  	v4 =	vld [tilespmem:s26+$0xFFFFFF40]  }
0xd2: {  	v5 =	vld [tilespmem:s26+$0xFFFFFF50];
	v0 =	vmul.f32 $8.000000000e+00, v0  }
0xd3: {  	v6 =	vld [tilespmem:s26+$0xFFFFFF60];
	v1 =	vmul.f32 $8.000000000e+00, v1  }
0xd4: {  	[tilespmem:s26+$0xFFFFFF00] =	vst v0;
	v0 =	vmul.f32 $8.000000000e+00, v2;
	v2 =	vld [tilespmem:s26+$0xFFFFFF70]  }
0xd5: {  	[tilespmem:s26+$0xFFFFFF10] =	vst v1;
	v1 =	vmul.f32 $8.000000000e+00, v3;
	v3 =	vld [tilespmem:s26+$0xFFFFFF80]  }
0xd6: {  	[tilespmem:s26+$0xFFFFFF20] =	vst v0;
	v0 =	vmul.f32 $8.000000000e+00, v4;
	v4 =	vld [tilespmem:s26+$0xFFFFFF90]  }
0xd7: {  	[tilespmem:s26+$0xFFFFFF30] =	vst v1;
	v1 =	vmul.f32 $8.000000000e+00, v5;
	v5 =	vld [tilespmem:s26+$0xFFFFFFA0]  }
0xd8: {  	[tilespmem:s26+$0xFFFFFF40] =	vst v0;
	v0 =	vmul.f32 $8.000000000e+00, v6;
	v6 =	vld [tilespmem:s26+$0xFFFFFFB0]  }
0xd9: {  	[tilespmem:s26+$0xFFFFFF50] =	vst v1;
	v1 =	vmul.f32 $8.000000000e+00, v2;
	v2 =	vld [tilespmem:s26+$0xFFFFFFC0]  }
0xda: {  	[tilespmem:s26+$0xFFFFFF60] =	vst v0;
	v0 =	vmul.f32 $8.000000000e+00, v3;
	v3 =	vld [tilespmem:s26+$0xFFFFFFD0]  }
0xdb: {  	[tilespmem:s26+$0xFFFFFF70] =	vst v1;
	v1 =	vmul.f32 $8.000000000e+00, v4;
	v4 =	vld [tilespmem:s26+$0xFFFFFFE0]  }
0xdc: {  	[tilespmem:s26+$0xFFFFFF80] =	vst v0;
	v0 =	vmul.f32 $8.000000000e+00, v5;
	v5 =	vld [tilespmem:s26+$0x0]  }
0xdd: {  	[tilespmem:s26+$0xFFFFFF90] =	vst v1;
	v1 =	vmul.f32 $8.000000000e+00, v6;
	v6 =	vld [tilespmem:s26+$0x10]  }
0xde: {  	[tilespmem:s26+$0xFFFFFFA0] =	vst v0;
	v0 =	vmul.f32 $8.000000000e+00, v2;
	v2 =	vld [tilespmem:s26+$0x20]  }
0xdf: {  	[tilespmem:s26+$0xFFFFFFB0] =	vst v1;
	v1 =	vmul.f32 $8.000000000e+00, v3;
	v3 =	vld [tilespmem:s26+$0x30]  }
0xe0: {  	[tilespmem:s26+$0xFFFFFFC0] =	vst v0;
	v0 =	vmul.f32 $8.000000000e+00, v4;
	v4 =	vld [tilespmem:s26+$0x40]  }
0xe1: {  	[tilespmem:s26+$0xFFFFFFD0] =	vst v1;
	v1 =	vmul.f32 $8.000000000e+00, v5;
	v5 =	vld [tilespmem:s26+$0x50]  }
0xe2: {  	[tilespmem:s26+$0xFFFFFFE0] =	vst v0;
	v0 =	vmul.f32 $8.000000000e+00, v6;
	v6 =	vld [tilespmem:s26+$0x60]  }
0xe3: {  	[tilespmem:s26+$0x0] =	vst v1;
	v1 =	vmul.f32 $8.000000000e+00, v2;
	v2 =	vld [tilespmem:s26+$0x70]  }
0xe4: {  	[tilespmem:s26+$0x10] =	vst v0;
	v0 =	vmul.f32 $8.000000000e+00, v3;
	v3 =	vld [tilespmem:s26+$0x80]  }
0xe5: {  	[tilespmem:s26+$0x20] =	vst v1;
	v1 =	vmul.f32 $8.000000000e+00, v4;
	v4 =	vld [tilespmem:s26+$0x90]  }
0xe6: {  	[tilespmem:s26+$0x30] =	vst v0;
	v0 =	vmul.f32 $8.000000000e+00, v5;
	v5 =	vld [tilespmem:s26+$0xA0]  }
0xe7: {  	[tilespmem:s26+$0x40] =	vst v1;
	v1 =	vmul.f32 $8.000000000e+00, v6;
	v6 =	vld [tilespmem:s26+$0xB0]  }
0xe8: {  	[tilespmem:s26+$0x50] =	vst v0;
	v2 =	vmul.f32 $8.000000000e+00, v2;
	v0 =	vld [tilespmem:s26+$0xC0]  }
0xe9: {  	[tilespmem:s26+$0x60] =	vst v1;
	v3 =	vmul.f32 $8.000000000e+00, v3;
	v1 =	vld [tilespmem:s26+$0xD0]  }
0xea: {  	[tilespmem:s26+$0x70] =	vst v2;
	v7 =	vmul.f32 $8.000000000e+00, v4;
	v2 =	vld [tilespmem:s26+$0xE0]  }
0xeb: {  	[tilespmem:s26+$0x80] =	vst v3;
	v3 =	vld [tilespmem:s26+$0xF0];
	v5 =	vmul.f32 $8.000000000e+00, v5  }
0xec: {  	s30 =	simm.s32 $0x9C00;
	s29 =	simm.s32 $0x0;
	v4 =	vld [tilespmem:s26+$0xFFFFFFF0];
	[tilespmem:s26+$0x90] =	vst v7;
	v6 =	vmul.f32 $8.000000000e+00, v6  }
.LBB2_7:
0xed: {  	v7 =	vld [tilespmem:s30+$0xFFFFFF00];
	[tilespmem:s26+$0xA0] =	vst v5;
	v0 =	vmul.f32 $8.000000000e+00, v0  }
0xee: {  	v5 =	vld [tilespmem:s30+$0xFFFFFF10];
	[tilespmem:s26+$0xB0] =	vst v6;
	v1 =	vmul.f32 $8.000000000e+00, v1  }
0xef: {  	v6 =	vld [tilespmem:s30+$0xFFFFFF20];
	[tilespmem:s26+$0xC0] =	vst v0;
	v0 =	vmul.f32 $8.000000000e+00, v2  }
0xf0: {  	v2 =	vld [tilespmem:s30+$0xFFFFFF30];
	[tilespmem:s26+$0xD0] =	vst v1;
	v1 =	vmul.f32 $8.000000000e+00, v3  }
0xf1: {  	v3 =	vld [tilespmem:s30+$0xFFFFFF40];
	v4 =	vmul.f32 $8.000000000e+00, v4;
	[tilespmem:s26+$0xE0] =	vst v0  }
0xf2: {  	v0 =	vmul.f32 $8.000000000e+00, v7;
	v7 =	vld [tilespmem:s30+$0xFFFFFF50];
	[tilespmem:s26+$0xF0] =	vst v1  }
0xf3: {  	v1 =	vmul.f32 $8.000000000e+00, v5;
	v5 =	vld [tilespmem:s30+$0xFFFFFF60];
	[tilespmem:s26+$0xFFFFFFF0] =	vst v4;
	s26 =	smov.u32 s30  }
0xf4: {  	[tilespmem:s30+$0xFFFFFF00] =	vst v0;
	v0 =	vmul.f32 $8.000000000e+00, v6;
	v4 =	vld [tilespmem:s30+$0xFFFFFF70]  }
0xf5: {  	[tilespmem:s30+$0xFFFFFF10] =	vst v1;
	v1 =	vmul.f32 $8.000000000e+00, v2;
	v2 =	vld [tilespmem:s30+$0xFFFFFF80]  }
0xf6: {  	[tilespmem:s30+$0xFFFFFF20] =	vst v0;
	v0 =	vmul.f32 $8.000000000e+00, v3;
	v3 =	vld [tilespmem:s30+$0xFFFFFF90]  }
0xf7: {  	[tilespmem:s30+$0xFFFFFF30] =	vst v1;
	v1 =	vmul.f32 $8.000000000e+00, v7;
	v6 =	vld [tilespmem:s30+$0xFFFFFFA0]  }
0xf8: {  	[tilespmem:s30+$0xFFFFFF40] =	vst v0;
	v0 =	vmul.f32 $8.000000000e+00, v5;
	v5 =	vld [tilespmem:s30+$0xFFFFFFB0]  }
0xf9: {  	[tilespmem:s30+$0xFFFFFF50] =	vst v1;
	v1 =	vmul.f32 $8.000000000e+00, v4;
	v4 =	vld [tilespmem:s30+$0xFFFFFFC0]  }
0xfa: {  	[tilespmem:s30+$0xFFFFFF60] =	vst v0;
	v0 =	vmul.f32 $8.000000000e+00, v2;
	v2 =	vld [tilespmem:s30+$0xFFFFFFD0]  }
0xfb: {  	[tilespmem:s30+$0xFFFFFF70] =	vst v1;
	v1 =	vmul.f32 $8.000000000e+00, v3;
	v3 =	vld [tilespmem:s30+$0xFFFFFFE0]  }
0xfc: {  	[tilespmem:s30+$0xFFFFFF80] =	vst v0;
	v0 =	vmul.f32 $8.000000000e+00, v6;
	v6 =	vld [tilespmem:s30+$0x0]  }
0xfd: {  	[tilespmem:s30+$0xFFFFFF90] =	vst v1;
	v1 =	vmul.f32 $8.000000000e+00, v5;
	v5 =	vld [tilespmem:s30+$0x10]  }
0xfe: {  	[tilespmem:s30+$0xFFFFFFA0] =	vst v0;
	v0 =	vmul.f32 $8.000000000e+00, v4;
	v4 =	vld [tilespmem:s30+$0x20]  }
0xff: {  	[tilespmem:s30+$0xFFFFFFB0] =	vst v1;
	v1 =	vmul.f32 $8.000000000e+00, v2;
	v2 =	vld [tilespmem:s30+$0x30]  }
0x100: {  	[tilespmem:s30+$0xFFFFFFC0] =	vst v0;
	v0 =	vmul.f32 $8.000000000e+00, v3;
	v3 =	vld [tilespmem:s30+$0x40]  }
0x101: {  	[tilespmem:s30+$0xFFFFFFD0] =	vst v1;
	v1 =	vmul.f32 $8.000000000e+00, v6;
	v6 =	vld [tilespmem:s30+$0x50]  }
0x102: {  	[tilespmem:s30+$0xFFFFFFE0] =	vst v0;
	v0 =	vmul.f32 $8.000000000e+00, v5;
	v5 =	vld [tilespmem:s30+$0x60]  }
0x103: {  	[tilespmem:s30+$0x0] =	vst v1;
	v1 =	vmul.f32 $8.000000000e+00, v4;
	v4 =	vld [tilespmem:s30+$0x70]  }
0x104: {  	[tilespmem:s30+$0x10] =	vst v0;
	v0 =	vmul.f32 $8.000000000e+00, v2;
	v2 =	vld [tilespmem:s30+$0x80]  }
0x105: {  	[tilespmem:s30+$0x20] =	vst v1;
	v1 =	vmul.f32 $8.000000000e+00, v3;
	v3 =	vld [tilespmem:s30+$0x90]  }
0x106: {  	s29 =	sadd.s32 $0x8, s29;
	[tilespmem:s30+$0x30] =	vst v0;
	v0 =	vmul.f32 $8.000000000e+00, v6;
	v6 =	vld [tilespmem:s30+$0xA0]  }
0x107: {  	p0 =	slt.u32 s29, $0xF8;
	[tilespmem:s30+$0x40] =	vst v1;
	v1 =	vmul.f32 $8.000000000e+00, v5;
	v7 =	vld [tilespmem:s30+$0xB0]  }
.Ltmp2:
0x108: {  	[tilespmem:s30+$0x50] =	vst v0;
	v4 =	vmul.f32 $8.000000000e+00, v4;
	v0 =	vld [tilespmem:s30+$0xC0];
	(pc) =	sbr.rel @p0 .LBB2_7-.Ltmp2, $4  }
0x109: {  	[tilespmem:s30+$0x60] =	vst v1;
	v5 =	vmul.f32 $8.000000000e+00, v2;
	v1 =	vld [tilespmem:s30+$0xD0]  }
0x10a: {  	[tilespmem:s30+$0x70] =	vst v4;
	v8 =	vmul.f32 $8.000000000e+00, v3;
	v2 =	vld [tilespmem:s30+$0xE0]  }
0x10b: {  	[tilespmem:s30+$0x80] =	vst v5;
	v5 =	vmul.f32 $8.000000000e+00, v6;
	v3 =	vld [tilespmem:s30+$0xF0]  }
0x10c: {  	s30 =	sadd.s32 $0x200, s30;
	v4 =	vld [tilespmem:s26+$0xFFFFFFF0];
	[tilespmem:s26+$0x90] =	vst v8;
	v6 =	vmul.f32 $8.000000000e+00, v7  }
0x10d: {  	[tilespmem:s26+$0xA0] =	vst v5;
	v0 =	vmul.f32 $8.000000000e+00, v0  }
0x10e: {  	s25 =	sadd.s32 $0x1, s25;
	[tilespmem:s26+$0xB0] =	vst v6;
	v1 =	vmul.f32 $8.000000000e+00, v1  }
0x10f: {  	p0 =	sne.s32 s25, $0x8;
	[tilespmem:s26+$0xC0] =	vst v0;
	v61 =	vmul.f32 $8.000000000e+00, v2  }
.Ltmp3:
0x110: {  	s28 =	sshll.u32 s28, $0xE;
	[tilespmem:s26+$0xD0] =	vst v1;
	v62 =	vmul.f32 $8.000000000e+00, v3;
	(pc) =	sbr.rel @p0 .LBB2_2-.Ltmp3, $4  }
0x111: {  	s28 =	sadd.s32 s4, s28;
	v63 =	vmul.f32 $8.000000000e+00, v4;
	[tilespmem:s26+$0xE0] =	vst v61  }
0x112: {  	s28 =	sshrl.u32 s28, $0x3;
	[tilespmem:s26+$0xF0] =	vst v62  }
0x113: {  	s31 =	sadd.s32 s2, s28;
	[tilespmem:s26+$0xFFFFFFF0] =	vst v63  }
0x114: {  	[hbm4b:s31+s3] =	stream.linear.scatter [tilespmem:s18], [sflag:$0x6], $0x4000, $0x38;
	[tilespmem:$0xD900] =	vst v63  }
0x115: {  	_ =	swait.ge [sflag:s14], $0x2000  }
0x116: {  	[sflag:s14] =	ssyncset.done $0x0  }
0x117: {  	[sflag:s14] =	ssyncadd.s32 $0xFFFFE000  }
0x118: {  	_ =	swait.ge [sflag:s14], $0x2000  }
0x119: {  	[sflag:s14] =	ssyncset.done $0x0  }
0x11a: {  	s25 =	simm.s32 $0x1A00;
	[sflag:s14] =	ssyncadd.s32 $0xFFFFE000  }
0x11b: {  	v0 =	vld [tilespmem:s25+$0xFFFFFF00]  }
0x11c: {  	v1 =	vld [tilespmem:s25+$0xFFFFFF10]  }
0x11d: {  	v2 =	vld [tilespmem:s25+$0xFFFFFF20]  }
0x11e: {  	v3 =	vld [tilespmem:s25+$0xFFFFFF30]  }
0x11f: {  	v4 =	vld [tilespmem:s25+$0xFFFFFF40]  }
0x120: {  	v5 =	vld [tilespmem:s25+$0xFFFFFF50];
	v0 =	vmul.f32 $8.000000000e+00, v0  }
0x121: {  	v6 =	vld [tilespmem:s25+$0xFFFFFF60];
	v1 =	vmul.f32 $8.000000000e+00, v1  }
0x122: {  	[tilespmem:s25+$0xFFFFFF00] =	vst v0;
	v0 =	vmul.f32 $8.000000000e+00, v2;
	v2 =	vld [tilespmem:s25+$0xFFFFFF70]  }
0x123: {  	[tilespmem:s25+$0xFFFFFF10] =	vst v1;
	v1 =	vmul.f32 $8.000000000e+00, v3;
	v3 =	vld [tilespmem:s25+$0xFFFFFF80]  }
0x124: {  	[tilespmem:s25+$0xFFFFFF20] =	vst v0;
	v0 =	vmul.f32 $8.000000000e+00, v4;
	v4 =	vld [tilespmem:s25+$0xFFFFFF90]  }
0x125: {  	[tilespmem:s25+$0xFFFFFF30] =	vst v1;
	v1 =	vmul.f32 $8.000000000e+00, v5;
	v5 =	vld [tilespmem:s25+$0xFFFFFFA0]  }
0x126: {  	[tilespmem:s25+$0xFFFFFF40] =	vst v0;
	v0 =	vmul.f32 $8.000000000e+00, v6;
	v6 =	vld [tilespmem:s25+$0xFFFFFFB0]  }
0x127: {  	[tilespmem:s25+$0xFFFFFF50] =	vst v1;
	v1 =	vmul.f32 $8.000000000e+00, v2;
	v2 =	vld [tilespmem:s25+$0xFFFFFFC0]  }
0x128: {  	[tilespmem:s25+$0xFFFFFF60] =	vst v0;
	v0 =	vmul.f32 $8.000000000e+00, v3;
	v3 =	vld [tilespmem:s25+$0xFFFFFFD0]  }
0x129: {  	[tilespmem:s25+$0xFFFFFF70] =	vst v1;
	v1 =	vmul.f32 $8.000000000e+00, v4;
	v4 =	vld [tilespmem:s25+$0xFFFFFFE0]  }
0x12a: {  	[tilespmem:s25+$0xFFFFFF80] =	vst v0;
	v0 =	vmul.f32 $8.000000000e+00, v5;
	v5 =	vld [tilespmem:s25+$0x0]  }
0x12b: {  	[tilespmem:s25+$0xFFFFFF90] =	vst v1;
	v1 =	vmul.f32 $8.000000000e+00, v6;
	v6 =	vld [tilespmem:s25+$0x10]  }
0x12c: {  	[tilespmem:s25+$0xFFFFFFA0] =	vst v0;
	v0 =	vmul.f32 $8.000000000e+00, v2;
	v2 =	vld [tilespmem:s25+$0x20]  }
0x12d: {  	[tilespmem:s25+$0xFFFFFFB0] =	vst v1;
	v1 =	vmul.f32 $8.000000000e+00, v3;
	v3 =	vld [tilespmem:s25+$0x30]  }
0x12e: {  	[tilespmem:s25+$0xFFFFFFC0] =	vst v0;
	v0 =	vmul.f32 $8.000000000e+00, v4;
	v4 =	vld [tilespmem:s25+$0x40]  }
0x12f: {  	[tilespmem:s25+$0xFFFFFFD0] =	vst v1;
	v1 =	vmul.f32 $8.000000000e+00, v5;
	v5 =	vld [tilespmem:s25+$0x50]  }
0x130: {  	[tilespmem:s25+$0xFFFFFFE0] =	vst v0;
	v0 =	vmul.f32 $8.000000000e+00, v6;
	v6 =	vld [tilespmem:s25+$0x60]  }
0x131: {  	[tilespmem:s25+$0x0] =	vst v1;
	v1 =	vmul.f32 $8.000000000e+00, v2;
	v2 =	vld [tilespmem:s25+$0x70]  }
0x132: {  	[tilespmem:s25+$0x10] =	vst v0;
	v0 =	vmul.f32 $8.000000000e+00, v3;
	v3 =	vld [tilespmem:s25+$0x80]  }
0x133: {  	[tilespmem:s25+$0x20] =	vst v1;
	v1 =	vmul.f32 $8.000000000e+00, v4;
	v4 =	vld [tilespmem:s25+$0x90]  }
0x134: {  	[tilespmem:s25+$0x30] =	vst v0;
	v0 =	vmul.f32 $8.000000000e+00, v5;
	v5 =	vld [tilespmem:s25+$0xA0]  }
0x135: {  	[tilespmem:s25+$0x40] =	vst v1;
	v1 =	vmul.f32 $8.000000000e+00, v6;
	v6 =	vld [tilespmem:s25+$0xB0]  }
0x136: {  	[tilespmem:s25+$0x50] =	vst v0;
	v2 =	vmul.f32 $8.000000000e+00, v2;
	v0 =	vld [tilespmem:s25+$0xC0]  }
0x137: {  	[tilespmem:s25+$0x60] =	vst v1;
	v3 =	vmul.f32 $8.000000000e+00, v3;
	v1 =	vld [tilespmem:s25+$0xD0]  }
0x138: {  	[tilespmem:s25+$0x70] =	vst v2;
	v7 =	vmul.f32 $8.000000000e+00, v4;
	v2 =	vld [tilespmem:s25+$0xE0]  }
0x139: {  	[tilespmem:s25+$0x80] =	vst v3;
	v3 =	vld [tilespmem:s25+$0xF0];
	v5 =	vmul.f32 $8.000000000e+00, v5  }
0x13a: {  	s26 =	simm.s32 $0x0;
	s28 =	simm.s32 $0x1C00;
	v4 =	vld [tilespmem:s25+$0xFFFFFFF0];
	[tilespmem:s25+$0x90] =	vst v7;
	v6 =	vmul.f32 $8.000000000e+00, v6  }
.LBB2_10:
0x13b: {  	v7 =	vld [tilespmem:s28+$0xFFFFFF00];
	[tilespmem:s25+$0xA0] =	vst v5;
	v0 =	vmul.f32 $8.000000000e+00, v0  }
0x13c: {  	v5 =	vld [tilespmem:s28+$0xFFFFFF10];
	[tilespmem:s25+$0xB0] =	vst v6;
	v1 =	vmul.f32 $8.000000000e+00, v1  }
0x13d: {  	v6 =	vld [tilespmem:s28+$0xFFFFFF20];
	[tilespmem:s25+$0xC0] =	vst v0;
	v0 =	vmul.f32 $8.000000000e+00, v2  }
0x13e: {  	v2 =	vld [tilespmem:s28+$0xFFFFFF30];
	[tilespmem:s25+$0xD0] =	vst v1;
	v1 =	vmul.f32 $8.000000000e+00, v3  }
0x13f: {  	v3 =	vld [tilespmem:s28+$0xFFFFFF40];
	v4 =	vmul.f32 $8.000000000e+00, v4;
	[tilespmem:s25+$0xE0] =	vst v0  }
0x140: {  	v0 =	vmul.f32 $8.000000000e+00, v7;
	v7 =	vld [tilespmem:s28+$0xFFFFFF50];
	[tilespmem:s25+$0xF0] =	vst v1  }
0x141: {  	v1 =	vmul.f32 $8.000000000e+00, v5;
	v5 =	vld [tilespmem:s28+$0xFFFFFF60];
	[tilespmem:s25+$0xFFFFFFF0] =	vst v4;
	s25 =	smov.u32 s28  }
0x142: {  	[tilespmem:s28+$0xFFFFFF00] =	vst v0;
	v0 =	vmul.f32 $8.000000000e+00, v6;
	v4 =	vld [tilespmem:s28+$0xFFFFFF70]  }
0x143: {  	[tilespmem:s28+$0xFFFFFF10] =	vst v1;
	v1 =	vmul.f32 $8.000000000e+00, v2;
	v2 =	vld [tilespmem:s28+$0xFFFFFF80]  }
0x144: {  	[tilespmem:s28+$0xFFFFFF20] =	vst v0;
	v0 =	vmul.f32 $8.000000000e+00, v3;
	v3 =	vld [tilespmem:s28+$0xFFFFFF90]  }
0x145: {  	[tilespmem:s28+$0xFFFFFF30] =	vst v1;
	v1 =	vmul.f32 $8.000000000e+00, v7;
	v6 =	vld [tilespmem:s28+$0xFFFFFFA0]  }
0x146: {  	[tilespmem:s28+$0xFFFFFF40] =	vst v0;
	v0 =	vmul.f32 $8.000000000e+00, v5;
	v5 =	vld [tilespmem:s28+$0xFFFFFFB0]  }
0x147: {  	[tilespmem:s28+$0xFFFFFF50] =	vst v1;
	v1 =	vmul.f32 $8.000000000e+00, v4;
	v4 =	vld [tilespmem:s28+$0xFFFFFFC0]  }
0x148: {  	[tilespmem:s28+$0xFFFFFF60] =	vst v0;
	v0 =	vmul.f32 $8.000000000e+00, v2;
	v2 =	vld [tilespmem:s28+$0xFFFFFFD0]  }
0x149: {  	[tilespmem:s28+$0xFFFFFF70] =	vst v1;
	v1 =	vmul.f32 $8.000000000e+00, v3;
	v3 =	vld [tilespmem:s28+$0xFFFFFFE0]  }
0x14a: {  	[tilespmem:s28+$0xFFFFFF80] =	vst v0;
	v0 =	vmul.f32 $8.000000000e+00, v6;
	v6 =	vld [tilespmem:s28+$0x0]  }
0x14b: {  	[tilespmem:s28+$0xFFFFFF90] =	vst v1;
	v1 =	vmul.f32 $8.000000000e+00, v5;
	v5 =	vld [tilespmem:s28+$0x10]  }
0x14c: {  	[tilespmem:s28+$0xFFFFFFA0] =	vst v0;
	v0 =	vmul.f32 $8.000000000e+00, v4;
	v4 =	vld [tilespmem:s28+$0x20]  }
0x14d: {  	[tilespmem:s28+$0xFFFFFFB0] =	vst v1;
	v1 =	vmul.f32 $8.000000000e+00, v2;
	v2 =	vld [tilespmem:s28+$0x30]  }
0x14e: {  	[tilespmem:s28+$0xFFFFFFC0] =	vst v0;
	v0 =	vmul.f32 $8.000000000e+00, v3;
	v3 =	vld [tilespmem:s28+$0x40]  }
0x14f: {  	[tilespmem:s28+$0xFFFFFFD0] =	vst v1;
	v1 =	vmul.f32 $8.000000000e+00, v6;
	v6 =	vld [tilespmem:s28+$0x50]  }
0x150: {  	[tilespmem:s28+$0xFFFFFFE0] =	vst v0;
	v0 =	vmul.f32 $8.000000000e+00, v5;
	v5 =	vld [tilespmem:s28+$0x60]  }
0x151: {  	[tilespmem:s28+$0x0] =	vst v1;
	v1 =	vmul.f32 $8.000000000e+00, v4;
	v4 =	vld [tilespmem:s28+$0x70]  }
0x152: {  	[tilespmem:s28+$0x10] =	vst v0;
	v0 =	vmul.f32 $8.000000000e+00, v2;
	v2 =	vld [tilespmem:s28+$0x80]  }
0x153: {  	[tilespmem:s28+$0x20] =	vst v1;
	v1 =	vmul.f32 $8.000000000e+00, v3;
	v3 =	vld [tilespmem:s28+$0x90]  }
0x154: {  	s26 =	sadd.s32 $0x8, s26;
	[tilespmem:s28+$0x30] =	vst v0;
	v0 =	vmul.f32 $8.000000000e+00, v6;
	v6 =	vld [tilespmem:s28+$0xA0]  }
0x155: {  	p0 =	slt.u32 s26, $0xF8;
	[tilespmem:s28+$0x40] =	vst v1;
	v1 =	vmul.f32 $8.000000000e+00, v5;
	v7 =	vld [tilespmem:s28+$0xB0]  }
.Ltmp4:
0x156: {  	[tilespmem:s28+$0x50] =	vst v0;
	v4 =	vmul.f32 $8.000000000e+00, v4;
	v0 =	vld [tilespmem:s28+$0xC0];
	(pc) =	sbr.rel @p0 .LBB2_10-.Ltmp4, $4  }
0x157: {  	[tilespmem:s28+$0x60] =	vst v1;
	v5 =	vmul.f32 $8.000000000e+00, v2;
	v1 =	vld [tilespmem:s28+$0xD0]  }
0x158: {  	[tilespmem:s28+$0x70] =	vst v4;
	v8 =	vmul.f32 $8.000000000e+00, v3;
	v2 =	vld [tilespmem:s28+$0xE0]  }
0x159: {  	[tilespmem:s28+$0x80] =	vst v5;
	v5 =	vmul.f32 $8.000000000e+00, v6;
	v3 =	vld [tilespmem:s28+$0xF0]  }
0x15a: {  	s28 =	sadd.s32 $0x200, s28;
	v4 =	vld [tilespmem:s25+$0xFFFFFFF0];
	[tilespmem:s25+$0x90] =	vst v8;
	v6 =	vmul.f32 $8.000000000e+00, v7  }
0x15b: {  	[tilespmem:s25+$0xA0] =	vst v5;
	v0 =	vmul.f32 $8.000000000e+00, v0  }
0x15c: {  	[tilespmem:s25+$0xB0] =	vst v6;
	v1 =	vmul.f32 $8.000000000e+00, v1  }
0x15d: {  	[tilespmem:s25+$0xC0] =	vst v0;
	v61 =	vmul.f32 $8.000000000e+00, v2  }
0x15e: {  	[tilespmem:s25+$0xD0] =	vst v1;
	v62 =	vmul.f32 $8.000000000e+00, v3  }
0x15f: {  	v63 =	vmul.f32 $8.000000000e+00, v4;
	[tilespmem:s25+$0xE0] =	vst v61  }
0x160: {  	[tilespmem:s25+$0xF0] =	vst v62  }
0x161: {  	[tilespmem:s25+$0xFFFFFFF0] =	vst v63  }
0x162: {  	[hbm4b:s8+s3] =	stream.linear.scatter [tilespmem:s12], [sflag:$0x4], $0x4000, $0x38;
	[tilespmem:$0xD900] =	vst v63  }
0x163: {  	_ =	swait.ge [sflag:s21], $0x4000  }
0x164: {  	[sflag:s21] =	ssyncset.done $0x0  }
0x165: {  	s24 =	sadd.s32 $0x1, s24;
	[sflag:s21] =	ssyncadd.s32 $0xFFFFC000  }
0x166: {  	p0 =	sne.s32 s24, s9;
	_ =	swait.ge [sflag:s22], $0x4000  }
.Ltmp5:
0x167: {  	[sflag:s22] =	ssyncset.done $0x0;
	(pc) =	sbr.rel @p0 .LBB2_1-.Ltmp5, $4  }
0x168: {  	[sflag:s22] =	ssyncadd.s32 $0xFFFFC000  }
0x169: {  	_ =	swait.ge [sflag:s23], $0x4000  }
0x16a: {  	[sflag:s23] =	ssyncset.done $0x0  }
0x16b: {  	[sflag:s23] =	ssyncadd.s32 $0xFFFFC000  }
0x16c: {  	_ =	sfence.sel $0x180000  }
0x16d: {  	[bflag:$0x0] =	sbarrier.arrive $0xFFFF  }
0x16e: {  	p0 =	sne.s32 s0, $0x0;
	_ =	strace $0x90000047  }
0x16f: {  	s0 =	sadd.s32 @!p0 $0x100000, s1;
	[bflag:$0x2] =	sbarrier.arrive $0xFFFF  }
0x170: {  	[sflag:s0] =	ssyncadd.tile.s32 @!p0 $0x1;
	_ =	shalt  }
.Lfunc_end2:
_tile_overlayer_lowered:
.L_overlay_start_2:
0x171: {  	(tag) =	ssettag $0x2  }
0x172: {  	s0 =	rddreg [dreg:$0x0];
	s2 =	stileid.u32  }
0x173: {  	s1 =	rddreg [dreg:$0x1];
	p0 =	sne.s32 s2, $0x0  }
0x174: {  	s3 =	rddreg [dreg:$0x2];
	[bflag:$0x3] =	sbarrier.arrive $0xFFFF;
	s2 =	simm.s32 @!p0 $0x1C07  }
0x175: {  	[timem:s3], [sflag:s2] =	dma.local @!p0 [hbm:s0], s1  }
0x176: {  	s0 =	simm.s32 @!p0 $0x7  }
0x177: {  	_ =	swait.ge @!p0 [sflag:s0], s1  }
0x178: {  	s1 =	ssub.s32 @!p0 $0x0, s1;
	[sflag:s0] =	ssyncset.done @!p0 $0x0  }
0x179: {  	[sflag:s0] =	ssyncadd.s32 @!p0 s1  }
0x17a: {  	[bflag:$0x3] =	sbarrier.arrive $0xFFFF  }
0x17b: {  	_ =	shalt  }

// kernel: sparse-core-data-format-call.cloned.1.call-start
scs
called_computation_lowered:
.L_overlay_start_0:
0x0: {  	s2 =	sld [smem:$0x3FD9]  }
0x1: {  	s3 =	sld [smem:$0x3FFE];
	_ =	sdelay $0x1  }
0x2: {  	s1 =	srdreg.scid  }
0x3: {  	s0 =	sand.u32 $0x1, s1  }
0x4: {  	s18 =	sshll.u32 s0, $0xA;
	s2 =	sadd.s32 s3, s2  }
0x5: {  	s2 =	sadd.s32 s2, s18  }
0x6: {  	[smem:$0x3FC6] =	sst s2  }
0x7: {  	_ = 	snop  }
0x8: {  	s2 =	sld [smem:$0x3FD0];
	(tm) =	ssettm $0x1  }
0x9: {  	s19 =	sld [smem:$0x3FFB];
	_ =	sdelay $0x3  }
0xa: {  	_ =	strace s19  }
0xb: {  	s3 =	sld [smem:$0x3FFC];
	_ =	sdelay $0x3  }
0xc: {  	_ =	strace s3  }
0xd: {  	s3 =	sld [smem:$0x3FFD];
	_ =	sdelay $0x3  }
0xe: {  	_ =	strace s3  }
0xf: {  	_ =	strace $0x8FFFFFFF  }
0x10: {  	s20 =	sld [smem:$0x3FDB];
	_ =	sdelay $0x1  }
0x11: {  	s4 =	simm.s32 $_scs_section_size  }
0x12: {  	s5 =	simm.s32 $_size__tile_overlayer_lowered;
	s6 =	simm.s32 $_tile_overlayer_lowered  }
0x13: {  	s23 =	simm.s32 $0x1BFF;
	s22 =	sshll.u32 s6, $0x1;
	s3 =	sadd.s32 s4, s20  }
0x14: {  	s7 =	simm.s32 $0x0;
	s21 =	sshll.u32 s5, $0x1;
	s5 =	sadd.s32 s22, s3  }
0x15: {  	[timem:s7], [sflag:s23] =	dma.local [hbm:s5], s21  }
0x16: {  	_ =	swait.ge [sflag:s23], s21  }
0x17: {  	s4 =	ssub.s32 $0x0, s21;
	[sflag:s23] =	ssyncset.done $0x0  }
0x18: {  	[sflag:s23] =	ssyncadd.s32 s4;
	_ =	sdelay $0x1  }
0x19: {  	s24 =	simm.s32 $0x1B8B  }
0x1a: {  	_ =	swait.ge [sflag:s24], $0x1  }
0x1b: {  	[sflag:s24] =	ssyncset.done $0x0  }
0x1c: {  	s26 =	simm.s32 $0x1B8E;
	s25 =	sld [smem:$0x3FFE];
	[sflag:s24] =	ssyncadd.s32 $0xFFFFFFFF  }
0x1d: {  	s27 =	simm.s32 $execute0_lowered;
	[smem:$0x3FD2] =	sst s26  }
0x1e: {  	s5 =	sshll.u32 s27, $0x1;
	_ =	strace $0x80000049;
	[dreg:$0x1] =	wrdreg $0xFFFFFFFF  }
0x1f: {  	s28 =	simm.s32 $_size_execute0_lowered;
	s3 =	sadd.s32 s3, s5;
	[dreg:$0x0] =	wrdreg $0x0  }
0x20: {  	s5 =	sshll.u32 s28, $0x1;
	[dreg:$0x2] =	wrdreg s3  }
0x21: {  	[dreg:$0x3] =	wrdreg s5  }
0x22: {  	[dreg:$0x4] =	wrdreg $0xC0  }
0x23: {  	_ =	task [dreg:s7], $0x5FFFF  }
0x24: {  	[dreg:$0x1] =	wrdreg $0xFFFFFFFF  }
0x25: {  	[dreg:$0x0] =	wrdreg $0x60  }
0x26: {  	[dreg:$0x2] =	wrdreg s25  }
0x27: {  	[dreg:$0x3] =	wrdreg s2  }
0x28: {  	[dreg:$0x4] =	wrdreg $0x9  }
0x29: {  	_ =	task.clear_ibuf [dreg:s7], $0x5FFFF;
	_ =	strace $0x90000049  }
0x2a: {  	s29 =	simm.s32 $0x9;
	_ =	strace $0x8000004B  }
0x2b: {  	_ =	swait.ge [sflag:s29], $0x1  }
0x2c: {  	[sflag:s29] =	ssyncadd.s32 $0xFFFFFFFF  }
0x2d: {  	_ =	strace $0x9000004B  }
0x2e: {  	_ =	sfence  }
0x2f: {  	s30 =	sld [smem:$0x0];
	_ =	sdelay $0x2  }
0x30: {  	s31 =	sshll.u32 s1, $0xD;
	s1 =	sshrl.u32 s1, $0x2  }
0x31: {  	s3 =	sand.u32 $0x4000, s31;
	s1 =	sadd.s32 s1, s30  }
0x32: {  	s0 =	sor.u32 s3, s0;
	s1 =	sshll.u32 s1, $0x11  }
0x33: {  	s0 =	sor.u32 s1, s0  }
0x34: {  	s0 =	sadd.s32 $0x8F2B, s0  }
0x35: {  	[sflag:s0] =	ssyncadd.remote.s32 $0x1  }
0x36: {  	_ =	sfence.sel $0xFFFF  }
0x37: {  	[dreg:$0x0] =	wrdreg $0xFFFFFFFF;
	(pc) =	sbr.abs _section_cstart, $3  }
0x38: {  	[dreg:$0x1] =	wrdreg $0xFFFFFFFF  }
0x39: {  	_ =	task.clear_ibuf [dreg:s7], $0x2FFFF;
	_ =	strace $0x9FFFFFFF  }
0x3a: {  	(tm) =	ssettm $0x7FFFFFFF  }
0x3b: {  	_ =	shalt  }
tec
execute0_lowered:
.L_overlay_start_1:
0x0: {  	(tag) =	ssettag $0x1  }
0x1: {  	s0 =	srdreg.scid  }
0x2: {  	s1 =	sshll.u32 s0, $0x4  }
0x3: {  	s4 =	rddreg [dreg:$0x0];
	s0 =	stileid.u32;
	s1 =	sand.u32 $0x10, s1  }
0x4: {  	s2 =	rddreg [dreg:$0x1];
	s7 =	simm.s32 $0x1;
	s1 =	sor.u32 s0, s1  }
0x5: {  	s8 =	simm.s32 $0x2;
	s11 =	simm.s32 $0x0;
	s3 =	sshll.u32 s1, $0x7  }
0x6: {  	s10 =	simm.s32 $0x0;
	s4 =	sadd.s32 $0x800, s4;
	s6 =	ssub.s32 $0x32000, s3  }
.Ltmp0:
0x7: {  	s1 =	rddreg [dreg:$0x2];
	s5 =	sand.u32 $0xF80, s6;
	(pc) =	sbr.rel .LBB1_1-.Ltmp0, $4  }
0x8: {  	_ =	strace $0x8000004A;
	s9 =	smov.u32 s3;
	p0 =	sne.s32 s5, $0x0  }
0x9: {  	s6 =	sshrl.u32 s6, $0xC;
	s5 =	simm.s32 $0x1;
	s7 =	simm.s32 @!p0 $0x0  }
0xa: {  	[sflag:s5] =	ssyncpa.u1 $0x0;
	p0 =	por $0x0, $0x0;
	s6 =	sadd.s32 s7, s6  }
0xb: {  	[sflag:s8] =	ssyncpa.u1 $0x0;
	s8 =	simm.s32 $0x190000;
	s7 =	sadd.s32 $0x1, s6  }
.LBB1_4:
0xc: {  	s14 =	sshll.u32 s11, $0x3  }
0xd: {  	s30 =	sand.u32 $0x7F, s11;
	s15 =	sand.u32 $0xFFFFFC00, s14  }
0xe: {  	s11 =	sor.u32 s30, s15  }
0xf: {  	s15 =	smulhi.u32 $0x51EB851F, s11  }
0x10: {  	s14 =	smulhi.u32 $0x51EB851F, s14  }
0x11: {  	s15 =	sshrl.u32 s15, $0x10  }
0x12: {  	s14 =	sshrl.u32 s14, $0x10;
	s15 =	smul.u32 $0x32000, s15  }
0x13: {  	s14 =	sand.u32 $0x3F, s14  }
0x14: {  	s14 =	smul.u32 $0x6400, s14;
	s11 =	ssub.s32 s11, s15  }
0x15: {  	[tilespmem:s13+$0x810 ss:$0x81] =	vst.msk $0xffff, v2;
	s15 =	sand.u32 $0x7, s11  }
0x16: {  	[tilespmem:s13+$0x1020 ss:$0x81] =	vst.msk $0xffff, v0;
	s14 =	sadd.s32 s2, s14;
	s11 =	sshrl.u32 s11, $0x3;
	s15 =	sshll.u32 s15, $0x12  }
0x17: {  	[tilespmem:s13+$0x0 ss:$0x81] =	vst.msk $0xffff, v1;
	s11 =	sadd.s32 s11, s14;
	s31 =	sor.u32 $0x400, s15  }
0x18: {  	[hbm4b:s11+s31] =	stream.strided.scatter [tilespmem:s12], [sflag:$0x2], $0x2000, s8, s31, $0x20;
	[tilespmem:$0x8080] =	vst v63  }
.LBB1_5:
0x19: {  	s13 =	sadd.s32 $0x1000, s9  }
0x1a: {  	p2 =	sgt.s32 s13, $0x31FFF  }
0x1b: {  	s13 =	smov.u32 @p2 s3;
	p2 =	sne.s32 s10, s7  }
.Ltmp1:
0x1c: {  	p1 =	slt.u32 s10, $0x2;
	(pc) =	sbr.rel @!p2 .LBB1_6-.Ltmp1, $4  }
0x1d: {  	s12 =	simm.s32 @!p1 $0x2  }
0x1e: {  	s14 =	sadd.s32 $0x1, s10;
	_ =	swait.ge @!p1 [sflag:s12], $0x2000  }
0x1f: {  	s11 =	smov.u32 s9;
	p0 =	por !p0, !p0;
	[sflag:s12] =	ssyncset.done @!p1 $0x0  }
0x20: {  	s10 =	smov.u32 s14;
	s9 =	smov.u32 s13;
	[sflag:s12] =	ssyncadd.s32 @!p1 $0xFFFFE000  }
.LBB1_1:
0x21: {  	p1 =	sge.u32 s10, s6  }
0x22: {  	s12 =	sand.u32 @!p1 $0x1FFFFFF, s9  }
0x23: {  	s13 =	smulhi.u32 @!p1 $0x147AE15, s12;
	_ =	sdelay $0x1  }
0x24: {  	s13 =	sshrl.u32 @!p1 s13, $0xA  }
0x25: {  	s13 =	smul.u32 @!p1 $0x32000, s13;
	_ =	sdelay $0x1  }
0x26: {  	s31 =	sadd.s32 $0xFFFFFFFF, s10;
	s14 =	sxor.u32 @!p1 $0xFFFFFFFF, s10;
	s12 =	ssub.s32 @!p1 s12, s13  }
0x27: {  	s15 =	simm.s32 @!p1 $0x80;
	s14 =	sshll.u32 @!p1 s14, $0xD;
	s12 =	sshll.u32 @!p1 s12, $0x4  }
0x28: {  	s13 =	sand.u32 @!p1 $0x2000, s14;
	s14 =	simm.s32 @!p1 $0x40;
	s12 =	sadd.s32 @!p1 s4, s12  }
0x29: {  	[tilespmem:s13], [sflag:$0x1] =	stream.strided.gather @!p1 [hbm4b:s12+s14], $0x2000, s15, s14, $0x38;
	[tilespmem:$0x8080] =	vst v63  }
0x2a: {  	p1 =	sge.u32 s31, s6  }
.Ltmp2:
0x2b: {  	_ = 	snop;
	(pc) =	sbr.rel @p1 .LBB1_5-.Ltmp2, $1  }
0x2c: {  	_ =	sdelay $0x3  }
0x2d: {  	s12 =	simm.s32 $0x1  }
0x2e: {  	_ =	swait.ge [sflag:s5], $0x2000;
	s12 =	simm.s32 @!p0 $0x0  }
0x2f: {  	[sflag:s5] =	ssyncset.done $0x0;
	s13 =	sshll.u32 s12, $0xD  }
0x30: {  	[sflag:s5] =	ssyncadd.s32 $0xFFFFE000;
	s16 =	sor.u32 $0x20, s13  }
0x31: {  	s12 =	smul.u32 $0x8100, s12;
	v3 =	vld [tilespmem:s16+$0x10]  }
0x32: {  	s30 =	sand.u32 $0x1, s10;
	v2 =	vld [tilespmem:s16+$0xFFFFFFF0]  }
0x33: {  	s13 =	smul.u32 $0x8100, s30;
	s12 =	sshrl.u32 s12, $0x2;
	v0 =	vld [tilespmem:s16+$0x0]  }
0x34: {  	v1 =	vld [tilespmem:s16+$0xFFFFFFE0];
	s14 =	sor.u32 $0x4000, s12  }
0x35: {  	s31 =	sshrl.u32 s13, $0x2;
	s13 =	sadd.s32 $0x0, s14  }
0x36: {  	s15 =	simm.s32 $0x4;
	s16 =	sadd.s32 $0x40, s16;
	s12 =	sor.u32 $0x4000, s31;
	[tilespmem:s13+$0x1830 ss:$0x81] =	vst.msk $0xffff, v3  }
.LBB1_3:
0x37: {  	v3 =	vld [tilespmem:s16+$0x10];
	p1 =	sne.s32 s15, $0x1FC;
	[tilespmem:s13+$0x810 ss:$0x81] =	vst.msk $0xffff, v2;
	s17 =	smov.u32 s15;
	s15 =	sadd.s32 $0x4, s15  }
.Ltmp3:
0x38: {  	v2 =	vld [tilespmem:s16+$0xFFFFFFF0];
	[tilespmem:s13+$0x1020 ss:$0x81] =	vst.msk $0xffff, v0;
	(pc) =	sbr.rel @p1 .LBB1_3-.Ltmp3, $4  }
0x39: {  	v0 =	vld [tilespmem:s16+$0x0];
	[tilespmem:s13+$0x0 ss:$0x81] =	vst.msk $0xffff, v1  }
0x3a: {  	s13 =	sshra.s32 s17, $0x2;
	v1 =	vld [tilespmem:s16+$0xFFFFFFE0]  }
0x3b: {  	s13 =	sadd.s32 s13, s14  }
0x3c: {  	s16 =	sadd.s32 $0x40, s16;
	[tilespmem:s13+$0x1830 ss:$0x81] =	vst.msk $0xffff, v3  }
.Ltmp4:
0x3d: {  	_ = 	snop;
	(pc) =	sbr.rel .LBB1_4-.Ltmp4, $1  }
0x3e: {  	_ =	sdelay $0x3  }
.LBB1_6:
0x3f: {  	_ =	sfence.sel $0x180000  }
0x40: {  	s2 =	simm.s32 $0x1;
	[bflag:$0x0] =	sbarrier.arrive $0xFFFF  }
0x41: {  	s31 =	simm.s32 $0x2;
	[sflag:s2] =	ssyncpa.u1 $0x1  }
0x42: {  	[sflag:s31] =	ssyncpa.u1 $0x1  }
0x43: {  	p0 =	sne.s32 s0, $0x0;
	_ =	strace $0x9000004A  }
0x44: {  	s0 =	sadd.s32 @!p0 $0x100000, s1;
	[bflag:$0x2] =	sbarrier.arrive $0xFFFF  }
0x45: {  	[sflag:s0] =	ssyncadd.tile.s32 @!p0 $0x1;
	_ =	shalt  }
.Lfunc_end1:
_tile_overlayer_lowered:
.L_overlay_start_2:
0x46: {  	(tag) =	ssettag $0x2  }
0x47: {  	s0 =	rddreg [dreg:$0x0];
	s2 =	stileid.u32  }
0x48: {  	s1 =	rddreg [dreg:$0x1];
	p0 =	sne.s32 s2, $0x0  }
0x49: {  	s3 =	rddreg [dreg:$0x2];
	[bflag:$0x3] =	sbarrier.arrive $0xFFFF;
	s2 =	simm.s32 @!p0 $0x1C01  }
0x4a: {  	[timem:s3], [sflag:s2] =	dma.local @!p0 [hbm:s0], s1  }
0x4b: {  	s0 =	simm.s32 @!p0 $0x1  }
0x4c: {  	_ =	swait.ge @!p0 [sflag:s0], s1  }
0x4d: {  	s1 =	ssub.s32 @!p0 $0x0, s1;
	[sflag:s0] =	ssyncset.done @!p0 $0x0  }
0x4e: {  	[sflag:s0] =	ssyncadd.s32 @!p0 s1  }
0x4f: {  	[bflag:$0x3] =	sbarrier.arrive $0xFFFF  }
0x50: {  	_ =	shalt  }

</sc_bundles>
